<compile_context>
chip_gen: v7x
topology: tpu7x:2x2x1
jax: 0.10.2.dev20260603
libtpu: 0.0.44.dev20260713+nightly
codegen_flags: <defaults>
</compile_context>

<pallas_src>
import functools

import jax
import jax.numpy as jnp
from jax import lax
from jax.experimental import pallas as pl
from jax.experimental.pallas import tpu as pltpu
from jax.experimental.pallas import tpu_sc as plsc

_EMB = 32
_NCAT = 100
_CATPAD = 128
_LANES = 16
_GRP = 16


@functools.cache
def _make_sc_gather(vocab_rows: int, emb: int, batch: int):
  info = plsc.get_sparse_core_info()
  nw = info.num_cores * info.num_subcores
  b_per_w = batch // nw
  n_grp = b_per_w // _GRP
  assert b_per_w * nw == batch and n_grp * _GRP == b_per_w

  mesh = plsc.VectorSubcoreMesh(core_axis_name="c", subcore_axis_name="s")

  n_slot = _GRP
  rows_cap = 128
  grp_per_flush = rows_cap // _GRP

  @functools.partial(
      pl.kernel,
      out_type=jax.ShapeDtypeStruct((emb, batch), jnp.float32),
      mesh=mesh,
      scratch_types=[
          pltpu.VMEM((b_per_w + _GRP,), jnp.int32),
          pltpu.VMEM((n_slot, emb, 128), jnp.float32),
          pltpu.VMEM((emb, rows_cap), jnp.float32),
          pltpu.SemaphoreType.DMA((n_slot,)),
      ],
      compiler_params=pltpu.CompilerParams(needs_layout_passes=False),
  )
  def gather(table_hbm, idx_hbm, out_hbm, idx_v, stk_v, cols_v, sems):
    wid = lax.axis_index("s") * info.num_cores + lax.axis_index("c")
    pltpu.sync_copy(
        idx_hbm.at[pl.ds(wid * b_per_w, b_per_w)],
        idx_v.at[pl.ds(0, b_per_w)])

    iota0 = lax.iota(jnp.int32, _LANES)
    iota1 = iota0 + _LANES

    def issue(k, base):
      off = pl.multiple_of(base[k], 128)
      pltpu.async_copy(
          table_hbm.at[:, pl.ds(off, 128)], stk_v.at[k], sems.at[k])

    v0 = idx_v[pl.ds(0, _GRP)]
    base0 = v0 - (v0 & 127)
    for k in range(n_slot):
      issue(k, base0)

    def group(g, _):
      v = idx_v[pl.ds(g * _GRP, _GRP)]
      col = v & 127
      vn = idx_v[pl.ds((g + 1) * _GRP, _GRP)]
      base_n = vn - (vn & 127)
      for k in range(n_slot):
        pltpu.make_async_copy(
            table_hbm.at[:, pl.ds(0, 128)], stk_v.at[k], sems.at[k]).wait()
        ck = jnp.full((_LANES,), col[k], jnp.int32)
        dst = jnp.full((_LANES,), lax.rem(g, grp_per_flush) * _GRP + k,
                       jnp.int32)
        lo = plsc.load_gather(stk_v.at[k], [iota0, ck])
        hi = plsc.load_gather(stk_v.at[k], [iota1, ck])
        plsc.store_scatter(cols_v, [iota0, dst], lo)
        plsc.store_scatter(cols_v, [iota1, dst], hi)

        @pl.when(g + 1 < n_grp)
        def _():
          issue(k, base_n)

      @pl.when(lax.rem(g, grp_per_flush) == grp_per_flush - 1)
      def _():
        col_base = pl.multiple_of(
            wid * b_per_w + (g + 1 - grp_per_flush) * _GRP, 128)
        pltpu.sync_copy(cols_v, out_hbm.at[:, pl.ds(col_base, rows_cap)])

      return 0

    lax.fori_loop(0, n_grp, group, 0)

  return gather


def _fnn_body(emb_ref, price_ref, cat_ref, w1a_ref, w1p_ref, w1c_ref,
              b1_ref, w2_ref, b2_ref, out_ref):
  bs = emb_ref.shape[1]
  cat = cat_ref[...]
  oh_t = (cat == lax.broadcasted_iota(jnp.int32, (_CATPAD, bs), 0)).astype(
      jnp.float32)
  dn = (((0,), (0,)), ((), ()))
  x = lax.dot_general(w1a_ref[...], emb_ref[...], dn,
                      preferred_element_type=jnp.float32)
  x += lax.dot_general(w1c_ref[...], oh_t, dn,
                       preferred_element_type=jnp.float32)
  x += w1p_ref[...] * price_ref[...] + b1_ref[...]
  h = jnp.maximum(x, 0.0)
  out_ref[...] = (
      lax.dot_general(w2_ref[...], h, dn,
                      preferred_element_type=jnp.float32) + b2_ref[...]
  )


def _fnn(emb_t, price_row, cat_row, w1a, w1p_col, w1c, b1_col, w2, b2_col,
         block_cols):
  batch = emb_t.shape[1]
  grid = (batch // block_cols,)
  full = lambda shape: pl.BlockSpec(shape, lambda i: (0, 0))
  return pl.pallas_call(
      _fnn_body,
      grid=grid,
      in_specs=[
          pl.BlockSpec((_EMB, block_cols), lambda i: (0, i)),
          pl.BlockSpec((1, block_cols), lambda i: (0, i)),
          pl.BlockSpec((1, block_cols), lambda i: (0, i)),
          full((_EMB, _EMB)),
          full((_EMB, 1)),
          full((_CATPAD, _EMB)),
          full((_EMB, 1)),
          full((_EMB, _EMB)),
          full((_EMB, 1)),
      ],
      out_specs=pl.BlockSpec((_EMB, block_cols), lambda i: (0, i)),
      out_shape=jax.ShapeDtypeStruct((_EMB, batch), jnp.float32),
  )(emb_t, price_row, cat_row, w1a, w1p_col, w1c, b1_col, w2, b2_col)


def kernel(item_idx, category_idx, price, emb_table, W1, b1, W2, b2):
  batch = item_idx.shape[0]
  emb_t = _make_sc_gather(emb_table.shape[0], _EMB, batch)(
      emb_table.T, item_idx)
  w1a = W1[:_EMB]
  w1p_col = W1[_EMB:_EMB + 1].T
  w1c = jnp.pad(W1[_EMB + 1:], ((0, _CATPAD - _NCAT), (0, 0)))
  out_t = _fnn(
      emb_t,
      price[None, :],
      category_idx[None, :],
      w1a, w1p_col, w1c,
      b1[:, None],
      W2,
      b2[:, None],
      block_cols=2048,
  )
  return out_t.T

# --- scband reference (transcript-rebuilt; emitter-appended) ---
"""Pipeline reference for scband-item-catalog-embedding-8091718386494 (READ-ONLY COPY).

The authoritative reference and input builder live on the scoring server;
editing this copy changes nothing except your own understanding.
"""

import jax, jax.numpy as jnp
import numpy as np

VOCAB = 1000000
EMB = 32
NCAT = 100
B = 16384
D_IN = EMB + 1 + NCAT


def setup_inputs(seed: int = 0) -> dict:
    key = jax.random.key(seed)
    k1, k2, k3, k4, k5, k6 = jax.random.split(key, 6)
    item_idx = jax.random.randint(k1, (B,), 0, VOCAB, dtype=jnp.int32)
    category_idx = jax.random.randint(k2, (B,), 0, NCAT, dtype=jnp.int32)
    price = jax.random.normal(k3, (B,), dtype=jnp.float32)
    # StringLookup maps strings to [0, VOCAB]; Embedding table has VOCAB+1 rows
    emb_table = jax.random.normal(k4, (VOCAB + 1, EMB), dtype=jnp.float32) * 0.02
    W1 = jax.random.normal(k5, (D_IN, EMB), dtype=jnp.float32) * 0.05
    b1 = jnp.zeros((EMB,), dtype=jnp.float32)
    W2 = jax.random.normal(k6, (EMB, EMB), dtype=jnp.float32) * 0.05
    b2 = jnp.zeros((EMB,), dtype=jnp.float32)
    return {"item_idx": item_idx, "category_idx": category_idx, "price": price,
            "emb_table": emb_table, "W1": W1, "b1": b1, "W2": W2, "b2": b2}


def reference(item_idx, category_idx, price, emb_table, W1, b1, W2, b2):
    # item_embedding: StringLookup (pre-tokenized) -> Embedding gather
    item_emb = jnp.take(emb_table, item_idx, axis=0)  # [B, EMB]
    # category one-hot (depth = len(category_list))
    cat_oh = jax.nn.one_hot(category_idx, NCAT, dtype=jnp.float32)  # [B, NCAT]
    # Normalization layer (un-adapted: mean=0, variance=1)
    mean = jnp.float32(0.0)
    var = jnp.float32(1.0)
    price_norm = (price - mean) / jnp.sqrt(var)
    price_norm = jnp.reshape(price_norm, (-1, 1))  # [B, 1]
    concat = jnp.concatenate([item_emb, price_norm, cat_oh], axis=1)  # [B, D_IN]
    h = jax.nn.relu(concat @ W1 + b1)
    out = h @ W2 + b2
    return out

if __name__ == "__main__":
    import jax
    _d = setup_inputs()
    print(jax.jit(kernel)(*tuple(_d.values())))

</pallas_src>

<mosaic_0001>
#map = affine_map<(d0, d1) -> (0, 0)>
#map1 = affine_map<(d0, d1) -> (0)>
module attributes {stable_mosaic.version = 14 : i64} {
  func.func @gather(%arg0: i32, %arg1: i32, %arg2: memref<32x1000001xf32, #tpu.memory_space<hbm>>, %arg3: memref<16384xi32, #tpu.memory_space<hbm>>, %arg4: memref<32x16384xf32, #tpu.memory_space<hbm>>, %arg5: memref<528xi32, #tpu.memory_space<vmem>>, %arg6: memref<16x32x128xf32, #tpu.memory_space<vmem>>, %arg7: memref<32x128xf32, #tpu.memory_space<vmem>>, %arg8: memref<16x!tpu.dma_semaphore, #tpu.memory_space<semaphore_mem>>) attributes {dimension_semantics = [#tpu.dimension_semantics<core_parallel>, #tpu.dimension_semantics<subcore_parallel>], iteration_bounds = array<i64: 2, 16>, scalar_prefetch = 0 : i64, scratch_operands = 4 : i64, tpu.core_type = #tpu.core_type<sc_vector_subcore>, window_params = [{transform_indices = #map}, {transform_indices = #map1}, {transform_indices = #map}]} {
    %mul3A = arith.constant 2 : i32
    %mul3A_0 = arith.muli %arg1, %mul3A : i32
    %add3A = arith.addi %mul3A_0, %arg0 : i32
    %mul3A_1 = arith.constant 512 : i32
    %mul3A_2 = arith.muli %add3A, %mul3A_1 : i32
    "tpu.region"() ({
      %run_scoped3A = tpu.sem_alloc : memref<!tpu.dma_semaphore, #tpu.memory_space<semaphore_mem>>
      %dma_start3A_315 = arith.constant 0 : i32
      %dma_start3A_316 = tpu.memref_slice %arg5[%dma_start3A_315] : memref<528xi32, #tpu.memory_space<vmem>> -> memref<512xi32, #tpu.memory_space<vmem>>
      %dma_start3A_317 = tpu.memref_slice %arg3[%mul3A_2] : memref<16384xi32, #tpu.memory_space<hbm>> -> memref<512xi32, #tpu.memory_space<hbm>>
      %dma_start3A_318 = arith.constant 0 : i32
      %dma_start3A_319 = tpu.memref_slice %arg5[%dma_start3A_318] : memref<528xi32, #tpu.memory_space<vmem>> -> memref<512xi32, #tpu.memory_space<vmem>>
      %dma_start3A_320 = tpu.memref_slice %arg3[%mul3A_2] : memref<16384xi32, #tpu.memory_space<hbm>> -> memref<512xi32, #tpu.memory_space<hbm>>
      tpu.enqueue_dma source(%dma_start3A_320 : memref<512xi32, #tpu.memory_space<hbm>>) target(%dma_start3A_319 : memref<512xi32, #tpu.memory_space<vmem>>) target_semaphore(%run_scoped3A : memref<!tpu.dma_semaphore, #tpu.memory_space<semaphore_mem>>)
      %dma_wait3A = arith.constant 0 : i32
      %dma_wait3A_321 = tpu.memref_slice %arg5[%dma_wait3A] : memref<528xi32, #tpu.memory_space<vmem>> -> memref<512xi32, #tpu.memory_space<vmem>>
      %dma_wait3A_322 = tpu.memref_slice %arg3[%mul3A_2] : memref<16384xi32, #tpu.memory_space<hbm>> -> memref<512xi32, #tpu.memory_space<hbm>>
      %dma_wait3A_323 = arith.constant 0 : i32
      %dma_wait3A_324 = tpu.memref_slice %arg5[%dma_wait3A_323] : memref<528xi32, #tpu.memory_space<vmem>> -> memref<512xi32, #tpu.memory_space<vmem>>
      %dma_wait3A_325 = tpu.memref_slice %arg3[%mul3A_2] : memref<16384xi32, #tpu.memory_space<hbm>> -> memref<512xi32, #tpu.memory_space<hbm>>
      tpu.wait_dma2 semaphore(%run_scoped3A : memref<!tpu.dma_semaphore, #tpu.memory_space<semaphore_mem>>) src(%dma_wait3A_325 : memref<512xi32, #tpu.memory_space<hbm>>) dst(%dma_wait3A_324 : memref<512xi32, #tpu.memory_space<vmem>>)
      tpu.yield
    }) : () -> ()
    %iota3A = tpu.iota {dimensions = array<i32: 0>} : vector<16xi32>
    %add3A_3 = arith.constant 16 : i32
    %add3A_4 = vector.broadcast %add3A_3 : i32 to vector<16xi32>
    %add3A_5 = arith.addi %iota3A, %add3A_4 : vector<16xi32>
    %get3A = arith.constant 0 : index
    %get3A_6 = tpu.vector_load %arg5[%get3A] {strides = array<i32>} : memref<528xi32, #tpu.memory_space<vmem>>, vector<16xi32>,
    %and3A = arith.constant 127 : i32
    %and3A_7 = vector.broadcast %and3A : i32 to vector<16xi32>
    %and3A_8 = arith.andi %get3A_6, %and3A_7 : vector<16xi32>
    %sub3A = arith.subi %get3A_6, %and3A_8 : vector<16xi32>
    %slice3A = vector.extract_strided_slice %sub3A {offsets = [0], sizes = [1], strides = [1]} : vector<16xi32> to vector<1xi32>
    %squeeze3A = vector.extract %slice3A[0] : i32 from vector<1xi32>
    %multiple_of3A = tpu.assume_multiple %squeeze3A, 128 : i32
    %dma_start3A = arith.constant 0 : i32
    %dma_start3A_9 = arith.constant 0 : i32
    %dma_start3A_10 = arith.constant 0 : i32
    %dma_start3A_11 = arith.constant 0 : i32
    %dma_start3A_12 = tpu.memref_slice %arg6[%dma_start3A, %dma_start3A_10, %dma_start3A_11] : memref<16x32x128xf32, #tpu.memory_space<vmem>> -> memref<1x32x128xf32, #tpu.memory_space<vmem>>
    %dma_start3A_13 = tpu.memref_squeeze %dma_start3A_12 : memref<1x32x128xf32, #tpu.memory_space<vmem>> -> memref<32x128xf32, #tpu.memory_space<vmem>>
    %dma_start3A_14 = arith.constant 0 : i32
    %dma_start3A_15 = tpu.memref_slice %arg2[%dma_start3A_14, %multiple_of3A] : memref<32x1000001xf32, #tpu.memory_space<hbm>> -> memref<32x128xf32, #tpu.memory_space<hbm>>
    %dma_start3A_16 = tpu.memref_slice %arg8[%dma_start3A_9] : memref<16x!tpu.dma_semaphore, #tpu.memory_space<semaphore_mem>> -> memref<1x!tpu.dma_semaphore, #tpu.memory_space<semaphore_mem>>
    %dma_start3A_17 = tpu.memref_squeeze %dma_start3A_16 : memref<1x!tpu.dma_semaphore, #tpu.memory_space<semaphore_mem>> -> memref<!tpu.dma_semaphore, #tpu.memory_space<semaphore_mem>>
    %dma_start3A_18 = arith.constant 0 : i32
    %dma_start3A_19 = arith.constant 0 : i32
    %dma_start3A_20 = tpu.memref_slice %arg6[%dma_start3A, %dma_start3A_18, %dma_start3A_19] : memref<16x32x128xf32, #tpu.memory_space<vmem>> -> memref<1x32x128xf32, #tpu.memory_space<vmem>>
    %dma_start3A_21 = tpu.memref_squeeze %dma_start3A_20 : memref<1x32x128xf32, #tpu.memory_space<vmem>> -> memref<32x128xf32, #tpu.memory_space<vmem>>
    %dma_start3A_22 = arith.constant 0 : i32
    %dma_start3A_23 = tpu.memref_slice %arg2[%dma_start3A_22, %multiple_of3A] : memref<32x1000001xf32, #tpu.memory_space<hbm>> -> memref<32x128xf32, #tpu.memory_space<hbm>>
    tpu.enqueue_dma source(%dma_start3A_23 : memref<32x128xf32, #tpu.memory_space<hbm>>) target(%dma_start3A_21 : memref<32x128xf32, #tpu.memory_space<vmem>>) target_semaphore(%dma_start3A_17 : memref<!tpu.dma_semaphore, #tpu.memory_space<semaphore_mem>>)
    %slice3A_24 = vector.extract_strided_slice %sub3A {offsets = [1], sizes = [1], strides = [1]} : vector<16xi32> to vector<1xi32>
    %squeeze3A_25 = vector.extract %slice3A_24[0] : i32 from vector<1xi32>
    %multiple_of3A_26 = tpu.assume_multiple %squeeze3A_25, 128 : i32
    %dma_start3A_27 = arith.constant 1 : i32
    %dma_start3A_28 = arith.constant 1 : i32
    %dma_start3A_29 = arith.constant 0 : i32
    %dma_start3A_30 = arith.constant 0 : i32
    %dma_start3A_31 = tpu.memref_slice %arg6[%dma_start3A_27, %dma_start3A_29, %dma_start3A_30] : memref<16x32x128xf32, #tpu.memory_space<vmem>> -> memref<1x32x128xf32, #tpu.memory_space<vmem>>
    %dma_start3A_32 = tpu.memref_squeeze %dma_start3A_31 : memref<1x32x128xf32, #tpu.memory_space<vmem>> -> memref<32x128xf32, #tpu.memory_space<vmem>>
    %dma_start3A_33 = arith.constant 0 : i32
    %dma_start3A_34 = tpu.memref_slice %arg2[%dma_start3A_33, %multiple_of3A_26] : memref<32x1000001xf32, #tpu.memory_space<hbm>> -> memref<32x128xf32, #tpu.memory_space<hbm>>
    %dma_start3A_35 = tpu.memref_slice %arg8[%dma_start3A_28] : memref<16x!tpu.dma_semaphore, #tpu.memory_space<semaphore_mem>> -> memref<1x!tpu.dma_semaphore, #tpu.memory_space<semaphore_mem>>
    %dma_start3A_36 = tpu.memref_squeeze %dma_start3A_35 : memref<1x!tpu.dma_semaphore, #tpu.memory_space<semaphore_mem>> -> memref<!tpu.dma_semaphore, #tpu.memory_space<semaphore_mem>>
    %dma_start3A_37 = arith.constant 0 : i32
    %dma_start3A_38 = arith.constant 0 : i32
    %dma_start3A_39 = tpu.memref_slice %arg6[%dma_start3A_27, %dma_start3A_37, %dma_start3A_38] : memref<16x32x128xf32, #tpu.memory_space<vmem>> -> memref<1x32x128xf32, #tpu.memory_space<vmem>>
    %dma_start3A_40 = tpu.memref_squeeze %dma_start3A_39 : memref<1x32x128xf32, #tpu.memory_space<vmem>> -> memref<32x128xf32, #tpu.memory_space<vmem>>
    %dma_start3A_41 = arith.constant 0 : i32
    %dma_start3A_42 = tpu.memref_slice %arg2[%dma_start3A_41, %multiple_of3A_26] : memref<32x1000001xf32, #tpu.memory_space<hbm>> -> memref<32x128xf32, #tpu.memory_space<hbm>>
    tpu.enqueue_dma source(%dma_start3A_42 : memref<32x128xf32, #tpu.memory_space<hbm>>) target(%dma_start3A_40 : memref<32x128xf32, #tpu.memory_space<vmem>>) target_semaphore(%dma_start3A_36 : memref<!tpu.dma_semaphore, #tpu.memory_space<semaphore_mem>>)
    %slice3A_43 = vector.extract_strided_slice %sub3A {offsets = [2], sizes = [1], strides = [1]} : vector<16xi32> to vector<1xi32>
    %squeeze3A_44 = vector.extract %slice3A_43[0] : i32 from vector<1xi32>
    %multiple_of3A_45 = tpu.assume_multiple %squeeze3A_44, 128 : i32
    %dma_start3A_46 = arith.constant 2 : i32
    %dma_start3A_47 = arith.constant 2 : i32
    %dma_start3A_48 = arith.constant 0 : i32
    %dma_start3A_49 = arith.constant 0 : i32
    %dma_start3A_50 = tpu.memref_slice %arg6[%dma_start3A_46, %dma_start3A_48, %dma_start3A_49] : memref<16x32x128xf32, #tpu.memory_space<vmem>> -> memref<1x32x128xf32, #tpu.memory_space<vmem>>
    %dma_start3A_51 = tpu.memref_squeeze %dma_start3A_50 : memref<1x32x128xf32, #tpu.memory_space<vmem>> -> memref<32x128xf32, #tpu.memory_space<vmem>>
    %dma_start3A_52 = arith.constant 0 : i32
    %dma_start3A_53 = tpu.memref_slice %arg2[%dma_start3A_52, %multiple_of3A_45] : memref<32x1000001xf32, #tpu.memory_space<hbm>> -> memref<32x128xf32, #tpu.memory_space<hbm>>
    %dma_start3A_54 = tpu.memref_slice %arg8[%dma_start3A_47] : memref<16x!tpu.dma_semaphore, #tpu.memory_space<semaphore_mem>> -> memref<1x!tpu.dma_semaphore, #tpu.memory_space<semaphore_mem>>
    %dma_start3A_55 = tpu.memref_squeeze %dma_start3A_54 : memref<1x!tpu.dma_semaphore, #tpu.memory_space<semaphore_mem>> -> memref<!tpu.dma_semaphore, #tpu.memory_space<semaphore_mem>>
    %dma_start3A_56 = arith.constant 0 : i32
    %dma_start3A_57 = arith.constant 0 : i32
    %dma_start3A_58 = tpu.memref_slice %arg6[%dma_start3A_46, %dma_start3A_56, %dma_start3A_57] : memref<16x32x128xf32, #tpu.memory_space<vmem>> -> memref<1x32x128xf32, #tpu.memory_space<vmem>>
    %dma_start3A_59 = tpu.memref_squeeze %dma_start3A_58 : memref<1x32x128xf32, #tpu.memory_space<vmem>> -> memref<32x128xf32, #tpu.memory_space<vmem>>
    %dma_start3A_60 = arith.constant 0 : i32
    %dma_start3A_61 = tpu.memref_slice %arg2[%dma_start3A_60, %multiple_of3A_45] : memref<32x1000001xf32, #tpu.memory_space<hbm>> -> memref<32x128xf32, #tpu.memory_space<hbm>>
    tpu.enqueue_dma source(%dma_start3A_61 : memref<32x128xf32, #tpu.memory_space<hbm>>) target(%dma_start3A_59 : memref<32x128xf32, #tpu.memory_space<vmem>>) target_semaphore(%dma_start3A_55 : memref<!tpu.dma_semaphore, #tpu.memory_space<semaphore_mem>>)
    %slice3A_62 = vector.extract_strided_slice %sub3A {offsets = [3], sizes = [1], strides = [1]} : vector<16xi32> to vector<1xi32>
    %squeeze3A_63 = vector.extract %slice3A_62[0] : i32 from vector<1xi32>
    %multiple_of3A_64 = tpu.assume_multiple %squeeze3A_63, 128 : i32
    %dma_start3A_65 = arith.constant 3 : i32
    %dma_start3A_66 = arith.constant 3 : i32
    %dma_start3A_67 = arith.constant 0 : i32
    %dma_start3A_68 = arith.constant 0 : i32
    %dma_start3A_69 = tpu.memref_slice %arg6[%dma_start3A_65, %dma_start3A_67, %dma_start3A_68] : memref<16x32x128xf32, #tpu.memory_space<vmem>> -> memref<1x32x128xf32, #tpu.memory_space<vmem>>
    %dma_start3A_70 = tpu.memref_squeeze %dma_start3A_69 : memref<1x32x128xf32, #tpu.memory_space<vmem>> -> memref<32x128xf32, #tpu.memory_space<vmem>>
    %dma_start3A_71 = arith.constant 0 : i32
    %dma_start3A_72 = tpu.memref_slice %arg2[%dma_start3A_71, %multiple_of3A_64] : memref<32x1000001xf32, #tpu.memory_space<hbm>> -> memref<32x128xf32, #tpu.memory_space<hbm>>
    %dma_start3A_73 = tpu.memref_slice %arg8[%dma_start3A_66] : memref<16x!tpu.dma_semaphore, #tpu.memory_space<semaphore_mem>> -> memref<1x!tpu.dma_semaphore, #tpu.memory_space<semaphore_mem>>
    %dma_start3A_74 = tpu.memref_squeeze %dma_start3A_73 : memref<1x!tpu.dma_semaphore, #tpu.memory_space<semaphore_mem>> -> memref<!tpu.dma_semaphore, #tpu.memory_space<semaphore_mem>>
    %dma_start3A_75 = arith.constant 0 : i32
    %dma_start3A_76 = arith.constant 0 : i32
    %dma_start3A_77 = tpu.memref_slice %arg6[%dma_start3A_65, %dma_start3A_75, %dma_start3A_76] : memref<16x32x128xf32, #tpu.memory_space<vmem>> -> memref<1x32x128xf32, #tpu.memory_space<vmem>>
    %dma_start3A_78 = tpu.memref_squeeze %dma_start3A_77 : memref<1x32x128xf32, #tpu.memory_space<vmem>> -> memref<32x128xf32, #tpu.memory_space<vmem>>
    %dma_start3A_79 = arith.constant 0 : i32
    %dma_start3A_80 = tpu.memref_slice %arg2[%dma_start3A_79, %multiple_of3A_64] : memref<32x1000001xf32, #tpu.memory_space<hbm>> -> memref<32x128xf32, #tpu.memory_space<hbm>>
    tpu.enqueue_dma source(%dma_start3A_80 : memref<32x128xf32, #tpu.memory_space<hbm>>) target(%dma_start3A_78 : memref<32x128xf32, #tpu.memory_space<vmem>>) target_semaphore(%dma_start3A_74 : memref<!tpu.dma_semaphore, #tpu.memory_space<semaphore_mem>>)
    %slice3A_81 = vector.extract_strided_slice %sub3A {offsets = [4], sizes = [1], strides = [1]} : vector<16xi32> to vector<1xi32>
    %squeeze3A_82 = vector.extract %slice3A_81[0] : i32 from vector<1xi32>
    %multiple_of3A_83 = tpu.assume_multiple %squeeze3A_82, 128 : i32
    %dma_start3A_84 = arith.constant 4 : i32
    %dma_start3A_85 = arith.constant 4 : i32
    %dma_start3A_86 = arith.constant 0 : i32
    %dma_start3A_87 = arith.constant 0 : i32
    %dma_start3A_88 = tpu.memref_slice %arg6[%dma_start3A_84, %dma_start3A_86, %dma_start3A_87] : memref<16x32x128xf32, #tpu.memory_space<vmem>> -> memref<1x32x128xf32, #tpu.memory_space<vmem>>
    %dma_start3A_89 = tpu.memref_squeeze %dma_start3A_88 : memref<1x32x128xf32, #tpu.memory_space<vmem>> -> memref<32x128xf32, #tpu.memory_space<vmem>>
    %dma_start3A_90 = arith.constant 0 : i32
    %dma_start3A_91 = tpu.memref_slice %arg2[%dma_start3A_90, %multiple_of3A_83] : memref<32x1000001xf32, #tpu.memory_space<hbm>> -> memref<32x128xf32, #tpu.memory_space<hbm>>
    %dma_start3A_92 = tpu.memref_slice %arg8[%dma_start3A_85] : memref<16x!tpu.dma_semaphore, #tpu.memory_space<semaphore_mem>> -> memref<1x!tpu.dma_semaphore, #tpu.memory_space<semaphore_mem>>
    %dma_start3A_93 = tpu.memref_squeeze %dma_start3A_92 : memref<1x!tpu.dma_semaphore, #tpu.memory_space<semaphore_mem>> -> memref<!tpu.dma_semaphore, #tpu.memory_space<semaphore_mem>>
    %dma_start3A_94 = arith.constant 0 : i32
    %dma_start3A_95 = arith.constant 0 : i32
    %dma_start3A_96 = tpu.memref_slice %arg6[%dma_start3A_84, %dma_start3A_94, %dma_start3A_95] : memref<16x32x128xf32, #tpu.memory_space<vmem>> -> memref<1x32x128xf32, #tpu.memory_space<vmem>>
    %dma_start3A_97 = tpu.memref_squeeze %dma_start3A_96 : memref<1x32x128xf32, #tpu.memory_space<vmem>> -> memref<32x128xf32, #tpu.memory_space<vmem>>
    %dma_start3A_98 = arith.constant 0 : i32
    %dma_start3A_99 = tpu.memref_slice %arg2[%dma_start3A_98, %multiple_of3A_83] : memref<32x1000001xf32, #tpu.memory_space<hbm>> -> memref<32x128xf32, #tpu.memory_space<hbm>>
    tpu.enqueue_dma source(%dma_start3A_99 : memref<32x128xf32, #tpu.memory_space<hbm>>) target(%dma_start3A_97 : memref<32x128xf32, #tpu.memory_space<vmem>>) target_semaphore(%dma_start3A_93 : memref<!tpu.dma_semaphore, #tpu.memory_space<semaphore_mem>>)
    %slice3A_100 = vector.extract_strided_slice %sub3A {offsets = [5], sizes = [1], strides = [1]} : vector<16xi32> to vector<1xi32>
    %squeeze3A_101 = vector.extract %slice3A_100[0] : i32 from vector<1xi32>
    %multiple_of3A_102 = tpu.assume_multiple %squeeze3A_101, 128 : i32
    %dma_start3A_103 = arith.constant 5 : i32
    %dma_start3A_104 = arith.constant 5 : i32
    %dma_start3A_105 = arith.constant 0 : i32
    %dma_start3A_106 = arith.constant 0 : i32
    %dma_start3A_107 = tpu.memref_slice %arg6[%dma_start3A_103, %dma_start3A_105, %dma_start3A_106] : memref<16x32x128xf32, #tpu.memory_space<vmem>> -> memref<1x32x128xf32, #tpu.memory_space<vmem>>
    %dma_start3A_108 = tpu.memref_squeeze %dma_start3A_107 : memref<1x32x128xf32, #tpu.memory_space<vmem>> -> memref<32x128xf32, #tpu.memory_space<vmem>>
    %dma_start3A_109 = arith.constant 0 : i32
    %dma_start3A_110 = tpu.memref_slice %arg2[%dma_start3A_109, %multiple_of3A_102] : memref<32x1000001xf32, #tpu.memory_space<hbm>> -> memref<32x128xf32, #tpu.memory_space<hbm>>
    %dma_start3A_111 = tpu.memref_slice %arg8[%dma_start3A_104] : memref<16x!tpu.dma_semaphore, #tpu.memory_space<semaphore_mem>> -> memref<1x!tpu.dma_semaphore, #tpu.memory_space<semaphore_mem>>
    %dma_start3A_112 = tpu.memref_squeeze %dma_start3A_111 : memref<1x!tpu.dma_semaphore, #tpu.memory_space<semaphore_mem>> -> memref<!tpu.dma_semaphore, #tpu.memory_space<semaphore_mem>>
    %dma_start3A_113 = arith.constant 0 : i32
    %dma_start3A_114 = arith.constant 0 : i32
    %dma_start3A_115 = tpu.memref_slice %arg6[%dma_start3A_103, %dma_start3A_113, %dma_start3A_114] : memref<16x32x128xf32, #tpu.memory_space<vmem>> -> memref<1x32x128xf32, #tpu.memory_space<vmem>>
    %dma_start3A_116 = tpu.memref_squeeze %dma_start3A_115 : memref<1x32x128xf32, #tpu.memory_space<vmem>> -> memref<32x128xf32, #tpu.memory_space<vmem>>
    %dma_start3A_117 = arith.constant 0 : i32
    %dma_start3A_118 = tpu.memref_slice %arg2[%dma_start3A_117, %multiple_of3A_102] : memref<32x1000001xf32, #tpu.memory_space<hbm>> -> memref<32x128xf32, #tpu.memory_space<hbm>>
    tpu.enqueue_dma source(%dma_start3A_118 : memref<32x128xf32, #tpu.memory_space<hbm>>) target(%dma_start3A_116 : memref<32x128xf32, #tpu.memory_space<vmem>>) target_semaphore(%dma_start3A_112 : memref<!tpu.dma_semaphore, #tpu.memory_space<semaphore_mem>>)
    %slice3A_119 = vector.extract_strided_slice %sub3A {offsets = [6], sizes = [1], strides = [1]} : vector<16xi32> to vector<1xi32>
    %squeeze3A_120 = vector.extract %slice3A_119[0] : i32 from vector<1xi32>
    %multiple_of3A_121 = tpu.assume_multiple %squeeze3A_120, 128 : i32
    %dma_start3A_122 = arith.constant 6 : i32
    %dma_start3A_123 = arith.constant 6 : i32
    %dma_start3A_124 = arith.constant 0 : i32
    %dma_start3A_125 = arith.constant 0 : i32
    %dma_start3A_126 = tpu.memref_slice %arg6[%dma_start3A_122, %dma_start3A_124, %dma_start3A_125] : memref<16x32x128xf32, #tpu.memory_space<vmem>> -> memref<1x32x128xf32, #tpu.memory_space<vmem>>
    %dma_start3A_127 = tpu.memref_squeeze %dma_start3A_126 : memref<1x32x128xf32, #tpu.memory_space<vmem>> -> memref<32x128xf32, #tpu.memory_space<vmem>>
    %dma_start3A_128 = arith.constant 0 : i32
    %dma_start3A_129 = tpu.memref_slice %arg2[%dma_start3A_128, %multiple_of3A_121] : memref<32x1000001xf32, #tpu.memory_space<hbm>> -> memref<32x128xf32, #tpu.memory_space<hbm>>
    %dma_start3A_130 = tpu.memref_slice %arg8[%dma_start3A_123] : memref<16x!tpu.dma_semaphore, #tpu.memory_space<semaphore_mem>> -> memref<1x!tpu.dma_semaphore, #tpu.memory_space<semaphore_mem>>
    %dma_start3A_131 = tpu.memref_squeeze %dma_start3A_130 : memref<1x!tpu.dma_semaphore, #tpu.memory_space<semaphore_mem>> -> memref<!tpu.dma_semaphore, #tpu.memory_space<semaphore_mem>>
    %dma_start3A_132 = arith.constant 0 : i32
    %dma_start3A_133 = arith.constant 0 : i32
    %dma_start3A_134 = tpu.memref_slice %arg6[%dma_start3A_122, %dma_start3A_132, %dma_start3A_133] : memref<16x32x128xf32, #tpu.memory_space<vmem>> -> memref<1x32x128xf32, #tpu.memory_space<vmem>>
    %dma_start3A_135 = tpu.memref_squeeze %dma_start3A_134 : memref<1x32x128xf32, #tpu.memory_space<vmem>> -> memref<32x128xf32, #tpu.memory_space<vmem>>
    %dma_start3A_136 = arith.constant 0 : i32
    %dma_start3A_137 = tpu.memref_slice %arg2[%dma_start3A_136, %multiple_of3A_121] : memref<32x1000001xf32, #tpu.memory_space<hbm>> -> memref<32x128xf32, #tpu.memory_space<hbm>>
    tpu.enqueue_dma source(%dma_start3A_137 : memref<32x128xf32, #tpu.memory_space<hbm>>) target(%dma_start3A_135 : memref<32x128xf32, #tpu.memory_space<vmem>>) target_semaphore(%dma_start3A_131 : memref<!tpu.dma_semaphore, #tpu.memory_space<semaphore_mem>>)
    %slice3A_138 = vector.extract_strided_slice %sub3A {offsets = [7], sizes = [1], strides = [1]} : vector<16xi32> to vector<1xi32>
    %squeeze3A_139 = vector.extract %slice3A_138[0] : i32 from vector<1xi32>
    %multiple_of3A_140 = tpu.assume_multiple %squeeze3A_139, 128 : i32
    %dma_start3A_141 = arith.constant 7 : i32
    %dma_start3A_142 = arith.constant 7 : i32
    %dma_start3A_143 = arith.constant 0 : i32
    %dma_start3A_144 = arith.constant 0 : i32
    %dma_start3A_145 = tpu.memref_slice %arg6[%dma_start3A_141, %dma_start3A_143, %dma_start3A_144] : memref<16x32x128xf32, #tpu.memory_space<vmem>> -> memref<1x32x128xf32, #tpu.memory_space<vmem>>
    %dma_start3A_146 = tpu.memref_squeeze %dma_start3A_145 : memref<1x32x128xf32, #tpu.memory_space<vmem>> -> memref<32x128xf32, #tpu.memory_space<vmem>>
    %dma_start3A_147 = arith.constant 0 : i32
    %dma_start3A_148 = tpu.memref_slice %arg2[%dma_start3A_147, %multiple_of3A_140] : memref<32x1000001xf32, #tpu.memory_space<hbm>> -> memref<32x128xf32, #tpu.memory_space<hbm>>
    %dma_start3A_149 = tpu.memref_slice %arg8[%dma_start3A_142] : memref<16x!tpu.dma_semaphore, #tpu.memory_space<semaphore_mem>> -> memref<1x!tpu.dma_semaphore, #tpu.memory_space<semaphore_mem>>
    %dma_start3A_150 = tpu.memref_squeeze %dma_start3A_149 : memref<1x!tpu.dma_semaphore, #tpu.memory_space<semaphore_mem>> -> memref<!tpu.dma_semaphore, #tpu.memory_space<semaphore_mem>>
    %dma_start3A_151 = arith.constant 0 : i32
    %dma_start3A_152 = arith.constant 0 : i32
    %dma_start3A_153 = tpu.memref_slice %arg6[%dma_start3A_141, %dma_start3A_151, %dma_start3A_152] : memref<16x32x128xf32, #tpu.memory_space<vmem>> -> memref<1x32x128xf32, #tpu.memory_space<vmem>>
    %dma_start3A_154 = tpu.memref_squeeze %dma_start3A_153 : memref<1x32x128xf32, #tpu.memory_space<vmem>> -> memref<32x128xf32, #tpu.memory_space<vmem>>
    %dma_start3A_155 = arith.constant 0 : i32
    %dma_start3A_156 = tpu.memref_slice %arg2[%dma_start3A_155, %multiple_of3A_140] : memref<32x1000001xf32, #tpu.memory_space<hbm>> -> memref<32x128xf32, #tpu.memory_space<hbm>>
    tpu.enqueue_dma source(%dma_start3A_156 : memref<32x128xf32, #tpu.memory_space<hbm>>) target(%dma_start3A_154 : memref<32x128xf32, #tpu.memory_space<vmem>>) target_semaphore(%dma_start3A_150 : memref<!tpu.dma_semaphore, #tpu.memory_space<semaphore_mem>>)
    %slice3A_157 = vector.extract_strided_slice %sub3A {offsets = [8], sizes = [1], strides = [1]} : vector<16xi32> to vector<1xi32>
    %squeeze3A_158 = vector.extract %slice3A_157[0] : i32 from vector<1xi32>
    %multiple_of3A_159 = tpu.assume_multiple %squeeze3A_158, 128 : i32
    %dma_start3A_160 = arith.constant 8 : i32
    %dma_start3A_161 = arith.constant 8 : i32
    %dma_start3A_162 = arith.constant 0 : i32
    %dma_start3A_163 = arith.constant 0 : i32
    %dma_start3A_164 = tpu.memref_slice %arg6[%dma_start3A_160, %dma_start3A_162, %dma_start3A_163] : memref<16x32x128xf32, #tpu.memory_space<vmem>> -> memref<1x32x128xf32, #tpu.memory_space<vmem>>
    %dma_start3A_165 = tpu.memref_squeeze %dma_start3A_164 : memref<1x32x128xf32, #tpu.memory_space<vmem>> -> memref<32x128xf32, #tpu.memory_space<vmem>>
    %dma_start3A_166 = arith.constant 0 : i32
    %dma_start3A_167 = tpu.memref_slice %arg2[%dma_start3A_166, %multiple_of3A_159] : memref<32x1000001xf32, #tpu.memory_space<hbm>> -> memref<32x128xf32, #tpu.memory_space<hbm>>
    %dma_start3A_168 = tpu.memref_slice %arg8[%dma_start3A_161] : memref<16x!tpu.dma_semaphore, #tpu.memory_space<semaphore_mem>> -> memref<1x!tpu.dma_semaphore, #tpu.memory_space<semaphore_mem>>
    %dma_start3A_169 = tpu.memref_squeeze %dma_start3A_168 : memref<1x!tpu.dma_semaphore, #tpu.memory_space<semaphore_mem>> -> memref<!tpu.dma_semaphore, #tpu.memory_space<semaphore_mem>>
    %dma_start3A_170 = arith.constant 0 : i32
    %dma_start3A_171 = arith.constant 0 : i32
    %dma_start3A_172 = tpu.memref_slice %arg6[%dma_start3A_160, %dma_start3A_170, %dma_start3A_171] : memref<16x32x128xf32, #tpu.memory_space<vmem>> -> memref<1x32x128xf32, #tpu.memory_space<vmem>>
    %dma_start3A_173 = tpu.memref_squeeze %dma_start3A_172 : memref<1x32x128xf32, #tpu.memory_space<vmem>> -> memref<32x128xf32, #tpu.memory_space<vmem>>
    %dma_start3A_174 = arith.constant 0 : i32
    %dma_start3A_175 = tpu.memref_slice %arg2[%dma_start3A_174, %multiple_of3A_159] : memref<32x1000001xf32, #tpu.memory_space<hbm>> -> memref<32x128xf32, #tpu.memory_space<hbm>>
    tpu.enqueue_dma source(%dma_start3A_175 : memref<32x128xf32, #tpu.memory_space<hbm>>) target(%dma_start3A_173 : memref<32x128xf32, #tpu.memory_space<vmem>>) target_semaphore(%dma_start3A_169 : memref<!tpu.dma_semaphore, #tpu.memory_space<semaphore_mem>>)
    %slice3A_176 = vector.extract_strided_slice %sub3A {offsets = [9], sizes = [1], strides = [1]} : vector<16xi32> to vector<1xi32>
    %squeeze3A_177 = vector.extract %slice3A_176[0] : i32 from vector<1xi32>
    %multiple_of3A_178 = tpu.assume_multiple %squeeze3A_177, 128 : i32
    %dma_start3A_179 = arith.constant 9 : i32
    %dma_start3A_180 = arith.constant 9 : i32
    %dma_start3A_181 = arith.constant 0 : i32
    %dma_start3A_182 = arith.constant 0 : i32
    %dma_start3A_183 = tpu.memref_slice %arg6[%dma_start3A_179, %dma_start3A_181, %dma_start3A_182] : memref<16x32x128xf32, #tpu.memory_space<vmem>> -> memref<1x32x128xf32, #tpu.memory_space<vmem>>
    %dma_start3A_184 = tpu.memref_squeeze %dma_start3A_183 : memref<1x32x128xf32, #tpu.memory_space<vmem>> -> memref<32x128xf32, #tpu.memory_space<vmem>>
    %dma_start3A_185 = arith.constant 0 : i32
    %dma_start3A_186 = tpu.memref_slice %arg2[%dma_start3A_185, %multiple_of3A_178] : memref<32x1000001xf32, #tpu.memory_space<hbm>> -> memref<32x128xf32, #tpu.memory_space<hbm>>
    %dma_start3A_187 = tpu.memref_slice %arg8[%dma_start3A_180] : memref<16x!tpu.dma_semaphore, #tpu.memory_space<semaphore_mem>> -> memref<1x!tpu.dma_semaphore, #tpu.memory_space<semaphore_mem>>
    %dma_start3A_188 = tpu.memref_squeeze %dma_start3A_187 : memref<1x!tpu.dma_semaphore, #tpu.memory_space<semaphore_mem>> -> memref<!tpu.dma_semaphore, #tpu.memory_space<semaphore_mem>>
    %dma_start3A_189 = arith.constant 0 : i32
    %dma_start3A_190 = arith.constant 0 : i32
    %dma_start3A_191 = tpu.memref_slice %arg6[%dma_start3A_179, %dma_start3A_189, %dma_start3A_190] : memref<16x32x128xf32, #tpu.memory_space<vmem>> -> memref<1x32x128xf32, #tpu.memory_space<vmem>>
    %dma_start3A_192 = tpu.memref_squeeze %dma_start3A_191 : memref<1x32x128xf32, #tpu.memory_space<vmem>> -> memref<32x128xf32, #tpu.memory_space<vmem>>
    %dma_start3A_193 = arith.constant 0 : i32
    %dma_start3A_194 = tpu.memref_slice %arg2[%dma_start3A_193, %multiple_of3A_178] : memref<32x1000001xf32, #tpu.memory_space<hbm>> -> memref<32x128xf32, #tpu.memory_space<hbm>>
    tpu.enqueue_dma source(%dma_start3A_194 : memref<32x128xf32, #tpu.memory_space<hbm>>) target(%dma_start3A_192 : memref<32x128xf32, #tpu.memory_space<vmem>>) target_semaphore(%dma_start3A_188 : memref<!tpu.dma_semaphore, #tpu.memory_space<semaphore_mem>>)
    %slice3A_195 = vector.extract_strided_slice %sub3A {offsets = [10], sizes = [1], strides = [1]} : vector<16xi32> to vector<1xi32>
    %squeeze3A_196 = vector.extract %slice3A_195[0] : i32 from vector<1xi32>
    %multiple_of3A_197 = tpu.assume_multiple %squeeze3A_196, 128 : i32
    %dma_start3A_198 = arith.constant 10 : i32
    %dma_start3A_199 = arith.constant 10 : i32
    %dma_start3A_200 = arith.constant 0 : i32
    %dma_start3A_201 = arith.constant 0 : i32
    %dma_start3A_202 = tpu.memref_slice %arg6[%dma_start3A_198, %dma_start3A_200, %dma_start3A_201] : memref<16x32x128xf32, #tpu.memory_space<vmem>> -> memref<1x32x128xf32, #tpu.memory_space<vmem>>
    %dma_start3A_203 = tpu.memref_squeeze %dma_start3A_202 : memref<1x32x128xf32, #tpu.memory_space<vmem>> -> memref<32x128xf32, #tpu.memory_space<vmem>>
    %dma_start3A_204 = arith.constant 0 : i32
    %dma_start3A_205 = tpu.memref_slice %arg2[%dma_start3A_204, %multiple_of3A_197] : memref<32x1000001xf32, #tpu.memory_space<hbm>> -> memref<32x128xf32, #tpu.memory_space<hbm>>
    %dma_start3A_206 = tpu.memref_slice %arg8[%dma_start3A_199] : memref<16x!tpu.dma_semaphore, #tpu.memory_space<semaphore_mem>> -> memref<1x!tpu.dma_semaphore, #tpu.memory_space<semaphore_mem>>
    %dma_start3A_207 = tpu.memref_squeeze %dma_start3A_206 : memref<1x!tpu.dma_semaphore, #tpu.memory_space<semaphore_mem>> -> memref<!tpu.dma_semaphore, #tpu.memory_space<semaphore_mem>>
    %dma_start3A_208 = arith.constant 0 : i32
    %dma_start3A_209 = arith.constant 0 : i32
    %dma_start3A_210 = tpu.memref_slice %arg6[%dma_start3A_198, %dma_start3A_208, %dma_start3A_209] : memref<16x32x128xf32, #tpu.memory_space<vmem>> -> memref<1x32x128xf32, #tpu.memory_space<vmem>>
    %dma_start3A_211 = tpu.memref_squeeze %dma_start3A_210 : memref<1x32x128xf32, #tpu.memory_space<vmem>> -> memref<32x128xf32, #tpu.memory_space<vmem>>
    %dma_start3A_212 = arith.constant 0 : i32
    %dma_start3A_213 = tpu.memref_slice %arg2[%dma_start3A_212, %multiple_of3A_197] : memref<32x1000001xf32, #tpu.memory_space<hbm>> -> memref<32x128xf32, #tpu.memory_space<hbm>>
    tpu.enqueue_dma source(%dma_start3A_213 : memref<32x128xf32, #tpu.memory_space<hbm>>) target(%dma_start3A_211 : memref<32x128xf32, #tpu.memory_space<vmem>>) target_semaphore(%dma_start3A_207 : memref<!tpu.dma_semaphore, #tpu.memory_space<semaphore_mem>>)
    %slice3A_214 = vector.extract_strided_slice %sub3A {offsets = [11], sizes = [1], strides = [1]} : vector<16xi32> to vector<1xi32>
    %squeeze3A_215 = vector.extract %slice3A_214[0] : i32 from vector<1xi32>
    %multiple_of3A_216 = tpu.assume_multiple %squeeze3A_215, 128 : i32
    %dma_start3A_217 = arith.constant 11 : i32
    %dma_start3A_218 = arith.constant 11 : i32
    %dma_start3A_219 = arith.constant 0 : i32
    %dma_start3A_220 = arith.constant 0 : i32
    %dma_start3A_221 = tpu.memref_slice %arg6[%dma_start3A_217, %dma_start3A_219, %dma_start3A_220] : memref<16x32x128xf32, #tpu.memory_space<vmem>> -> memref<1x32x128xf32, #tpu.memory_space<vmem>>
    %dma_start3A_222 = tpu.memref_squeeze %dma_start3A_221 : memref<1x32x128xf32, #tpu.memory_space<vmem>> -> memref<32x128xf32, #tpu.memory_space<vmem>>
    %dma_start3A_223 = arith.constant 0 : i32
    %dma_start3A_224 = tpu.memref_slice %arg2[%dma_start3A_223, %multiple_of3A_216] : memref<32x1000001xf32, #tpu.memory_space<hbm>> -> memref<32x128xf32, #tpu.memory_space<hbm>>
    %dma_start3A_225 = tpu.memref_slice %arg8[%dma_start3A_218] : memref<16x!tpu.dma_semaphore, #tpu.memory_space<semaphore_mem>> -> memref<1x!tpu.dma_semaphore, #tpu.memory_space<semaphore_mem>>
    %dma_start3A_226 = tpu.memref_squeeze %dma_start3A_225 : memref<1x!tpu.dma_semaphore, #tpu.memory_space<semaphore_mem>> -> memref<!tpu.dma_semaphore, #tpu.memory_space<semaphore_mem>>
    %dma_start3A_227 = arith.constant 0 : i32
    %dma_start3A_228 = arith.constant 0 : i32
    %dma_start3A_229 = tpu.memref_slice %arg6[%dma_start3A_217, %dma_start3A_227, %dma_start3A_228] : memref<16x32x128xf32, #tpu.memory_space<vmem>> -> memref<1x32x128xf32, #tpu.memory_space<vmem>>
    %dma_start3A_230 = tpu.memref_squeeze %dma_start3A_229 : memref<1x32x128xf32, #tpu.memory_space<vmem>> -> memref<32x128xf32, #tpu.memory_space<vmem>>
    %dma_start3A_231 = arith.constant 0 : i32
    %dma_start3A_232 = tpu.memref_slice %arg2[%dma_start3A_231, %multiple_of3A_216] : memref<32x1000001xf32, #tpu.memory_space<hbm>> -> memref<32x128xf32, #tpu.memory_space<hbm>>
    tpu.enqueue_dma source(%dma_start3A_232 : memref<32x128xf32, #tpu.memory_space<hbm>>) target(%dma_start3A_230 : memref<32x128xf32, #tpu.memory_space<vmem>>) target_semaphore(%dma_start3A_226 : memref<!tpu.dma_semaphore, #tpu.memory_space<semaphore_mem>>)
    %slice3A_233 = vector.extract_strided_slice %sub3A {offsets = [12], sizes = [1], strides = [1]} : vector<16xi32> to vector<1xi32>
    %squeeze3A_234 = vector.extract %slice3A_233[0] : i32 from vector<1xi32>
    %multiple_of3A_235 = tpu.assume_multiple %squeeze3A_234, 128 : i32
    %dma_start3A_236 = arith.constant 12 : i32
    %dma_start3A_237 = arith.constant 12 : i32
    %dma_start3A_238 = arith.constant 0 : i32
    %dma_start3A_239 = arith.constant 0 : i32
    %dma_start3A_240 = tpu.memref_slice %arg6[%dma_start3A_236, %dma_start3A_238, %dma_start3A_239] : memref<16x32x128xf32, #tpu.memory_space<vmem>> -> memref<1x32x128xf32, #tpu.memory_space<vmem>>
    %dma_start3A_241 = tpu.memref_squeeze %dma_start3A_240 : memref<1x32x128xf32, #tpu.memory_space<vmem>> -> memref<32x128xf32, #tpu.memory_space<vmem>>
    %dma_start3A_242 = arith.constant 0 : i32
    %dma_start3A_243 = tpu.memref_slice %arg2[%dma_start3A_242, %multiple_of3A_235] : memref<32x1000001xf32, #tpu.memory_space<hbm>> -> memref<32x128xf32, #tpu.memory_space<hbm>>
    %dma_start3A_244 = tpu.memref_slice %arg8[%dma_start3A_237] : memref<16x!tpu.dma_semaphore, #tpu.memory_space<semaphore_mem>> -> memref<1x!tpu.dma_semaphore, #tpu.memory_space<semaphore_mem>>
    %dma_start3A_245 = tpu.memref_squeeze %dma_start3A_244 : memref<1x!tpu.dma_semaphore, #tpu.memory_space<semaphore_mem>> -> memref<!tpu.dma_semaphore, #tpu.memory_space<semaphore_mem>>
    %dma_start3A_246 = arith.constant 0 : i32
    %dma_start3A_247 = arith.constant 0 : i32
    %dma_start3A_248 = tpu.memref_slice %arg6[%dma_start3A_236, %dma_start3A_246, %dma_start3A_247] : memref<16x32x128xf32, #tpu.memory_space<vmem>> -> memref<1x32x128xf32, #tpu.memory_space<vmem>>
    %dma_start3A_249 = tpu.memref_squeeze %dma_start3A_248 : memref<1x32x128xf32, #tpu.memory_space<vmem>> -> memref<32x128xf32, #tpu.memory_space<vmem>>
    %dma_start3A_250 = arith.constant 0 : i32
    %dma_start3A_251 = tpu.memref_slice %arg2[%dma_start3A_250, %multiple_of3A_235] : memref<32x1000001xf32, #tpu.memory_space<hbm>> -> memref<32x128xf32, #tpu.memory_space<hbm>>
    tpu.enqueue_dma source(%dma_start3A_251 : memref<32x128xf32, #tpu.memory_space<hbm>>) target(%dma_start3A_249 : memref<32x128xf32, #tpu.memory_space<vmem>>) target_semaphore(%dma_start3A_245 : memref<!tpu.dma_semaphore, #tpu.memory_space<semaphore_mem>>)
    %slice3A_252 = vector.extract_strided_slice %sub3A {offsets = [13], sizes = [1], strides = [1]} : vector<16xi32> to vector<1xi32>
    %squeeze3A_253 = vector.extract %slice3A_252[0] : i32 from vector<1xi32>
    %multiple_of3A_254 = tpu.assume_multiple %squeeze3A_253, 128 : i32
    %dma_start3A_255 = arith.constant 13 : i32
    %dma_start3A_256 = arith.constant 13 : i32
    %dma_start3A_257 = arith.constant 0 : i32
    %dma_start3A_258 = arith.constant 0 : i32
    %dma_start3A_259 = tpu.memref_slice %arg6[%dma_start3A_255, %dma_start3A_257, %dma_start3A_258] : memref<16x32x128xf32, #tpu.memory_space<vmem>> -> memref<1x32x128xf32, #tpu.memory_space<vmem>>
    %dma_start3A_260 = tpu.memref_squeeze %dma_start3A_259 : memref<1x32x128xf32, #tpu.memory_space<vmem>> -> memref<32x128xf32, #tpu.memory_space<vmem>>
    %dma_start3A_261 = arith.constant 0 : i32
    %dma_start3A_262 = tpu.memref_slice %arg2[%dma_start3A_261, %multiple_of3A_254] : memref<32x1000001xf32, #tpu.memory_space<hbm>> -> memref<32x128xf32, #tpu.memory_space<hbm>>
    %dma_start3A_263 = tpu.memref_slice %arg8[%dma_start3A_256] : memref<16x!tpu.dma_semaphore, #tpu.memory_space<semaphore_mem>> -> memref<1x!tpu.dma_semaphore, #tpu.memory_space<semaphore_mem>>
    %dma_start3A_264 = tpu.memref_squeeze %dma_start3A_263 : memref<1x!tpu.dma_semaphore, #tpu.memory_space<semaphore_mem>> -> memref<!tpu.dma_semaphore, #tpu.memory_space<semaphore_mem>>
    %dma_start3A_265 = arith.constant 0 : i32
    %dma_start3A_266 = arith.constant 0 : i32
    %dma_start3A_267 = tpu.memref_slice %arg6[%dma_start3A_255, %dma_start3A_265, %dma_start3A_266] : memref<16x32x128xf32, #tpu.memory_space<vmem>> -> memref<1x32x128xf32, #tpu.memory_space<vmem>>
    %dma_start3A_268 = tpu.memref_squeeze %dma_start3A_267 : memref<1x32x128xf32, #tpu.memory_space<vmem>> -> memref<32x128xf32, #tpu.memory_space<vmem>>
    %dma_start3A_269 = arith.constant 0 : i32
    %dma_start3A_270 = tpu.memref_slice %arg2[%dma_start3A_269, %multiple_of3A_254] : memref<32x1000001xf32, #tpu.memory_space<hbm>> -> memref<32x128xf32, #tpu.memory_space<hbm>>
    tpu.enqueue_dma source(%dma_start3A_270 : memref<32x128xf32, #tpu.memory_space<hbm>>) target(%dma_start3A_268 : memref<32x128xf32, #tpu.memory_space<vmem>>) target_semaphore(%dma_start3A_264 : memref<!tpu.dma_semaphore, #tpu.memory_space<semaphore_mem>>)
    %slice3A_271 = vector.extract_strided_slice %sub3A {offsets = [14], sizes = [1], strides = [1]} : vector<16xi32> to vector<1xi32>
    %squeeze3A_272 = vector.extract %slice3A_271[0] : i32 from vector<1xi32>
    %multiple_of3A_273 = tpu.assume_multiple %squeeze3A_272, 128 : i32
    %dma_start3A_274 = arith.constant 14 : i32
    %dma_start3A_275 = arith.constant 14 : i32
    %dma_start3A_276 = arith.constant 0 : i32
    %dma_start3A_277 = arith.constant 0 : i32
    %dma_start3A_278 = tpu.memref_slice %arg6[%dma_start3A_274, %dma_start3A_276, %dma_start3A_277] : memref<16x32x128xf32, #tpu.memory_space<vmem>> -> memref<1x32x128xf32, #tpu.memory_space<vmem>>
    %dma_start3A_279 = tpu.memref_squeeze %dma_start3A_278 : memref<1x32x128xf32, #tpu.memory_space<vmem>> -> memref<32x128xf32, #tpu.memory_space<vmem>>
    %dma_start3A_280 = arith.constant 0 : i32
    %dma_start3A_281 = tpu.memref_slice %arg2[%dma_start3A_280, %multiple_of3A_273] : memref<32x1000001xf32, #tpu.memory_space<hbm>> -> memref<32x128xf32, #tpu.memory_space<hbm>>
    %dma_start3A_282 = tpu.memref_slice %arg8[%dma_start3A_275] : memref<16x!tpu.dma_semaphore, #tpu.memory_space<semaphore_mem>> -> memref<1x!tpu.dma_semaphore, #tpu.memory_space<semaphore_mem>>
    %dma_start3A_283 = tpu.memref_squeeze %dma_start3A_282 : memref<1x!tpu.dma_semaphore, #tpu.memory_space<semaphore_mem>> -> memref<!tpu.dma_semaphore, #tpu.memory_space<semaphore_mem>>
    %dma_start3A_284 = arith.constant 0 : i32
    %dma_start3A_285 = arith.constant 0 : i32
    %dma_start3A_286 = tpu.memref_slice %arg6[%dma_start3A_274, %dma_start3A_284, %dma_start3A_285] : memref<16x32x128xf32, #tpu.memory_space<vmem>> -> memref<1x32x128xf32, #tpu.memory_space<vmem>>
    %dma_start3A_287 = tpu.memref_squeeze %dma_start3A_286 : memref<1x32x128xf32, #tpu.memory_space<vmem>> -> memref<32x128xf32, #tpu.memory_space<vmem>>
    %dma_start3A_288 = arith.constant 0 : i32
    %dma_start3A_289 = tpu.memref_slice %arg2[%dma_start3A_288, %multiple_of3A_273] : memref<32x1000001xf32, #tpu.memory_space<hbm>> -> memref<32x128xf32, #tpu.memory_space<hbm>>
    tpu.enqueue_dma source(%dma_start3A_289 : memref<32x128xf32, #tpu.memory_space<hbm>>) target(%dma_start3A_287 : memref<32x128xf32, #tpu.memory_space<vmem>>) target_semaphore(%dma_start3A_283 : memref<!tpu.dma_semaphore, #tpu.memory_space<semaphore_mem>>)
    %slice3A_290 = vector.extract_strided_slice %sub3A {offsets = [15], sizes = [1], strides = [1]} : vector<16xi32> to vector<1xi32>
    %squeeze3A_291 = vector.extract %slice3A_290[0] : i32 from vector<1xi32>
    %multiple_of3A_292 = tpu.assume_multiple %squeeze3A_291, 128 : i32
    %dma_start3A_293 = arith.constant 15 : i32
    %dma_start3A_294 = arith.constant 15 : i32
    %dma_start3A_295 = arith.constant 0 : i32
    %dma_start3A_296 = arith.constant 0 : i32
    %dma_start3A_297 = tpu.memref_slice %arg6[%dma_start3A_293, %dma_start3A_295, %dma_start3A_296] : memref<16x32x128xf32, #tpu.memory_space<vmem>> -> memref<1x32x128xf32, #tpu.memory_space<vmem>>
    %dma_start3A_298 = tpu.memref_squeeze %dma_start3A_297 : memref<1x32x128xf32, #tpu.memory_space<vmem>> -> memref<32x128xf32, #tpu.memory_space<vmem>>
    %dma_start3A_299 = arith.constant 0 : i32
    %dma_start3A_300 = tpu.memref_slice %arg2[%dma_start3A_299, %multiple_of3A_292] : memref<32x1000001xf32, #tpu.memory_space<hbm>> -> memref<32x128xf32, #tpu.memory_space<hbm>>
    %dma_start3A_301 = tpu.memref_slice %arg8[%dma_start3A_294] : memref<16x!tpu.dma_semaphore, #tpu.memory_space<semaphore_mem>> -> memref<1x!tpu.dma_semaphore, #tpu.memory_space<semaphore_mem>>
    %dma_start3A_302 = tpu.memref_squeeze %dma_start3A_301 : memref<1x!tpu.dma_semaphore, #tpu.memory_space<semaphore_mem>> -> memref<!tpu.dma_semaphore, #tpu.memory_space<semaphore_mem>>
    %dma_start3A_303 = arith.constant 0 : i32
    %dma_start3A_304 = arith.constant 0 : i32
    %dma_start3A_305 = tpu.memref_slice %arg6[%dma_start3A_293, %dma_start3A_303, %dma_start3A_304] : memref<16x32x128xf32, #tpu.memory_space<vmem>> -> memref<1x32x128xf32, #tpu.memory_space<vmem>>
    %dma_start3A_306 = tpu.memref_squeeze %dma_start3A_305 : memref<1x32x128xf32, #tpu.memory_space<vmem>> -> memref<32x128xf32, #tpu.memory_space<vmem>>
    %dma_start3A_307 = arith.constant 0 : i32
    %dma_start3A_308 = tpu.memref_slice %arg2[%dma_start3A_307, %multiple_of3A_292] : memref<32x1000001xf32, #tpu.memory_space<hbm>> -> memref<32x128xf32, #tpu.memory_space<hbm>>
    tpu.enqueue_dma source(%dma_start3A_308 : memref<32x128xf32, #tpu.memory_space<hbm>>) target(%dma_start3A_306 : memref<32x128xf32, #tpu.memory_space<vmem>>) target_semaphore(%dma_start3A_302 : memref<!tpu.dma_semaphore, #tpu.memory_space<semaphore_mem>>)
    %scan3A = arith.constant 0 : i32
    %scan3A_309 = arith.constant 0 : i32
    %scan3A_310 = arith.constant 32 : i32
    %scan3A_311 = arith.addi %scan3A_309, %scan3A_310 : i32
    %scan3A_312 = arith.constant 1 : i32
    %scan3A_313 = scf.for %scan3A_315 = %scan3A_309 to %scan3A_311 step %scan3A_312 iter_args(%scan3A_316 = %scan3A) -> (i32)  : i32 {
      %mul3A_317 = arith.constant 16 : i32
      %mul3A_318 = arith.muli %scan3A_315, %mul3A_317 : i32
      %get3A_319 = arith.index_cast %mul3A_318 : i32 to index
      %get3A_320 = tpu.vector_load %arg5[%get3A_319] {strides = array<i32>} : memref<528xi32, #tpu.memory_space<vmem>>, vector<16xi32>,
      %and3A_321 = arith.constant 127 : i32
      %and3A_322 = vector.broadcast %and3A_321 : i32 to vector<16xi32>
      %and3A_323 = arith.andi %get3A_320, %and3A_322 : vector<16xi32>
      %add3A_324 = arith.constant 1 : i32
      %add3A_325 = arith.addi %scan3A_315, %add3A_324 : i32
      %mul3A_326 = arith.constant 16 : i32
      %mul3A_327 = arith.muli %add3A_325, %mul3A_326 : i32
      %get3A_328 = arith.index_cast %mul3A_327 : i32 to index
      %get3A_329 = tpu.vector_load %arg5[%get3A_328] {strides = array<i32>} : memref<528xi32, #tpu.memory_space<vmem>>, vector<16xi32>,
      %and3A_330 = arith.constant 127 : i32
      %and3A_331 = vector.broadcast %and3A_330 : i32 to vector<16xi32>
      %and3A_332 = arith.andi %get3A_329, %and3A_331 : vector<16xi32>
      %sub3A_333 = arith.subi %get3A_329, %and3A_332 : vector<16xi32>
      %dma_wait3A = arith.constant 0 : i32
      %dma_wait3A_334 = arith.constant 0 : i32
      %dma_wait3A_335 = arith.constant 0 : i32
      %dma_wait3A_336 = arith.constant 0 : i32
      %dma_wait3A_337 = tpu.memref_slice %arg6[%dma_wait3A, %dma_wait3A_335, %dma_wait3A_336] : memref<16x32x128xf32, #tpu.memory_space<vmem>> -> memref<1x32x128xf32, #tpu.memory_space<vmem>>
      %dma_wait3A_338 = tpu.memref_squeeze %dma_wait3A_337 : memref<1x32x128xf32, #tpu.memory_space<vmem>> -> memref<32x128xf32, #tpu.memory_space<vmem>>
      %dma_wait3A_339 = arith.constant 0 : i32
      %dma_wait3A_340 = arith.constant 0 : i32
      %dma_wait3A_341 = tpu.memref_slice %arg2[%dma_wait3A_339, %dma_wait3A_340] : memref<32x1000001xf32, #tpu.memory_space<hbm>> -> memref<32x128xf32, #tpu.memory_space<hbm>>
      %dma_wait3A_342 = tpu.memref_slice %arg8[%dma_wait3A_334] : memref<16x!tpu.dma_semaphore, #tpu.memory_space<semaphore_mem>> -> memref<1x!tpu.dma_semaphore, #tpu.memory_space<semaphore_mem>>
      %dma_wait3A_343 = tpu.memref_squeeze %dma_wait3A_342 : memref<1x!tpu.dma_semaphore, #tpu.memory_space<semaphore_mem>> -> memref<!tpu.dma_semaphore, #tpu.memory_space<semaphore_mem>>
      %dma_wait3A_344 = arith.constant 0 : i32
      %dma_wait3A_345 = arith.constant 0 : i32
      %dma_wait3A_346 = tpu.memref_slice %arg6[%dma_wait3A, %dma_wait3A_344, %dma_wait3A_345] : memref<16x32x128xf32, #tpu.memory_space<vmem>> -> memref<1x32x128xf32, #tpu.memory_space<vmem>>
      %dma_wait3A_347 = tpu.memref_squeeze %dma_wait3A_346 : memref<1x32x128xf32, #tpu.memory_space<vmem>> -> memref<32x128xf32, #tpu.memory_space<vmem>>
      %dma_wait3A_348 = arith.constant 0 : i32
      %dma_wait3A_349 = arith.constant 0 : i32
      %dma_wait3A_350 = tpu.memref_slice %arg2[%dma_wait3A_348, %dma_wait3A_349] : memref<32x1000001xf32, #tpu.memory_space<hbm>> -> memref<32x128xf32, #tpu.memory_space<hbm>>
      tpu.wait_dma2 semaphore(%dma_wait3A_343 : memref<!tpu.dma_semaphore, #tpu.memory_space<semaphore_mem>>) src(%dma_wait3A_350 : memref<32x128xf32, #tpu.memory_space<hbm>>) dst(%dma_wait3A_347 : memref<32x128xf32, #tpu.memory_space<vmem>>)
      %slice3A_351 = vector.extract_strided_slice %and3A_323 {offsets = [0], sizes = [1], strides = [1]} : vector<16xi32> to vector<1xi32>
      %squeeze3A_352 = vector.extract %slice3A_351[0] : i32 from vector<1xi32>
      %broadcast_in_dim3A = vector.broadcast %squeeze3A_352 : i32 to vector<16xi32>
      %rem3A = arith.constant 8 : i32
      %rem3A_353 = arith.remsi %scan3A_315, %rem3A : i32
      %mul3A_354 = arith.constant 16 : i32
      %mul3A_355 = arith.muli %rem3A_353, %mul3A_354 : i32
      %add3A_356 = arith.constant 0 : i32
      %add3A_357 = arith.addi %mul3A_355, %add3A_356 : i32
      %broadcast_in_dim3A_358 = vector.broadcast %add3A_357 : i32 to vector<16xi32>
      %gather3A = arith.constant 0 : i32
      %gather3A_359 = arith.constant 0 : i32
      %gather3A_360 = arith.constant 0 : i32
      %gather3A_361 = tpu.memref_slice %arg6[%gather3A, %gather3A_359, %gather3A_360] : memref<16x32x128xf32, #tpu.memory_space<vmem>> -> memref<1x32x128xf32, #tpu.memory_space<vmem>>
      %gather3A_362 = tpu.memref_squeeze %gather3A_361 : memref<1x32x128xf32, #tpu.memory_space<vmem>> -> memref<32x128xf32, #tpu.memory_space<vmem>>
      %gather3A_363 = tpu.vector_load_idx %gather3A_362[%iota3A, %broadcast_in_dim3A] : memref<32x128xf32, #tpu.memory_space<vmem>>[vector<16xi32>, vector<16xi32>], vector<16xf32>,
      %gather3A_364 = arith.constant 0 : i32
      %gather3A_365 = arith.constant 0 : i32
      %gather3A_366 = arith.constant 0 : i32
      %gather3A_367 = tpu.memref_slice %arg6[%gather3A_364, %gather3A_365, %gather3A_366] : memref<16x32x128xf32, #tpu.memory_space<vmem>> -> memref<1x32x128xf32, #tpu.memory_space<vmem>>
      %gather3A_368 = tpu.memref_squeeze %gather3A_367 : memref<1x32x128xf32, #tpu.memory_space<vmem>> -> memref<32x128xf32, #tpu.memory_space<vmem>>
      %gather3A_369 = tpu.vector_load_idx %gather3A_368[%add3A_5, %broadcast_in_dim3A] : memref<32x128xf32, #tpu.memory_space<vmem>>[vector<16xi32>, vector<16xi32>], vector<16xf32>,
      tpu.vector_store_idx %arg7[%iota3A, %broadcast_in_dim3A_358], %gather3A_363 : memref<32x128xf32, #tpu.memory_space<vmem>>[vector<16xi32>, vector<16xi32>], vector<16xf32>,
      tpu.vector_store_idx %arg7[%add3A_5, %broadcast_in_dim3A_358], %gather3A_369 : memref<32x128xf32, #tpu.memory_space<vmem>>[vector<16xi32>, vector<16xi32>], vector<16xf32>,
      %add3A_370 = arith.constant 1 : i32
      %add3A_371 = arith.addi %scan3A_315, %add3A_370 : i32
      %lt3A = arith.constant 32 : i32
      %lt3A_372 = arith.cmpi slt, %add3A_371, %lt3A : i32
      %convert_element_type3A = arith.extui %lt3A_372 : i1 to i32
      %cond3A = arith.constant 0 : i32
      %cond3A_373 = arith.cmpi ne, %convert_element_type3A, %cond3A : i32
      scf.if %cond3A_373 {
        %slice3A_1086 = vector.extract_strided_slice %sub3A_333 {offsets = [0], sizes = [1], strides = [1]} : vector<16xi32> to vector<1xi32>
        %squeeze3A_1087 = vector.extract %slice3A_1086[0] : i32 from vector<1xi32>
        %multiple_of3A_1088 = tpu.assume_multiple %squeeze3A_1087, 128 : i32
        %dma_start3A_1089 = arith.constant 0 : i32
        %dma_start3A_1090 = arith.constant 0 : i32
        %dma_start3A_1091 = arith.constant 0 : i32
        %dma_start3A_1092 = arith.constant 0 : i32
        %dma_start3A_1093 = tpu.memref_slice %arg6[%dma_start3A_1089, %dma_start3A_1091, %dma_start3A_1092] : memref<16x32x128xf32, #tpu.memory_space<vmem>> -> memref<1x32x128xf32, #tpu.memory_space<vmem>>
        %dma_start3A_1094 = tpu.memref_squeeze %dma_start3A_1093 : memref<1x32x128xf32, #tpu.memory_space<vmem>> -> memref<32x128xf32, #tpu.memory_space<vmem>>
        %dma_start3A_1095 = arith.constant 0 : i32
        %dma_start3A_1096 = tpu.memref_slice %arg2[%dma_start3A_1095, %multiple_of3A_1088] : memref<32x1000001xf32, #tpu.memory_space<hbm>> -> memref<32x128xf32, #tpu.memory_space<hbm>>
        %dma_start3A_1097 = tpu.memref_slice %arg8[%dma_start3A_1090] : memref<16x!tpu.dma_semaphore, #tpu.memory_space<semaphore_mem>> -> memref<1x!tpu.dma_semaphore, #tpu.memory_space<semaphore_mem>>
        %dma_start3A_1098 = tpu.memref_squeeze %dma_start3A_1097 : memref<1x!tpu.dma_semaphore, #tpu.memory_space<semaphore_mem>> -> memref<!tpu.dma_semaphore, #tpu.memory_space<semaphore_mem>>
        %dma_start3A_1099 = arith.constant 0 : i32
        %dma_start3A_1100 = arith.constant 0 : i32
        %dma_start3A_1101 = tpu.memref_slice %arg6[%dma_start3A_1089, %dma_start3A_1099, %dma_start3A_1100] : memref<16x32x128xf32, #tpu.memory_space<vmem>> -> memref<1x32x128xf32, #tpu.memory_space<vmem>>
        %dma_start3A_1102 = tpu.memref_squeeze %dma_start3A_1101 : memref<1x32x128xf32, #tpu.memory_space<vmem>> -> memref<32x128xf32, #tpu.memory_space<vmem>>
        %dma_start3A_1103 = arith.constant 0 : i32
        %dma_start3A_1104 = tpu.memref_slice %arg2[%dma_start3A_1103, %multiple_of3A_1088] : memref<32x1000001xf32, #tpu.memory_space<hbm>> -> memref<32x128xf32, #tpu.memory_space<hbm>>
        tpu.enqueue_dma source(%dma_start3A_1104 : memref<32x128xf32, #tpu.memory_space<hbm>>) target(%dma_start3A_1102 : memref<32x128xf32, #tpu.memory_space<vmem>>) target_semaphore(%dma_start3A_1098 : memref<!tpu.dma_semaphore, #tpu.memory_space<semaphore_mem>>)
      } else {
      }
      %dma_wait3A_374 = arith.constant 1 : i32
      %dma_wait3A_375 = arith.constant 1 : i32
      %dma_wait3A_376 = arith.constant 0 : i32
      %dma_wait3A_377 = arith.constant 0 : i32
      %dma_wait3A_378 = tpu.memref_slice %arg6[%dma_wait3A_374, %dma_wait3A_376, %dma_wait3A_377] : memref<16x32x128xf32, #tpu.memory_space<vmem>> -> memref<1x32x128xf32, #tpu.memory_space<vmem>>
      %dma_wait3A_379 = tpu.memref_squeeze %dma_wait3A_378 : memref<1x32x128xf32, #tpu.memory_space<vmem>> -> memref<32x128xf32, #tpu.memory_space<vmem>>
      %dma_wait3A_380 = arith.constant 0 : i32
      %dma_wait3A_381 = arith.constant 0 : i32
      %dma_wait3A_382 = tpu.memref_slice %arg2[%dma_wait3A_380, %dma_wait3A_381] : memref<32x1000001xf32, #tpu.memory_space<hbm>> -> memref<32x128xf32, #tpu.memory_space<hbm>>
      %dma_wait3A_383 = tpu.memref_slice %arg8[%dma_wait3A_375] : memref<16x!tpu.dma_semaphore, #tpu.memory_space<semaphore_mem>> -> memref<1x!tpu.dma_semaphore, #tpu.memory_space<semaphore_mem>>
      %dma_wait3A_384 = tpu.memref_squeeze %dma_wait3A_383 : memref<1x!tpu.dma_semaphore, #tpu.memory_space<semaphore_mem>> -> memref<!tpu.dma_semaphore, #tpu.memory_space<semaphore_mem>>
      %dma_wait3A_385 = arith.constant 0 : i32
      %dma_wait3A_386 = arith.constant 0 : i32
      %dma_wait3A_387 = tpu.memref_slice %arg6[%dma_wait3A_374, %dma_wait3A_385, %dma_wait3A_386] : memref<16x32x128xf32, #tpu.memory_space<vmem>> -> memref<1x32x128xf32, #tpu.memory_space<vmem>>
      %dma_wait3A_388 = tpu.memref_squeeze %dma_wait3A_387 : memref<1x32x128xf32, #tpu.memory_space<vmem>> -> memref<32x128xf32, #tpu.memory_space<vmem>>
      %dma_wait3A_389 = arith.constant 0 : i32
      %dma_wait3A_390 = arith.constant 0 : i32
      %dma_wait3A_391 = tpu.memref_slice %arg2[%dma_wait3A_389, %dma_wait3A_390] : memref<32x1000001xf32, #tpu.memory_space<hbm>> -> memref<32x128xf32, #tpu.memory_space<hbm>>
      tpu.wait_dma2 semaphore(%dma_wait3A_384 : memref<!tpu.dma_semaphore, #tpu.memory_space<semaphore_mem>>) src(%dma_wait3A_391 : memref<32x128xf32, #tpu.memory_space<hbm>>) dst(%dma_wait3A_388 : memref<32x128xf32, #tpu.memory_space<vmem>>)
      %slice3A_392 = vector.extract_strided_slice %and3A_323 {offsets = [1], sizes = [1], strides = [1]} : vector<16xi32> to vector<1xi32>
      %squeeze3A_393 = vector.extract %slice3A_392[0] : i32 from vector<1xi32>
      %broadcast_in_dim3A_394 = vector.broadcast %squeeze3A_393 : i32 to vector<16xi32>
      %rem3A_395 = arith.constant 8 : i32
      %rem3A_396 = arith.remsi %scan3A_315, %rem3A_395 : i32
      %mul3A_397 = arith.constant 16 : i32
      %mul3A_398 = arith.muli %rem3A_396, %mul3A_397 : i32
      %add3A_399 = arith.constant 1 : i32
      %add3A_400 = arith.addi %mul3A_398, %add3A_399 : i32
      %broadcast_in_dim3A_401 = vector.broadcast %add3A_400 : i32 to vector<16xi32>
      %gather3A_402 = arith.constant 1 : i32
      %gather3A_403 = arith.constant 0 : i32
      %gather3A_404 = arith.constant 0 : i32
      %gather3A_405 = tpu.memref_slice %arg6[%gather3A_402, %gather3A_403, %gather3A_404] : memref<16x32x128xf32, #tpu.memory_space<vmem>> -> memref<1x32x128xf32, #tpu.memory_space<vmem>>
      %gather3A_406 = tpu.memref_squeeze %gather3A_405 : memref<1x32x128xf32, #tpu.memory_space<vmem>> -> memref<32x128xf32, #tpu.memory_space<vmem>>
      %gather3A_407 = tpu.vector_load_idx %gather3A_406[%iota3A, %broadcast_in_dim3A_394] : memref<32x128xf32, #tpu.memory_space<vmem>>[vector<16xi32>, vector<16xi32>], vector<16xf32>,
      %gather3A_408 = arith.constant 1 : i32
      %gather3A_409 = arith.constant 0 : i32
      %gather3A_410 = arith.constant 0 : i32
      %gather3A_411 = tpu.memref_slice %arg6[%gather3A_408, %gather3A_409, %gather3A_410] : memref<16x32x128xf32, #tpu.memory_space<vmem>> -> memref<1x32x128xf32, #tpu.memory_space<vmem>>
      %gather3A_412 = tpu.memref_squeeze %gather3A_411 : memref<1x32x128xf32, #tpu.memory_space<vmem>> -> memref<32x128xf32, #tpu.memory_space<vmem>>
      %gather3A_413 = tpu.vector_load_idx %gather3A_412[%add3A_5, %broadcast_in_dim3A_394] : memref<32x128xf32, #tpu.memory_space<vmem>>[vector<16xi32>, vector<16xi32>], vector<16xf32>,
      tpu.vector_store_idx %arg7[%iota3A, %broadcast_in_dim3A_401], %gather3A_407 : memref<32x128xf32, #tpu.memory_space<vmem>>[vector<16xi32>, vector<16xi32>], vector<16xf32>,
      tpu.vector_store_idx %arg7[%add3A_5, %broadcast_in_dim3A_401], %gather3A_413 : memref<32x128xf32, #tpu.memory_space<vmem>>[vector<16xi32>, vector<16xi32>], vector<16xf32>,
      %add3A_414 = arith.constant 1 : i32
      %add3A_415 = arith.addi %scan3A_315, %add3A_414 : i32
      %lt3A_416 = arith.constant 32 : i32
      %lt3A_417 = arith.cmpi slt, %add3A_415, %lt3A_416 : i32
      %convert_element_type3A_418 = arith.extui %lt3A_417 : i1 to i32
      %cond3A_419 = arith.constant 0 : i32
      %cond3A_420 = arith.cmpi ne, %convert_element_type3A_418, %cond3A_419 : i32
      scf.if %cond3A_420 {
        %slice3A_1086 = vector.extract_strided_slice %sub3A_333 {offsets = [1], sizes = [1], strides = [1]} : vector<16xi32> to vector<1xi32>
        %squeeze3A_1087 = vector.extract %slice3A_1086[0] : i32 from vector<1xi32>
        %multiple_of3A_1088 = tpu.assume_multiple %squeeze3A_1087, 128 : i32
        %dma_start3A_1089 = arith.constant 1 : i32
        %dma_start3A_1090 = arith.constant 1 : i32
        %dma_start3A_1091 = arith.constant 0 : i32
        %dma_start3A_1092 = arith.constant 0 : i32
        %dma_start3A_1093 = tpu.memref_slice %arg6[%dma_start3A_1089, %dma_start3A_1091, %dma_start3A_1092] : memref<16x32x128xf32, #tpu.memory_space<vmem>> -> memref<1x32x128xf32, #tpu.memory_space<vmem>>
        %dma_start3A_1094 = tpu.memref_squeeze %dma_start3A_1093 : memref<1x32x128xf32, #tpu.memory_space<vmem>> -> memref<32x128xf32, #tpu.memory_space<vmem>>
        %dma_start3A_1095 = arith.constant 0 : i32
        %dma_start3A_1096 = tpu.memref_slice %arg2[%dma_start3A_1095, %multiple_of3A_1088] : memref<32x1000001xf32, #tpu.memory_space<hbm>> -> memref<32x128xf32, #tpu.memory_space<hbm>>
        %dma_start3A_1097 = tpu.memref_slice %arg8[%dma_start3A_1090] : memref<16x!tpu.dma_semaphore, #tpu.memory_space<semaphore_mem>> -> memref<1x!tpu.dma_semaphore, #tpu.memory_space<semaphore_mem>>
        %dma_start3A_1098 = tpu.memref_squeeze %dma_start3A_1097 : memref<1x!tpu.dma_semaphore, #tpu.memory_space<semaphore_mem>> -> memref<!tpu.dma_semaphore, #tpu.memory_space<semaphore_mem>>
        %dma_start3A_1099 = arith.constant 0 : i32
        %dma_start3A_1100 = arith.constant 0 : i32
        %dma_start3A_1101 = tpu.memref_slice %arg6[%dma_start3A_1089, %dma_start3A_1099, %dma_start3A_1100] : memref<16x32x128xf32, #tpu.memory_space<vmem>> -> memref<1x32x128xf32, #tpu.memory_space<vmem>>
        %dma_start3A_1102 = tpu.memref_squeeze %dma_start3A_1101 : memref<1x32x128xf32, #tpu.memory_space<vmem>> -> memref<32x128xf32, #tpu.memory_space<vmem>>
        %dma_start3A_1103 = arith.constant 0 : i32
        %dma_start3A_1104 = tpu.memref_slice %arg2[%dma_start3A_1103, %multiple_of3A_1088] : memref<32x1000001xf32, #tpu.memory_space<hbm>> -> memref<32x128xf32, #tpu.memory_space<hbm>>
        tpu.enqueue_dma source(%dma_start3A_1104 : memref<32x128xf32, #tpu.memory_space<hbm>>) target(%dma_start3A_1102 : memref<32x128xf32, #tpu.memory_space<vmem>>) target_semaphore(%dma_start3A_1098 : memref<!tpu.dma_semaphore, #tpu.memory_space<semaphore_mem>>)
      } else {
      }
      %dma_wait3A_421 = arith.constant 2 : i32
      %dma_wait3A_422 = arith.constant 2 : i32
      %dma_wait3A_423 = arith.constant 0 : i32
      %dma_wait3A_424 = arith.constant 0 : i32
      %dma_wait3A_425 = tpu.memref_slice %arg6[%dma_wait3A_421, %dma_wait3A_423, %dma_wait3A_424] : memref<16x32x128xf32, #tpu.memory_space<vmem>> -> memref<1x32x128xf32, #tpu.memory_space<vmem>>
      %dma_wait3A_426 = tpu.memref_squeeze %dma_wait3A_425 : memref<1x32x128xf32, #tpu.memory_space<vmem>> -> memref<32x128xf32, #tpu.memory_space<vmem>>
      %dma_wait3A_427 = arith.constant 0 : i32
      %dma_wait3A_428 = arith.constant 0 : i32
      %dma_wait3A_429 = tpu.memref_slice %arg2[%dma_wait3A_427, %dma_wait3A_428] : memref<32x1000001xf32, #tpu.memory_space<hbm>> -> memref<32x128xf32, #tpu.memory_space<hbm>>
      %dma_wait3A_430 = tpu.memref_slice %arg8[%dma_wait3A_422] : memref<16x!tpu.dma_semaphore, #tpu.memory_space<semaphore_mem>> -> memref<1x!tpu.dma_semaphore, #tpu.memory_space<semaphore_mem>>
      %dma_wait3A_431 = tpu.memref_squeeze %dma_wait3A_430 : memref<1x!tpu.dma_semaphore, #tpu.memory_space<semaphore_mem>> -> memref<!tpu.dma_semaphore, #tpu.memory_space<semaphore_mem>>
      %dma_wait3A_432 = arith.constant 0 : i32
      %dma_wait3A_433 = arith.constant 0 : i32
      %dma_wait3A_434 = tpu.memref_slice %arg6[%dma_wait3A_421, %dma_wait3A_432, %dma_wait3A_433] : memref<16x32x128xf32, #tpu.memory_space<vmem>> -> memref<1x32x128xf32, #tpu.memory_space<vmem>>
      %dma_wait3A_435 = tpu.memref_squeeze %dma_wait3A_434 : memref<1x32x128xf32, #tpu.memory_space<vmem>> -> memref<32x128xf32, #tpu.memory_space<vmem>>
      %dma_wait3A_436 = arith.constant 0 : i32
      %dma_wait3A_437 = arith.constant 0 : i32
      %dma_wait3A_438 = tpu.memref_slice %arg2[%dma_wait3A_436, %dma_wait3A_437] : memref<32x1000001xf32, #tpu.memory_space<hbm>> -> memref<32x128xf32, #tpu.memory_space<hbm>>
      tpu.wait_dma2 semaphore(%dma_wait3A_431 : memref<!tpu.dma_semaphore, #tpu.memory_space<semaphore_mem>>) src(%dma_wait3A_438 : memref<32x128xf32, #tpu.memory_space<hbm>>) dst(%dma_wait3A_435 : memref<32x128xf32, #tpu.memory_space<vmem>>)
      %slice3A_439 = vector.extract_strided_slice %and3A_323 {offsets = [2], sizes = [1], strides = [1]} : vector<16xi32> to vector<1xi32>
      %squeeze3A_440 = vector.extract %slice3A_439[0] : i32 from vector<1xi32>
      %broadcast_in_dim3A_441 = vector.broadcast %squeeze3A_440 : i32 to vector<16xi32>
      %rem3A_442 = arith.constant 8 : i32
      %rem3A_443 = arith.remsi %scan3A_315, %rem3A_442 : i32
      %mul3A_444 = arith.constant 16 : i32
      %mul3A_445 = arith.muli %rem3A_443, %mul3A_444 : i32
      %add3A_446 = arith.constant 2 : i32
      %add3A_447 = arith.addi %mul3A_445, %add3A_446 : i32
      %broadcast_in_dim3A_448 = vector.broadcast %add3A_447 : i32 to vector<16xi32>
      %gather3A_449 = arith.constant 2 : i32
      %gather3A_450 = arith.constant 0 : i32
      %gather3A_451 = arith.constant 0 : i32
      %gather3A_452 = tpu.memref_slice %arg6[%gather3A_449, %gather3A_450, %gather3A_451] : memref<16x32x128xf32, #tpu.memory_space<vmem>> -> memref<1x32x128xf32, #tpu.memory_space<vmem>>
      %gather3A_453 = tpu.memref_squeeze %gather3A_452 : memref<1x32x128xf32, #tpu.memory_space<vmem>> -> memref<32x128xf32, #tpu.memory_space<vmem>>
      %gather3A_454 = tpu.vector_load_idx %gather3A_453[%iota3A, %broadcast_in_dim3A_441] : memref<32x128xf32, #tpu.memory_space<vmem>>[vector<16xi32>, vector<16xi32>], vector<16xf32>,
      %gather3A_455 = arith.constant 2 : i32
      %gather3A_456 = arith.constant 0 : i32
      %gather3A_457 = arith.constant 0 : i32
      %gather3A_458 = tpu.memref_slice %arg6[%gather3A_455, %gather3A_456, %gather3A_457] : memref<16x32x128xf32, #tpu.memory_space<vmem>> -> memref<1x32x128xf32, #tpu.memory_space<vmem>>
      %gather3A_459 = tpu.memref_squeeze %gather3A_458 : memref<1x32x128xf32, #tpu.memory_space<vmem>> -> memref<32x128xf32, #tpu.memory_space<vmem>>
      %gather3A_460 = tpu.vector_load_idx %gather3A_459[%add3A_5, %broadcast_in_dim3A_441] : memref<32x128xf32, #tpu.memory_space<vmem>>[vector<16xi32>, vector<16xi32>], vector<16xf32>,
      tpu.vector_store_idx %arg7[%iota3A, %broadcast_in_dim3A_448], %gather3A_454 : memref<32x128xf32, #tpu.memory_space<vmem>>[vector<16xi32>, vector<16xi32>], vector<16xf32>,
      tpu.vector_store_idx %arg7[%add3A_5, %broadcast_in_dim3A_448], %gather3A_460 : memref<32x128xf32, #tpu.memory_space<vmem>>[vector<16xi32>, vector<16xi32>], vector<16xf32>,
      %add3A_461 = arith.constant 1 : i32
      %add3A_462 = arith.addi %scan3A_315, %add3A_461 : i32
      %lt3A_463 = arith.constant 32 : i32
      %lt3A_464 = arith.cmpi slt, %add3A_462, %lt3A_463 : i32
      %convert_element_type3A_465 = arith.extui %lt3A_464 : i1 to i32
      %cond3A_466 = arith.constant 0 : i32
      %cond3A_467 = arith.cmpi ne, %convert_element_type3A_465, %cond3A_466 : i32
      scf.if %cond3A_467 {
        %slice3A_1086 = vector.extract_strided_slice %sub3A_333 {offsets = [2], sizes = [1], strides = [1]} : vector<16xi32> to vector<1xi32>
        %squeeze3A_1087 = vector.extract %slice3A_1086[0] : i32 from vector<1xi32>
        %multiple_of3A_1088 = tpu.assume_multiple %squeeze3A_1087, 128 : i32
        %dma_start3A_1089 = arith.constant 2 : i32
        %dma_start3A_1090 = arith.constant 2 : i32
        %dma_start3A_1091 = arith.constant 0 : i32
        %dma_start3A_1092 = arith.constant 0 : i32
        %dma_start3A_1093 = tpu.memref_slice %arg6[%dma_start3A_1089, %dma_start3A_1091, %dma_start3A_1092] : memref<16x32x128xf32, #tpu.memory_space<vmem>> -> memref<1x32x128xf32, #tpu.memory_space<vmem>>
        %dma_start3A_1094 = tpu.memref_squeeze %dma_start3A_1093 : memref<1x32x128xf32, #tpu.memory_space<vmem>> -> memref<32x128xf32, #tpu.memory_space<vmem>>
        %dma_start3A_1095 = arith.constant 0 : i32
        %dma_start3A_1096 = tpu.memref_slice %arg2[%dma_start3A_1095, %multiple_of3A_1088] : memref<32x1000001xf32, #tpu.memory_space<hbm>> -> memref<32x128xf32, #tpu.memory_space<hbm>>
        %dma_start3A_1097 = tpu.memref_slice %arg8[%dma_start3A_1090] : memref<16x!tpu.dma_semaphore, #tpu.memory_space<semaphore_mem>> -> memref<1x!tpu.dma_semaphore, #tpu.memory_space<semaphore_mem>>
        %dma_start3A_1098 = tpu.memref_squeeze %dma_start3A_1097 : memref<1x!tpu.dma_semaphore, #tpu.memory_space<semaphore_mem>> -> memref<!tpu.dma_semaphore, #tpu.memory_space<semaphore_mem>>
        %dma_start3A_1099 = arith.constant 0 : i32
        %dma_start3A_1100 = arith.constant 0 : i32
        %dma_start3A_1101 = tpu.memref_slice %arg6[%dma_start3A_1089, %dma_start3A_1099, %dma_start3A_1100] : memref<16x32x128xf32, #tpu.memory_space<vmem>> -> memref<1x32x128xf32, #tpu.memory_space<vmem>>
        %dma_start3A_1102 = tpu.memref_squeeze %dma_start3A_1101 : memref<1x32x128xf32, #tpu.memory_space<vmem>> -> memref<32x128xf32, #tpu.memory_space<vmem>>
        %dma_start3A_1103 = arith.constant 0 : i32
        %dma_start3A_1104 = tpu.memref_slice %arg2[%dma_start3A_1103, %multiple_of3A_1088] : memref<32x1000001xf32, #tpu.memory_space<hbm>> -> memref<32x128xf32, #tpu.memory_space<hbm>>
        tpu.enqueue_dma source(%dma_start3A_1104 : memref<32x128xf32, #tpu.memory_space<hbm>>) target(%dma_start3A_1102 : memref<32x128xf32, #tpu.memory_space<vmem>>) target_semaphore(%dma_start3A_1098 : memref<!tpu.dma_semaphore, #tpu.memory_space<semaphore_mem>>)
      } else {
      }
      %dma_wait3A_468 = arith.constant 3 : i32
      %dma_wait3A_469 = arith.constant 3 : i32
      %dma_wait3A_470 = arith.constant 0 : i32
      %dma_wait3A_471 = arith.constant 0 : i32
      %dma_wait3A_472 = tpu.memref_slice %arg6[%dma_wait3A_468, %dma_wait3A_470, %dma_wait3A_471] : memref<16x32x128xf32, #tpu.memory_space<vmem>> -> memref<1x32x128xf32, #tpu.memory_space<vmem>>
      %dma_wait3A_473 = tpu.memref_squeeze %dma_wait3A_472 : memref<1x32x128xf32, #tpu.memory_space<vmem>> -> memref<32x128xf32, #tpu.memory_space<vmem>>
      %dma_wait3A_474 = arith.constant 0 : i32
      %dma_wait3A_475 = arith.constant 0 : i32
      %dma_wait3A_476 = tpu.memref_slice %arg2[%dma_wait3A_474, %dma_wait3A_475] : memref<32x1000001xf32, #tpu.memory_space<hbm>> -> memref<32x128xf32, #tpu.memory_space<hbm>>
      %dma_wait3A_477 = tpu.memref_slice %arg8[%dma_wait3A_469] : memref<16x!tpu.dma_semaphore, #tpu.memory_space<semaphore_mem>> -> memref<1x!tpu.dma_semaphore, #tpu.memory_space<semaphore_mem>>
      %dma_wait3A_478 = tpu.memref_squeeze %dma_wait3A_477 : memref<1x!tpu.dma_semaphore, #tpu.memory_space<semaphore_mem>> -> memref<!tpu.dma_semaphore, #tpu.memory_space<semaphore_mem>>
      %dma_wait3A_479 = arith.constant 0 : i32
      %dma_wait3A_480 = arith.constant 0 : i32
      %dma_wait3A_481 = tpu.memref_slice %arg6[%dma_wait3A_468, %dma_wait3A_479, %dma_wait3A_480] : memref<16x32x128xf32, #tpu.memory_space<vmem>> -> memref<1x32x128xf32, #tpu.memory_space<vmem>>
      %dma_wait3A_482 = tpu.memref_squeeze %dma_wait3A_481 : memref<1x32x128xf32, #tpu.memory_space<vmem>> -> memref<32x128xf32, #tpu.memory_space<vmem>>
      %dma_wait3A_483 = arith.constant 0 : i32
      %dma_wait3A_484 = arith.constant 0 : i32
      %dma_wait3A_485 = tpu.memref_slice %arg2[%dma_wait3A_483, %dma_wait3A_484] : memref<32x1000001xf32, #tpu.memory_space<hbm>> -> memref<32x128xf32, #tpu.memory_space<hbm>>
      tpu.wait_dma2 semaphore(%dma_wait3A_478 : memref<!tpu.dma_semaphore, #tpu.memory_space<semaphore_mem>>) src(%dma_wait3A_485 : memref<32x128xf32, #tpu.memory_space<hbm>>) dst(%dma_wait3A_482 : memref<32x128xf32, #tpu.memory_space<vmem>>)
      %slice3A_486 = vector.extract_strided_slice %and3A_323 {offsets = [3], sizes = [1], strides = [1]} : vector<16xi32> to vector<1xi32>
      %squeeze3A_487 = vector.extract %slice3A_486[0] : i32 from vector<1xi32>
      %broadcast_in_dim3A_488 = vector.broadcast %squeeze3A_487 : i32 to vector<16xi32>
      %rem3A_489 = arith.constant 8 : i32
      %rem3A_490 = arith.remsi %scan3A_315, %rem3A_489 : i32
      %mul3A_491 = arith.constant 16 : i32
      %mul3A_492 = arith.muli %rem3A_490, %mul3A_491 : i32
      %add3A_493 = arith.constant 3 : i32
      %add3A_494 = arith.addi %mul3A_492, %add3A_493 : i32
      %broadcast_in_dim3A_495 = vector.broadcast %add3A_494 : i32 to vector<16xi32>
      %gather3A_496 = arith.constant 3 : i32
      %gather3A_497 = arith.constant 0 : i32
      %gather3A_498 = arith.constant 0 : i32
      %gather3A_499 = tpu.memref_slice %arg6[%gather3A_496, %gather3A_497, %gather3A_498] : memref<16x32x128xf32, #tpu.memory_space<vmem>> -> memref<1x32x128xf32, #tpu.memory_space<vmem>>
      %gather3A_500 = tpu.memref_squeeze %gather3A_499 : memref<1x32x128xf32, #tpu.memory_space<vmem>> -> memref<32x128xf32, #tpu.memory_space<vmem>>
      %gather3A_501 = tpu.vector_load_idx %gather3A_500[%iota3A, %broadcast_in_dim3A_488] : memref<32x128xf32, #tpu.memory_space<vmem>>[vector<16xi32>, vector<16xi32>], vector<16xf32>,
      %gather3A_502 = arith.constant 3 : i32
      %gather3A_503 = arith.constant 0 : i32
      %gather3A_504 = arith.constant 0 : i32
      %gather3A_505 = tpu.memref_slice %arg6[%gather3A_502, %gather3A_503, %gather3A_504] : memref<16x32x128xf32, #tpu.memory_space<vmem>> -> memref<1x32x128xf32, #tpu.memory_space<vmem>>
      %gather3A_506 = tpu.memref_squeeze %gather3A_505 : memref<1x32x128xf32, #tpu.memory_space<vmem>> -> memref<32x128xf32, #tpu.memory_space<vmem>>
      %gather3A_507 = tpu.vector_load_idx %gather3A_506[%add3A_5, %broadcast_in_dim3A_488] : memref<32x128xf32, #tpu.memory_space<vmem>>[vector<16xi32>, vector<16xi32>], vector<16xf32>,
      tpu.vector_store_idx %arg7[%iota3A, %broadcast_in_dim3A_495], %gather3A_501 : memref<32x128xf32, #tpu.memory_space<vmem>>[vector<16xi32>, vector<16xi32>], vector<16xf32>,
      tpu.vector_store_idx %arg7[%add3A_5, %broadcast_in_dim3A_495], %gather3A_507 : memref<32x128xf32, #tpu.memory_space<vmem>>[vector<16xi32>, vector<16xi32>], vector<16xf32>,
      %add3A_508 = arith.constant 1 : i32
      %add3A_509 = arith.addi %scan3A_315, %add3A_508 : i32
      %lt3A_510 = arith.constant 32 : i32
      %lt3A_511 = arith.cmpi slt, %add3A_509, %lt3A_510 : i32
      %convert_element_type3A_512 = arith.extui %lt3A_511 : i1 to i32
      %cond3A_513 = arith.constant 0 : i32
      %cond3A_514 = arith.cmpi ne, %convert_element_type3A_512, %cond3A_513 : i32
      scf.if %cond3A_514 {
        %slice3A_1086 = vector.extract_strided_slice %sub3A_333 {offsets = [3], sizes = [1], strides = [1]} : vector<16xi32> to vector<1xi32>
        %squeeze3A_1087 = vector.extract %slice3A_1086[0] : i32 from vector<1xi32>
        %multiple_of3A_1088 = tpu.assume_multiple %squeeze3A_1087, 128 : i32
        %dma_start3A_1089 = arith.constant 3 : i32
        %dma_start3A_1090 = arith.constant 3 : i32
        %dma_start3A_1091 = arith.constant 0 : i32
        %dma_start3A_1092 = arith.constant 0 : i32
        %dma_start3A_1093 = tpu.memref_slice %arg6[%dma_start3A_1089, %dma_start3A_1091, %dma_start3A_1092] : memref<16x32x128xf32, #tpu.memory_space<vmem>> -> memref<1x32x128xf32, #tpu.memory_space<vmem>>
        %dma_start3A_1094 = tpu.memref_squeeze %dma_start3A_1093 : memref<1x32x128xf32, #tpu.memory_space<vmem>> -> memref<32x128xf32, #tpu.memory_space<vmem>>
        %dma_start3A_1095 = arith.constant 0 : i32
        %dma_start3A_1096 = tpu.memref_slice %arg2[%dma_start3A_1095, %multiple_of3A_1088] : memref<32x1000001xf32, #tpu.memory_space<hbm>> -> memref<32x128xf32, #tpu.memory_space<hbm>>
        %dma_start3A_1097 = tpu.memref_slice %arg8[%dma_start3A_1090] : memref<16x!tpu.dma_semaphore, #tpu.memory_space<semaphore_mem>> -> memref<1x!tpu.dma_semaphore, #tpu.memory_space<semaphore_mem>>
        %dma_start3A_1098 = tpu.memref_squeeze %dma_start3A_1097 : memref<1x!tpu.dma_semaphore, #tpu.memory_space<semaphore_mem>> -> memref<!tpu.dma_semaphore, #tpu.memory_space<semaphore_mem>>
        %dma_start3A_1099 = arith.constant 0 : i32
        %dma_start3A_1100 = arith.constant 0 : i32
        %dma_start3A_1101 = tpu.memref_slice %arg6[%dma_start3A_1089, %dma_start3A_1099, %dma_start3A_1100] : memref<16x32x128xf32, #tpu.memory_space<vmem>> -> memref<1x32x128xf32, #tpu.memory_space<vmem>>
        %dma_start3A_1102 = tpu.memref_squeeze %dma_start3A_1101 : memref<1x32x128xf32, #tpu.memory_space<vmem>> -> memref<32x128xf32, #tpu.memory_space<vmem>>
        %dma_start3A_1103 = arith.constant 0 : i32
        %dma_start3A_1104 = tpu.memref_slice %arg2[%dma_start3A_1103, %multiple_of3A_1088] : memref<32x1000001xf32, #tpu.memory_space<hbm>> -> memref<32x128xf32, #tpu.memory_space<hbm>>
        tpu.enqueue_dma source(%dma_start3A_1104 : memref<32x128xf32, #tpu.memory_space<hbm>>) target(%dma_start3A_1102 : memref<32x128xf32, #tpu.memory_space<vmem>>) target_semaphore(%dma_start3A_1098 : memref<!tpu.dma_semaphore, #tpu.memory_space<semaphore_mem>>)
      } else {
      }
      %dma_wait3A_515 = arith.constant 4 : i32
      %dma_wait3A_516 = arith.constant 4 : i32
      %dma_wait3A_517 = arith.constant 0 : i32
      %dma_wait3A_518 = arith.constant 0 : i32
      %dma_wait3A_519 = tpu.memref_slice %arg6[%dma_wait3A_515, %dma_wait3A_517, %dma_wait3A_518] : memref<16x32x128xf32, #tpu.memory_space<vmem>> -> memref<1x32x128xf32, #tpu.memory_space<vmem>>
      %dma_wait3A_520 = tpu.memref_squeeze %dma_wait3A_519 : memref<1x32x128xf32, #tpu.memory_space<vmem>> -> memref<32x128xf32, #tpu.memory_space<vmem>>
      %dma_wait3A_521 = arith.constant 0 : i32
      %dma_wait3A_522 = arith.constant 0 : i32
      %dma_wait3A_523 = tpu.memref_slice %arg2[%dma_wait3A_521, %dma_wait3A_522] : memref<32x1000001xf32, #tpu.memory_space<hbm>> -> memref<32x128xf32, #tpu.memory_space<hbm>>
      %dma_wait3A_524 = tpu.memref_slice %arg8[%dma_wait3A_516] : memref<16x!tpu.dma_semaphore, #tpu.memory_space<semaphore_mem>> -> memref<1x!tpu.dma_semaphore, #tpu.memory_space<semaphore_mem>>
      %dma_wait3A_525 = tpu.memref_squeeze %dma_wait3A_524 : memref<1x!tpu.dma_semaphore, #tpu.memory_space<semaphore_mem>> -> memref<!tpu.dma_semaphore, #tpu.memory_space<semaphore_mem>>
      %dma_wait3A_526 = arith.constant 0 : i32
      %dma_wait3A_527 = arith.constant 0 : i32
      %dma_wait3A_528 = tpu.memref_slice %arg6[%dma_wait3A_515, %dma_wait3A_526, %dma_wait3A_527] : memref<16x32x128xf32, #tpu.memory_space<vmem>> -> memref<1x32x128xf32, #tpu.memory_space<vmem>>
      %dma_wait3A_529 = tpu.memref_squeeze %dma_wait3A_528 : memref<1x32x128xf32, #tpu.memory_space<vmem>> -> memref<32x128xf32, #tpu.memory_space<vmem>>
      %dma_wait3A_530 = arith.constant 0 : i32
      %dma_wait3A_531 = arith.constant 0 : i32
      %dma_wait3A_532 = tpu.memref_slice %arg2[%dma_wait3A_530, %dma_wait3A_531] : memref<32x1000001xf32, #tpu.memory_space<hbm>> -> memref<32x128xf32, #tpu.memory_space<hbm>>
      tpu.wait_dma2 semaphore(%dma_wait3A_525 : memref<!tpu.dma_semaphore, #tpu.memory_space<semaphore_mem>>) src(%dma_wait3A_532 : memref<32x128xf32, #tpu.memory_space<hbm>>) dst(%dma_wait3A_529 : memref<32x128xf32, #tpu.memory_space<vmem>>)
      %slice3A_533 = vector.extract_strided_slice %and3A_323 {offsets = [4], sizes = [1], strides = [1]} : vector<16xi32> to vector<1xi32>
      %squeeze3A_534 = vector.extract %slice3A_533[0] : i32 from vector<1xi32>
      %broadcast_in_dim3A_535 = vector.broadcast %squeeze3A_534 : i32 to vector<16xi32>
      %rem3A_536 = arith.constant 8 : i32
      %rem3A_537 = arith.remsi %scan3A_315, %rem3A_536 : i32
      %mul3A_538 = arith.constant 16 : i32
      %mul3A_539 = arith.muli %rem3A_537, %mul3A_538 : i32
      %add3A_540 = arith.constant 4 : i32
      %add3A_541 = arith.addi %mul3A_539, %add3A_540 : i32
      %broadcast_in_dim3A_542 = vector.broadcast %add3A_541 : i32 to vector<16xi32>
      %gather3A_543 = arith.constant 4 : i32
      %gather3A_544 = arith.constant 0 : i32
      %gather3A_545 = arith.constant 0 : i32
      %gather3A_546 = tpu.memref_slice %arg6[%gather3A_543, %gather3A_544, %gather3A_545] : memref<16x32x128xf32, #tpu.memory_space<vmem>> -> memref<1x32x128xf32, #tpu.memory_space<vmem>>
      %gather3A_547 = tpu.memref_squeeze %gather3A_546 : memref<1x32x128xf32, #tpu.memory_space<vmem>> -> memref<32x128xf32, #tpu.memory_space<vmem>>
      %gather3A_548 = tpu.vector_load_idx %gather3A_547[%iota3A, %broadcast_in_dim3A_535] : memref<32x128xf32, #tpu.memory_space<vmem>>[vector<16xi32>, vector<16xi32>], vector<16xf32>,
      %gather3A_549 = arith.constant 4 : i32
      %gather3A_550 = arith.constant 0 : i32
      %gather3A_551 = arith.constant 0 : i32
      %gather3A_552 = tpu.memref_slice %arg6[%gather3A_549, %gather3A_550, %gather3A_551] : memref<16x32x128xf32, #tpu.memory_space<vmem>> -> memref<1x32x128xf32, #tpu.memory_space<vmem>>
      %gather3A_553 = tpu.memref_squeeze %gather3A_552 : memref<1x32x128xf32, #tpu.memory_space<vmem>> -> memref<32x128xf32, #tpu.memory_space<vmem>>
      %gather3A_554 = tpu.vector_load_idx %gather3A_553[%add3A_5, %broadcast_in_dim3A_535] : memref<32x128xf32, #tpu.memory_space<vmem>>[vector<16xi32>, vector<16xi32>], vector<16xf32>,
      tpu.vector_store_idx %arg7[%iota3A, %broadcast_in_dim3A_542], %gather3A_548 : memref<32x128xf32, #tpu.memory_space<vmem>>[vector<16xi32>, vector<16xi32>], vector<16xf32>,
      tpu.vector_store_idx %arg7[%add3A_5, %broadcast_in_dim3A_542], %gather3A_554 : memref<32x128xf32, #tpu.memory_space<vmem>>[vector<16xi32>, vector<16xi32>], vector<16xf32>,
      %add3A_555 = arith.constant 1 : i32
      %add3A_556 = arith.addi %scan3A_315, %add3A_555 : i32
      %lt3A_557 = arith.constant 32 : i32
      %lt3A_558 = arith.cmpi slt, %add3A_556, %lt3A_557 : i32
      %convert_element_type3A_559 = arith.extui %lt3A_558 : i1 to i32
      %cond3A_560 = arith.constant 0 : i32
      %cond3A_561 = arith.cmpi ne, %convert_element_type3A_559, %cond3A_560 : i32
      scf.if %cond3A_561 {
        %slice3A_1086 = vector.extract_strided_slice %sub3A_333 {offsets = [4], sizes = [1], strides = [1]} : vector<16xi32> to vector<1xi32>
        %squeeze3A_1087 = vector.extract %slice3A_1086[0] : i32 from vector<1xi32>
        %multiple_of3A_1088 = tpu.assume_multiple %squeeze3A_1087, 128 : i32
        %dma_start3A_1089 = arith.constant 4 : i32
        %dma_start3A_1090 = arith.constant 4 : i32
        %dma_start3A_1091 = arith.constant 0 : i32
        %dma_start3A_1092 = arith.constant 0 : i32
        %dma_start3A_1093 = tpu.memref_slice %arg6[%dma_start3A_1089, %dma_start3A_1091, %dma_start3A_1092] : memref<16x32x128xf32, #tpu.memory_space<vmem>> -> memref<1x32x128xf32, #tpu.memory_space<vmem>>
        %dma_start3A_1094 = tpu.memref_squeeze %dma_start3A_1093 : memref<1x32x128xf32, #tpu.memory_space<vmem>> -> memref<32x128xf32, #tpu.memory_space<vmem>>
        %dma_start3A_1095 = arith.constant 0 : i32
        %dma_start3A_1096 = tpu.memref_slice %arg2[%dma_start3A_1095, %multiple_of3A_1088] : memref<32x1000001xf32, #tpu.memory_space<hbm>> -> memref<32x128xf32, #tpu.memory_space<hbm>>
        %dma_start3A_1097 = tpu.memref_slice %arg8[%dma_start3A_1090] : memref<16x!tpu.dma_semaphore, #tpu.memory_space<semaphore_mem>> -> memref<1x!tpu.dma_semaphore, #tpu.memory_space<semaphore_mem>>
        %dma_start3A_1098 = tpu.memref_squeeze %dma_start3A_1097 : memref<1x!tpu.dma_semaphore, #tpu.memory_space<semaphore_mem>> -> memref<!tpu.dma_semaphore, #tpu.memory_space<semaphore_mem>>
        %dma_start3A_1099 = arith.constant 0 : i32
        %dma_start3A_1100 = arith.constant 0 : i32
        %dma_start3A_1101 = tpu.memref_slice %arg6[%dma_start3A_1089, %dma_start3A_1099, %dma_start3A_1100] : memref<16x32x128xf32, #tpu.memory_space<vmem>> -> memref<1x32x128xf32, #tpu.memory_space<vmem>>
        %dma_start3A_1102 = tpu.memref_squeeze %dma_start3A_1101 : memref<1x32x128xf32, #tpu.memory_space<vmem>> -> memref<32x128xf32, #tpu.memory_space<vmem>>
        %dma_start3A_1103 = arith.constant 0 : i32
        %dma_start3A_1104 = tpu.memref_slice %arg2[%dma_start3A_1103, %multiple_of3A_1088] : memref<32x1000001xf32, #tpu.memory_space<hbm>> -> memref<32x128xf32, #tpu.memory_space<hbm>>
        tpu.enqueue_dma source(%dma_start3A_1104 : memref<32x128xf32, #tpu.memory_space<hbm>>) target(%dma_start3A_1102 : memref<32x128xf32, #tpu.memory_space<vmem>>) target_semaphore(%dma_start3A_1098 : memref<!tpu.dma_semaphore, #tpu.memory_space<semaphore_mem>>)
      } else {
      }
      %dma_wait3A_562 = arith.constant 5 : i32
      %dma_wait3A_563 = arith.constant 5 : i32
      %dma_wait3A_564 = arith.constant 0 : i32
      %dma_wait3A_565 = arith.constant 0 : i32
      %dma_wait3A_566 = tpu.memref_slice %arg6[%dma_wait3A_562, %dma_wait3A_564, %dma_wait3A_565] : memref<16x32x128xf32, #tpu.memory_space<vmem>> -> memref<1x32x128xf32, #tpu.memory_space<vmem>>
      %dma_wait3A_567 = tpu.memref_squeeze %dma_wait3A_566 : memref<1x32x128xf32, #tpu.memory_space<vmem>> -> memref<32x128xf32, #tpu.memory_space<vmem>>
      %dma_wait3A_568 = arith.constant 0 : i32
      %dma_wait3A_569 = arith.constant 0 : i32
      %dma_wait3A_570 = tpu.memref_slice %arg2[%dma_wait3A_568, %dma_wait3A_569] : memref<32x1000001xf32, #tpu.memory_space<hbm>> -> memref<32x128xf32, #tpu.memory_space<hbm>>
      %dma_wait3A_571 = tpu.memref_slice %arg8[%dma_wait3A_563] : memref<16x!tpu.dma_semaphore, #tpu.memory_space<semaphore_mem>> -> memref<1x!tpu.dma_semaphore, #tpu.memory_space<semaphore_mem>>
      %dma_wait3A_572 = tpu.memref_squeeze %dma_wait3A_571 : memref<1x!tpu.dma_semaphore, #tpu.memory_space<semaphore_mem>> -> memref<!tpu.dma_semaphore, #tpu.memory_space<semaphore_mem>>
      %dma_wait3A_573 = arith.constant 0 : i32
      %dma_wait3A_574 = arith.constant 0 : i32
      %dma_wait3A_575 = tpu.memref_slice %arg6[%dma_wait3A_562, %dma_wait3A_573, %dma_wait3A_574] : memref<16x32x128xf32, #tpu.memory_space<vmem>> -> memref<1x32x128xf32, #tpu.memory_space<vmem>>
      %dma_wait3A_576 = tpu.memref_squeeze %dma_wait3A_575 : memref<1x32x128xf32, #tpu.memory_space<vmem>> -> memref<32x128xf32, #tpu.memory_space<vmem>>
      %dma_wait3A_577 = arith.constant 0 : i32
      %dma_wait3A_578 = arith.constant 0 : i32
      %dma_wait3A_579 = tpu.memref_slice %arg2[%dma_wait3A_577, %dma_wait3A_578] : memref<32x1000001xf32, #tpu.memory_space<hbm>> -> memref<32x128xf32, #tpu.memory_space<hbm>>
      tpu.wait_dma2 semaphore(%dma_wait3A_572 : memref<!tpu.dma_semaphore, #tpu.memory_space<semaphore_mem>>) src(%dma_wait3A_579 : memref<32x128xf32, #tpu.memory_space<hbm>>) dst(%dma_wait3A_576 : memref<32x128xf32, #tpu.memory_space<vmem>>)
      %slice3A_580 = vector.extract_strided_slice %and3A_323 {offsets = [5], sizes = [1], strides = [1]} : vector<16xi32> to vector<1xi32>
      %squeeze3A_581 = vector.extract %slice3A_580[0] : i32 from vector<1xi32>
      %broadcast_in_dim3A_582 = vector.broadcast %squeeze3A_581 : i32 to vector<16xi32>
      %rem3A_583 = arith.constant 8 : i32
      %rem3A_584 = arith.remsi %scan3A_315, %rem3A_583 : i32
      %mul3A_585 = arith.constant 16 : i32
      %mul3A_586 = arith.muli %rem3A_584, %mul3A_585 : i32
      %add3A_587 = arith.constant 5 : i32
      %add3A_588 = arith.addi %mul3A_586, %add3A_587 : i32
      %broadcast_in_dim3A_589 = vector.broadcast %add3A_588 : i32 to vector<16xi32>
      %gather3A_590 = arith.constant 5 : i32
      %gather3A_591 = arith.constant 0 : i32
      %gather3A_592 = arith.constant 0 : i32
      %gather3A_593 = tpu.memref_slice %arg6[%gather3A_590, %gather3A_591, %gather3A_592] : memref<16x32x128xf32, #tpu.memory_space<vmem>> -> memref<1x32x128xf32, #tpu.memory_space<vmem>>
      %gather3A_594 = tpu.memref_squeeze %gather3A_593 : memref<1x32x128xf32, #tpu.memory_space<vmem>> -> memref<32x128xf32, #tpu.memory_space<vmem>>
      %gather3A_595 = tpu.vector_load_idx %gather3A_594[%iota3A, %broadcast_in_dim3A_582] : memref<32x128xf32, #tpu.memory_space<vmem>>[vector<16xi32>, vector<16xi32>], vector<16xf32>,
      %gather3A_596 = arith.constant 5 : i32
      %gather3A_597 = arith.constant 0 : i32
      %gather3A_598 = arith.constant 0 : i32
      %gather3A_599 = tpu.memref_slice %arg6[%gather3A_596, %gather3A_597, %gather3A_598] : memref<16x32x128xf32, #tpu.memory_space<vmem>> -> memref<1x32x128xf32, #tpu.memory_space<vmem>>
      %gather3A_600 = tpu.memref_squeeze %gather3A_599 : memref<1x32x128xf32, #tpu.memory_space<vmem>> -> memref<32x128xf32, #tpu.memory_space<vmem>>
      %gather3A_601 = tpu.vector_load_idx %gather3A_600[%add3A_5, %broadcast_in_dim3A_582] : memref<32x128xf32, #tpu.memory_space<vmem>>[vector<16xi32>, vector<16xi32>], vector<16xf32>,
      tpu.vector_store_idx %arg7[%iota3A, %broadcast_in_dim3A_589], %gather3A_595 : memref<32x128xf32, #tpu.memory_space<vmem>>[vector<16xi32>, vector<16xi32>], vector<16xf32>,
      tpu.vector_store_idx %arg7[%add3A_5, %broadcast_in_dim3A_589], %gather3A_601 : memref<32x128xf32, #tpu.memory_space<vmem>>[vector<16xi32>, vector<16xi32>], vector<16xf32>,
      %add3A_602 = arith.constant 1 : i32
      %add3A_603 = arith.addi %scan3A_315, %add3A_602 : i32
      %lt3A_604 = arith.constant 32 : i32
      %lt3A_605 = arith.cmpi slt, %add3A_603, %lt3A_604 : i32
      %convert_element_type3A_606 = arith.extui %lt3A_605 : i1 to i32
      %cond3A_607 = arith.constant 0 : i32
      %cond3A_608 = arith.cmpi ne, %convert_element_type3A_606, %cond3A_607 : i32
      scf.if %cond3A_608 {
        %slice3A_1086 = vector.extract_strided_slice %sub3A_333 {offsets = [5], sizes = [1], strides = [1]} : vector<16xi32> to vector<1xi32>
        %squeeze3A_1087 = vector.extract %slice3A_1086[0] : i32 from vector<1xi32>
        %multiple_of3A_1088 = tpu.assume_multiple %squeeze3A_1087, 128 : i32
        %dma_start3A_1089 = arith.constant 5 : i32
        %dma_start3A_1090 = arith.constant 5 : i32
        %dma_start3A_1091 = arith.constant 0 : i32
        %dma_start3A_1092 = arith.constant 0 : i32
        %dma_start3A_1093 = tpu.memref_slice %arg6[%dma_start3A_1089, %dma_start3A_1091, %dma_start3A_1092] : memref<16x32x128xf32, #tpu.memory_space<vmem>> -> memref<1x32x128xf32, #tpu.memory_space<vmem>>
        %dma_start3A_1094 = tpu.memref_squeeze %dma_start3A_1093 : memref<1x32x128xf32, #tpu.memory_space<vmem>> -> memref<32x128xf32, #tpu.memory_space<vmem>>
        %dma_start3A_1095 = arith.constant 0 : i32
        %dma_start3A_1096 = tpu.memref_slice %arg2[%dma_start3A_1095, %multiple_of3A_1088] : memref<32x1000001xf32, #tpu.memory_space<hbm>> -> memref<32x128xf32, #tpu.memory_space<hbm>>
        %dma_start3A_1097 = tpu.memref_slice %arg8[%dma_start3A_1090] : memref<16x!tpu.dma_semaphore, #tpu.memory_space<semaphore_mem>> -> memref<1x!tpu.dma_semaphore, #tpu.memory_space<semaphore_mem>>
        %dma_start3A_1098 = tpu.memref_squeeze %dma_start3A_1097 : memref<1x!tpu.dma_semaphore, #tpu.memory_space<semaphore_mem>> -> memref<!tpu.dma_semaphore, #tpu.memory_space<semaphore_mem>>
        %dma_start3A_1099 = arith.constant 0 : i32
        %dma_start3A_1100 = arith.constant 0 : i32
        %dma_start3A_1101 = tpu.memref_slice %arg6[%dma_start3A_1089, %dma_start3A_1099, %dma_start3A_1100] : memref<16x32x128xf32, #tpu.memory_space<vmem>> -> memref<1x32x128xf32, #tpu.memory_space<vmem>>
        %dma_start3A_1102 = tpu.memref_squeeze %dma_start3A_1101 : memref<1x32x128xf32, #tpu.memory_space<vmem>> -> memref<32x128xf32, #tpu.memory_space<vmem>>
        %dma_start3A_1103 = arith.constant 0 : i32
        %dma_start3A_1104 = tpu.memref_slice %arg2[%dma_start3A_1103, %multiple_of3A_1088] : memref<32x1000001xf32, #tpu.memory_space<hbm>> -> memref<32x128xf32, #tpu.memory_space<hbm>>
        tpu.enqueue_dma source(%dma_start3A_1104 : memref<32x128xf32, #tpu.memory_space<hbm>>) target(%dma_start3A_1102 : memref<32x128xf32, #tpu.memory_space<vmem>>) target_semaphore(%dma_start3A_1098 : memref<!tpu.dma_semaphore, #tpu.memory_space<semaphore_mem>>)
      } else {
      }
      %dma_wait3A_609 = arith.constant 6 : i32
      %dma_wait3A_610 = arith.constant 6 : i32
      %dma_wait3A_611 = arith.constant 0 : i32
      %dma_wait3A_612 = arith.constant 0 : i32
      %dma_wait3A_613 = tpu.memref_slice %arg6[%dma_wait3A_609, %dma_wait3A_611, %dma_wait3A_612] : memref<16x32x128xf32, #tpu.memory_space<vmem>> -> memref<1x32x128xf32, #tpu.memory_space<vmem>>
      %dma_wait3A_614 = tpu.memref_squeeze %dma_wait3A_613 : memref<1x32x128xf32, #tpu.memory_space<vmem>> -> memref<32x128xf32, #tpu.memory_space<vmem>>
      %dma_wait3A_615 = arith.constant 0 : i32
      %dma_wait3A_616 = arith.constant 0 : i32
      %dma_wait3A_617 = tpu.memref_slice %arg2[%dma_wait3A_615, %dma_wait3A_616] : memref<32x1000001xf32, #tpu.memory_space<hbm>> -> memref<32x128xf32, #tpu.memory_space<hbm>>
      %dma_wait3A_618 = tpu.memref_slice %arg8[%dma_wait3A_610] : memref<16x!tpu.dma_semaphore, #tpu.memory_space<semaphore_mem>> -> memref<1x!tpu.dma_semaphore, #tpu.memory_space<semaphore_mem>>
      %dma_wait3A_619 = tpu.memref_squeeze %dma_wait3A_618 : memref<1x!tpu.dma_semaphore, #tpu.memory_space<semaphore_mem>> -> memref<!tpu.dma_semaphore, #tpu.memory_space<semaphore_mem>>
      %dma_wait3A_620 = arith.constant 0 : i32
      %dma_wait3A_621 = arith.constant 0 : i32
      %dma_wait3A_622 = tpu.memref_slice %arg6[%dma_wait3A_609, %dma_wait3A_620, %dma_wait3A_621] : memref<16x32x128xf32, #tpu.memory_space<vmem>> -> memref<1x32x128xf32, #tpu.memory_space<vmem>>
      %dma_wait3A_623 = tpu.memref_squeeze %dma_wait3A_622 : memref<1x32x128xf32, #tpu.memory_space<vmem>> -> memref<32x128xf32, #tpu.memory_space<vmem>>
      %dma_wait3A_624 = arith.constant 0 : i32
      %dma_wait3A_625 = arith.constant 0 : i32
      %dma_wait3A_626 = tpu.memref_slice %arg2[%dma_wait3A_624, %dma_wait3A_625] : memref<32x1000001xf32, #tpu.memory_space<hbm>> -> memref<32x128xf32, #tpu.memory_space<hbm>>
      tpu.wait_dma2 semaphore(%dma_wait3A_619 : memref<!tpu.dma_semaphore, #tpu.memory_space<semaphore_mem>>) src(%dma_wait3A_626 : memref<32x128xf32, #tpu.memory_space<hbm>>) dst(%dma_wait3A_623 : memref<32x128xf32, #tpu.memory_space<vmem>>)
      %slice3A_627 = vector.extract_strided_slice %and3A_323 {offsets = [6], sizes = [1], strides = [1]} : vector<16xi32> to vector<1xi32>
      %squeeze3A_628 = vector.extract %slice3A_627[0] : i32 from vector<1xi32>
      %broadcast_in_dim3A_629 = vector.broadcast %squeeze3A_628 : i32 to vector<16xi32>
      %rem3A_630 = arith.constant 8 : i32
      %rem3A_631 = arith.remsi %scan3A_315, %rem3A_630 : i32
      %mul3A_632 = arith.constant 16 : i32
      %mul3A_633 = arith.muli %rem3A_631, %mul3A_632 : i32
      %add3A_634 = arith.constant 6 : i32
      %add3A_635 = arith.addi %mul3A_633, %add3A_634 : i32
      %broadcast_in_dim3A_636 = vector.broadcast %add3A_635 : i32 to vector<16xi32>
      %gather3A_637 = arith.constant 6 : i32
      %gather3A_638 = arith.constant 0 : i32
      %gather3A_639 = arith.constant 0 : i32
      %gather3A_640 = tpu.memref_slice %arg6[%gather3A_637, %gather3A_638, %gather3A_639] : memref<16x32x128xf32, #tpu.memory_space<vmem>> -> memref<1x32x128xf32, #tpu.memory_space<vmem>>
      %gather3A_641 = tpu.memref_squeeze %gather3A_640 : memref<1x32x128xf32, #tpu.memory_space<vmem>> -> memref<32x128xf32, #tpu.memory_space<vmem>>
      %gather3A_642 = tpu.vector_load_idx %gather3A_641[%iota3A, %broadcast_in_dim3A_629] : memref<32x128xf32, #tpu.memory_space<vmem>>[vector<16xi32>, vector<16xi32>], vector<16xf32>,
      %gather3A_643 = arith.constant 6 : i32
      %gather3A_644 = arith.constant 0 : i32
      %gather3A_645 = arith.constant 0 : i32
      %gather3A_646 = tpu.memref_slice %arg6[%gather3A_643, %gather3A_644, %gather3A_645] : memref<16x32x128xf32, #tpu.memory_space<vmem>> -> memref<1x32x128xf32, #tpu.memory_space<vmem>>
      %gather3A_647 = tpu.memref_squeeze %gather3A_646 : memref<1x32x128xf32, #tpu.memory_space<vmem>> -> memref<32x128xf32, #tpu.memory_space<vmem>>
      %gather3A_648 = tpu.vector_load_idx %gather3A_647[%add3A_5, %broadcast_in_dim3A_629] : memref<32x128xf32, #tpu.memory_space<vmem>>[vector<16xi32>, vector<16xi32>], vector<16xf32>,
      tpu.vector_store_idx %arg7[%iota3A, %broadcast_in_dim3A_636], %gather3A_642 : memref<32x128xf32, #tpu.memory_space<vmem>>[vector<16xi32>, vector<16xi32>], vector<16xf32>,
      tpu.vector_store_idx %arg7[%add3A_5, %broadcast_in_dim3A_636], %gather3A_648 : memref<32x128xf32, #tpu.memory_space<vmem>>[vector<16xi32>, vector<16xi32>], vector<16xf32>,
      %add3A_649 = arith.constant 1 : i32
      %add3A_650 = arith.addi %scan3A_315, %add3A_649 : i32
      %lt3A_651 = arith.constant 32 : i32
      %lt3A_652 = arith.cmpi slt, %add3A_650, %lt3A_651 : i32
      %convert_element_type3A_653 = arith.extui %lt3A_652 : i1 to i32
      %cond3A_654 = arith.constant 0 : i32
      %cond3A_655 = arith.cmpi ne, %convert_element_type3A_653, %cond3A_654 : i32
      scf.if %cond3A_655 {
        %slice3A_1086 = vector.extract_strided_slice %sub3A_333 {offsets = [6], sizes = [1], strides = [1]} : vector<16xi32> to vector<1xi32>
        %squeeze3A_1087 = vector.extract %slice3A_1086[0] : i32 from vector<1xi32>
        %multiple_of3A_1088 = tpu.assume_multiple %squeeze3A_1087, 128 : i32
        %dma_start3A_1089 = arith.constant 6 : i32
        %dma_start3A_1090 = arith.constant 6 : i32
        %dma_start3A_1091 = arith.constant 0 : i32
        %dma_start3A_1092 = arith.constant 0 : i32
        %dma_start3A_1093 = tpu.memref_slice %arg6[%dma_start3A_1089, %dma_start3A_1091, %dma_start3A_1092] : memref<16x32x128xf32, #tpu.memory_space<vmem>> -> memref<1x32x128xf32, #tpu.memory_space<vmem>>
        %dma_start3A_1094 = tpu.memref_squeeze %dma_start3A_1093 : memref<1x32x128xf32, #tpu.memory_space<vmem>> -> memref<32x128xf32, #tpu.memory_space<vmem>>
        %dma_start3A_1095 = arith.constant 0 : i32
        %dma_start3A_1096 = tpu.memref_slice %arg2[%dma_start3A_1095, %multiple_of3A_1088] : memref<32x1000001xf32, #tpu.memory_space<hbm>> -> memref<32x128xf32, #tpu.memory_space<hbm>>
        %dma_start3A_1097 = tpu.memref_slice %arg8[%dma_start3A_1090] : memref<16x!tpu.dma_semaphore, #tpu.memory_space<semaphore_mem>> -> memref<1x!tpu.dma_semaphore, #tpu.memory_space<semaphore_mem>>
        %dma_start3A_1098 = tpu.memref_squeeze %dma_start3A_1097 : memref<1x!tpu.dma_semaphore, #tpu.memory_space<semaphore_mem>> -> memref<!tpu.dma_semaphore, #tpu.memory_space<semaphore_mem>>
        %dma_start3A_1099 = arith.constant 0 : i32
        %dma_start3A_1100 = arith.constant 0 : i32
        %dma_start3A_1101 = tpu.memref_slice %arg6[%dma_start3A_1089, %dma_start3A_1099, %dma_start3A_1100] : memref<16x32x128xf32, #tpu.memory_space<vmem>> -> memref<1x32x128xf32, #tpu.memory_space<vmem>>
        %dma_start3A_1102 = tpu.memref_squeeze %dma_start3A_1101 : memref<1x32x128xf32, #tpu.memory_space<vmem>> -> memref<32x128xf32, #tpu.memory_space<vmem>>
        %dma_start3A_1103 = arith.constant 0 : i32
        %dma_start3A_1104 = tpu.memref_slice %arg2[%dma_start3A_1103, %multiple_of3A_1088] : memref<32x1000001xf32, #tpu.memory_space<hbm>> -> memref<32x128xf32, #tpu.memory_space<hbm>>
        tpu.enqueue_dma source(%dma_start3A_1104 : memref<32x128xf32, #tpu.memory_space<hbm>>) target(%dma_start3A_1102 : memref<32x128xf32, #tpu.memory_space<vmem>>) target_semaphore(%dma_start3A_1098 : memref<!tpu.dma_semaphore, #tpu.memory_space<semaphore_mem>>)
      } else {
      }
      %dma_wait3A_656 = arith.constant 7 : i32
      %dma_wait3A_657 = arith.constant 7 : i32
      %dma_wait3A_658 = arith.constant 0 : i32
      %dma_wait3A_659 = arith.constant 0 : i32
      %dma_wait3A_660 = tpu.memref_slice %arg6[%dma_wait3A_656, %dma_wait3A_658, %dma_wait3A_659] : memref<16x32x128xf32, #tpu.memory_space<vmem>> -> memref<1x32x128xf32, #tpu.memory_space<vmem>>
      %dma_wait3A_661 = tpu.memref_squeeze %dma_wait3A_660 : memref<1x32x128xf32, #tpu.memory_space<vmem>> -> memref<32x128xf32, #tpu.memory_space<vmem>>
      %dma_wait3A_662 = arith.constant 0 : i32
      %dma_wait3A_663 = arith.constant 0 : i32
      %dma_wait3A_664 = tpu.memref_slice %arg2[%dma_wait3A_662, %dma_wait3A_663] : memref<32x1000001xf32, #tpu.memory_space<hbm>> -> memref<32x128xf32, #tpu.memory_space<hbm>>
      %dma_wait3A_665 = tpu.memref_slice %arg8[%dma_wait3A_657] : memref<16x!tpu.dma_semaphore, #tpu.memory_space<semaphore_mem>> -> memref<1x!tpu.dma_semaphore, #tpu.memory_space<semaphore_mem>>
      %dma_wait3A_666 = tpu.memref_squeeze %dma_wait3A_665 : memref<1x!tpu.dma_semaphore, #tpu.memory_space<semaphore_mem>> -> memref<!tpu.dma_semaphore, #tpu.memory_space<semaphore_mem>>
      %dma_wait3A_667 = arith.constant 0 : i32
      %dma_wait3A_668 = arith.constant 0 : i32
      %dma_wait3A_669 = tpu.memref_slice %arg6[%dma_wait3A_656, %dma_wait3A_667, %dma_wait3A_668] : memref<16x32x128xf32, #tpu.memory_space<vmem>> -> memref<1x32x128xf32, #tpu.memory_space<vmem>>
      %dma_wait3A_670 = tpu.memref_squeeze %dma_wait3A_669 : memref<1x32x128xf32, #tpu.memory_space<vmem>> -> memref<32x128xf32, #tpu.memory_space<vmem>>
      %dma_wait3A_671 = arith.constant 0 : i32
      %dma_wait3A_672 = arith.constant 0 : i32
      %dma_wait3A_673 = tpu.memref_slice %arg2[%dma_wait3A_671, %dma_wait3A_672] : memref<32x1000001xf32, #tpu.memory_space<hbm>> -> memref<32x128xf32, #tpu.memory_space<hbm>>
      tpu.wait_dma2 semaphore(%dma_wait3A_666 : memref<!tpu.dma_semaphore, #tpu.memory_space<semaphore_mem>>) src(%dma_wait3A_673 : memref<32x128xf32, #tpu.memory_space<hbm>>) dst(%dma_wait3A_670 : memref<32x128xf32, #tpu.memory_space<vmem>>)
      %slice3A_674 = vector.extract_strided_slice %and3A_323 {offsets = [7], sizes = [1], strides = [1]} : vector<16xi32> to vector<1xi32>
      %squeeze3A_675 = vector.extract %slice3A_674[0] : i32 from vector<1xi32>
      %broadcast_in_dim3A_676 = vector.broadcast %squeeze3A_675 : i32 to vector<16xi32>
      %rem3A_677 = arith.constant 8 : i32
      %rem3A_678 = arith.remsi %scan3A_315, %rem3A_677 : i32
      %mul3A_679 = arith.constant 16 : i32
      %mul3A_680 = arith.muli %rem3A_678, %mul3A_679 : i32
      %add3A_681 = arith.constant 7 : i32
      %add3A_682 = arith.addi %mul3A_680, %add3A_681 : i32
      %broadcast_in_dim3A_683 = vector.broadcast %add3A_682 : i32 to vector<16xi32>
      %gather3A_684 = arith.constant 7 : i32
      %gather3A_685 = arith.constant 0 : i32
      %gather3A_686 = arith.constant 0 : i32
      %gather3A_687 = tpu.memref_slice %arg6[%gather3A_684, %gather3A_685, %gather3A_686] : memref<16x32x128xf32, #tpu.memory_space<vmem>> -> memref<1x32x128xf32, #tpu.memory_space<vmem>>
      %gather3A_688 = tpu.memref_squeeze %gather3A_687 : memref<1x32x128xf32, #tpu.memory_space<vmem>> -> memref<32x128xf32, #tpu.memory_space<vmem>>
      %gather3A_689 = tpu.vector_load_idx %gather3A_688[%iota3A, %broadcast_in_dim3A_676] : memref<32x128xf32, #tpu.memory_space<vmem>>[vector<16xi32>, vector<16xi32>], vector<16xf32>,
      %gather3A_690 = arith.constant 7 : i32
      %gather3A_691 = arith.constant 0 : i32
      %gather3A_692 = arith.constant 0 : i32
      %gather3A_693 = tpu.memref_slice %arg6[%gather3A_690, %gather3A_691, %gather3A_692] : memref<16x32x128xf32, #tpu.memory_space<vmem>> -> memref<1x32x128xf32, #tpu.memory_space<vmem>>
      %gather3A_694 = tpu.memref_squeeze %gather3A_693 : memref<1x32x128xf32, #tpu.memory_space<vmem>> -> memref<32x128xf32, #tpu.memory_space<vmem>>
      %gather3A_695 = tpu.vector_load_idx %gather3A_694[%add3A_5, %broadcast_in_dim3A_676] : memref<32x128xf32, #tpu.memory_space<vmem>>[vector<16xi32>, vector<16xi32>], vector<16xf32>,
      tpu.vector_store_idx %arg7[%iota3A, %broadcast_in_dim3A_683], %gather3A_689 : memref<32x128xf32, #tpu.memory_space<vmem>>[vector<16xi32>, vector<16xi32>], vector<16xf32>,
      tpu.vector_store_idx %arg7[%add3A_5, %broadcast_in_dim3A_683], %gather3A_695 : memref<32x128xf32, #tpu.memory_space<vmem>>[vector<16xi32>, vector<16xi32>], vector<16xf32>,
      %add3A_696 = arith.constant 1 : i32
      %add3A_697 = arith.addi %scan3A_315, %add3A_696 : i32
      %lt3A_698 = arith.constant 32 : i32
      %lt3A_699 = arith.cmpi slt, %add3A_697, %lt3A_698 : i32
      %convert_element_type3A_700 = arith.extui %lt3A_699 : i1 to i32
      %cond3A_701 = arith.constant 0 : i32
      %cond3A_702 = arith.cmpi ne, %convert_element_type3A_700, %cond3A_701 : i32
      scf.if %cond3A_702 {
        %slice3A_1086 = vector.extract_strided_slice %sub3A_333 {offsets = [7], sizes = [1], strides = [1]} : vector<16xi32> to vector<1xi32>
        %squeeze3A_1087 = vector.extract %slice3A_1086[0] : i32 from vector<1xi32>
        %multiple_of3A_1088 = tpu.assume_multiple %squeeze3A_1087, 128 : i32
        %dma_start3A_1089 = arith.constant 7 : i32
        %dma_start3A_1090 = arith.constant 7 : i32
        %dma_start3A_1091 = arith.constant 0 : i32
        %dma_start3A_1092 = arith.constant 0 : i32
        %dma_start3A_1093 = tpu.memref_slice %arg6[%dma_start3A_1089, %dma_start3A_1091, %dma_start3A_1092] : memref<16x32x128xf32, #tpu.memory_space<vmem>> -> memref<1x32x128xf32, #tpu.memory_space<vmem>>
        %dma_start3A_1094 = tpu.memref_squeeze %dma_start3A_1093 : memref<1x32x128xf32, #tpu.memory_space<vmem>> -> memref<32x128xf32, #tpu.memory_space<vmem>>
        %dma_start3A_1095 = arith.constant 0 : i32
        %dma_start3A_1096 = tpu.memref_slice %arg2[%dma_start3A_1095, %multiple_of3A_1088] : memref<32x1000001xf32, #tpu.memory_space<hbm>> -> memref<32x128xf32, #tpu.memory_space<hbm>>
        %dma_start3A_1097 = tpu.memref_slice %arg8[%dma_start3A_1090] : memref<16x!tpu.dma_semaphore, #tpu.memory_space<semaphore_mem>> -> memref<1x!tpu.dma_semaphore, #tpu.memory_space<semaphore_mem>>
        %dma_start3A_1098 = tpu.memref_squeeze %dma_start3A_1097 : memref<1x!tpu.dma_semaphore, #tpu.memory_space<semaphore_mem>> -> memref<!tpu.dma_semaphore, #tpu.memory_space<semaphore_mem>>
        %dma_start3A_1099 = arith.constant 0 : i32
        %dma_start3A_1100 = arith.constant 0 : i32
        %dma_start3A_1101 = tpu.memref_slice %arg6[%dma_start3A_1089, %dma_start3A_1099, %dma_start3A_1100] : memref<16x32x128xf32, #tpu.memory_space<vmem>> -> memref<1x32x128xf32, #tpu.memory_space<vmem>>
        %dma_start3A_1102 = tpu.memref_squeeze %dma_start3A_1101 : memref<1x32x128xf32, #tpu.memory_space<vmem>> -> memref<32x128xf32, #tpu.memory_space<vmem>>
        %dma_start3A_1103 = arith.constant 0 : i32
        %dma_start3A_1104 = tpu.memref_slice %arg2[%dma_start3A_1103, %multiple_of3A_1088] : memref<32x1000001xf32, #tpu.memory_space<hbm>> -> memref<32x128xf32, #tpu.memory_space<hbm>>
        tpu.enqueue_dma source(%dma_start3A_1104 : memref<32x128xf32, #tpu.memory_space<hbm>>) target(%dma_start3A_1102 : memref<32x128xf32, #tpu.memory_space<vmem>>) target_semaphore(%dma_start3A_1098 : memref<!tpu.dma_semaphore, #tpu.memory_space<semaphore_mem>>)
      } else {
      }
      %dma_wait3A_703 = arith.constant 8 : i32
      %dma_wait3A_704 = arith.constant 8 : i32
      %dma_wait3A_705 = arith.constant 0 : i32
      %dma_wait3A_706 = arith.constant 0 : i32
      %dma_wait3A_707 = tpu.memref_slice %arg6[%dma_wait3A_703, %dma_wait3A_705, %dma_wait3A_706] : memref<16x32x128xf32, #tpu.memory_space<vmem>> -> memref<1x32x128xf32, #tpu.memory_space<vmem>>
      %dma_wait3A_708 = tpu.memref_squeeze %dma_wait3A_707 : memref<1x32x128xf32, #tpu.memory_space<vmem>> -> memref<32x128xf32, #tpu.memory_space<vmem>>
      %dma_wait3A_709 = arith.constant 0 : i32
      %dma_wait3A_710 = arith.constant 0 : i32
      %dma_wait3A_711 = tpu.memref_slice %arg2[%dma_wait3A_709, %dma_wait3A_710] : memref<32x1000001xf32, #tpu.memory_space<hbm>> -> memref<32x128xf32, #tpu.memory_space<hbm>>
      %dma_wait3A_712 = tpu.memref_slice %arg8[%dma_wait3A_704] : memref<16x!tpu.dma_semaphore, #tpu.memory_space<semaphore_mem>> -> memref<1x!tpu.dma_semaphore, #tpu.memory_space<semaphore_mem>>
      %dma_wait3A_713 = tpu.memref_squeeze %dma_wait3A_712 : memref<1x!tpu.dma_semaphore, #tpu.memory_space<semaphore_mem>> -> memref<!tpu.dma_semaphore, #tpu.memory_space<semaphore_mem>>
      %dma_wait3A_714 = arith.constant 0 : i32
      %dma_wait3A_715 = arith.constant 0 : i32
      %dma_wait3A_716 = tpu.memref_slice %arg6[%dma_wait3A_703, %dma_wait3A_714, %dma_wait3A_715] : memref<16x32x128xf32, #tpu.memory_space<vmem>> -> memref<1x32x128xf32, #tpu.memory_space<vmem>>
      %dma_wait3A_717 = tpu.memref_squeeze %dma_wait3A_716 : memref<1x32x128xf32, #tpu.memory_space<vmem>> -> memref<32x128xf32, #tpu.memory_space<vmem>>
      %dma_wait3A_718 = arith.constant 0 : i32
      %dma_wait3A_719 = arith.constant 0 : i32
      %dma_wait3A_720 = tpu.memref_slice %arg2[%dma_wait3A_718, %dma_wait3A_719] : memref<32x1000001xf32, #tpu.memory_space<hbm>> -> memref<32x128xf32, #tpu.memory_space<hbm>>
      tpu.wait_dma2 semaphore(%dma_wait3A_713 : memref<!tpu.dma_semaphore, #tpu.memory_space<semaphore_mem>>) src(%dma_wait3A_720 : memref<32x128xf32, #tpu.memory_space<hbm>>) dst(%dma_wait3A_717 : memref<32x128xf32, #tpu.memory_space<vmem>>)
      %slice3A_721 = vector.extract_strided_slice %and3A_323 {offsets = [8], sizes = [1], strides = [1]} : vector<16xi32> to vector<1xi32>
      %squeeze3A_722 = vector.extract %slice3A_721[0] : i32 from vector<1xi32>
      %broadcast_in_dim3A_723 = vector.broadcast %squeeze3A_722 : i32 to vector<16xi32>
      %rem3A_724 = arith.constant 8 : i32
      %rem3A_725 = arith.remsi %scan3A_315, %rem3A_724 : i32
      %mul3A_726 = arith.constant 16 : i32
      %mul3A_727 = arith.muli %rem3A_725, %mul3A_726 : i32
      %add3A_728 = arith.constant 8 : i32
      %add3A_729 = arith.addi %mul3A_727, %add3A_728 : i32
      %broadcast_in_dim3A_730 = vector.broadcast %add3A_729 : i32 to vector<16xi32>
      %gather3A_731 = arith.constant 8 : i32
      %gather3A_732 = arith.constant 0 : i32
      %gather3A_733 = arith.constant 0 : i32
      %gather3A_734 = tpu.memref_slice %arg6[%gather3A_731, %gather3A_732, %gather3A_733] : memref<16x32x128xf32, #tpu.memory_space<vmem>> -> memref<1x32x128xf32, #tpu.memory_space<vmem>>
      %gather3A_735 = tpu.memref_squeeze %gather3A_734 : memref<1x32x128xf32, #tpu.memory_space<vmem>> -> memref<32x128xf32, #tpu.memory_space<vmem>>
      %gather3A_736 = tpu.vector_load_idx %gather3A_735[%iota3A, %broadcast_in_dim3A_723] : memref<32x128xf32, #tpu.memory_space<vmem>>[vector<16xi32>, vector<16xi32>], vector<16xf32>,
      %gather3A_737 = arith.constant 8 : i32
      %gather3A_738 = arith.constant 0 : i32
      %gather3A_739 = arith.constant 0 : i32
      %gather3A_740 = tpu.memref_slice %arg6[%gather3A_737, %gather3A_738, %gather3A_739] : memref<16x32x128xf32, #tpu.memory_space<vmem>> -> memref<1x32x128xf32, #tpu.memory_space<vmem>>
      %gather3A_741 = tpu.memref_squeeze %gather3A_740 : memref<1x32x128xf32, #tpu.memory_space<vmem>> -> memref<32x128xf32, #tpu.memory_space<vmem>>
      %gather3A_742 = tpu.vector_load_idx %gather3A_741[%add3A_5, %broadcast_in_dim3A_723] : memref<32x128xf32, #tpu.memory_space<vmem>>[vector<16xi32>, vector<16xi32>], vector<16xf32>,
      tpu.vector_store_idx %arg7[%iota3A, %broadcast_in_dim3A_730], %gather3A_736 : memref<32x128xf32, #tpu.memory_space<vmem>>[vector<16xi32>, vector<16xi32>], vector<16xf32>,
      tpu.vector_store_idx %arg7[%add3A_5, %broadcast_in_dim3A_730], %gather3A_742 : memref<32x128xf32, #tpu.memory_space<vmem>>[vector<16xi32>, vector<16xi32>], vector<16xf32>,
      %add3A_743 = arith.constant 1 : i32
      %add3A_744 = arith.addi %scan3A_315, %add3A_743 : i32
      %lt3A_745 = arith.constant 32 : i32
      %lt3A_746 = arith.cmpi slt, %add3A_744, %lt3A_745 : i32
      %convert_element_type3A_747 = arith.extui %lt3A_746 : i1 to i32
      %cond3A_748 = arith.constant 0 : i32
      %cond3A_749 = arith.cmpi ne, %convert_element_type3A_747, %cond3A_748 : i32
      scf.if %cond3A_749 {
        %slice3A_1086 = vector.extract_strided_slice %sub3A_333 {offsets = [8], sizes = [1], strides = [1]} : vector<16xi32> to vector<1xi32>
        %squeeze3A_1087 = vector.extract %slice3A_1086[0] : i32 from vector<1xi32>
        %multiple_of3A_1088 = tpu.assume_multiple %squeeze3A_1087, 128 : i32
        %dma_start3A_1089 = arith.constant 8 : i32
        %dma_start3A_1090 = arith.constant 8 : i32
        %dma_start3A_1091 = arith.constant 0 : i32
        %dma_start3A_1092 = arith.constant 0 : i32
        %dma_start3A_1093 = tpu.memref_slice %arg6[%dma_start3A_1089, %dma_start3A_1091, %dma_start3A_1092] : memref<16x32x128xf32, #tpu.memory_space<vmem>> -> memref<1x32x128xf32, #tpu.memory_space<vmem>>
        %dma_start3A_1094 = tpu.memref_squeeze %dma_start3A_1093 : memref<1x32x128xf32, #tpu.memory_space<vmem>> -> memref<32x128xf32, #tpu.memory_space<vmem>>
        %dma_start3A_1095 = arith.constant 0 : i32
        %dma_start3A_1096 = tpu.memref_slice %arg2[%dma_start3A_1095, %multiple_of3A_1088] : memref<32x1000001xf32, #tpu.memory_space<hbm>> -> memref<32x128xf32, #tpu.memory_space<hbm>>
        %dma_start3A_1097 = tpu.memref_slice %arg8[%dma_start3A_1090] : memref<16x!tpu.dma_semaphore, #tpu.memory_space<semaphore_mem>> -> memref<1x!tpu.dma_semaphore, #tpu.memory_space<semaphore_mem>>
        %dma_start3A_1098 = tpu.memref_squeeze %dma_start3A_1097 : memref<1x!tpu.dma_semaphore, #tpu.memory_space<semaphore_mem>> -> memref<!tpu.dma_semaphore, #tpu.memory_space<semaphore_mem>>
        %dma_start3A_1099 = arith.constant 0 : i32
        %dma_start3A_1100 = arith.constant 0 : i32
        %dma_start3A_1101 = tpu.memref_slice %arg6[%dma_start3A_1089, %dma_start3A_1099, %dma_start3A_1100] : memref<16x32x128xf32, #tpu.memory_space<vmem>> -> memref<1x32x128xf32, #tpu.memory_space<vmem>>
        %dma_start3A_1102 = tpu.memref_squeeze %dma_start3A_1101 : memref<1x32x128xf32, #tpu.memory_space<vmem>> -> memref<32x128xf32, #tpu.memory_space<vmem>>
        %dma_start3A_1103 = arith.constant 0 : i32
        %dma_start3A_1104 = tpu.memref_slice %arg2[%dma_start3A_1103, %multiple_of3A_1088] : memref<32x1000001xf32, #tpu.memory_space<hbm>> -> memref<32x128xf32, #tpu.memory_space<hbm>>
        tpu.enqueue_dma source(%dma_start3A_1104 : memref<32x128xf32, #tpu.memory_space<hbm>>) target(%dma_start3A_1102 : memref<32x128xf32, #tpu.memory_space<vmem>>) target_semaphore(%dma_start3A_1098 : memref<!tpu.dma_semaphore, #tpu.memory_space<semaphore_mem>>)
      } else {
      }
      %dma_wait3A_750 = arith.constant 9 : i32
      %dma_wait3A_751 = arith.constant 9 : i32
      %dma_wait3A_752 = arith.constant 0 : i32
      %dma_wait3A_753 = arith.constant 0 : i32
      %dma_wait3A_754 = tpu.memref_slice %arg6[%dma_wait3A_750, %dma_wait3A_752, %dma_wait3A_753] : memref<16x32x128xf32, #tpu.memory_space<vmem>> -> memref<1x32x128xf32, #tpu.memory_space<vmem>>
      %dma_wait3A_755 = tpu.memref_squeeze %dma_wait3A_754 : memref<1x32x128xf32, #tpu.memory_space<vmem>> -> memref<32x128xf32, #tpu.memory_space<vmem>>
      %dma_wait3A_756 = arith.constant 0 : i32
      %dma_wait3A_757 = arith.constant 0 : i32
      %dma_wait3A_758 = tpu.memref_slice %arg2[%dma_wait3A_756, %dma_wait3A_757] : memref<32x1000001xf32, #tpu.memory_space<hbm>> -> memref<32x128xf32, #tpu.memory_space<hbm>>
      %dma_wait3A_759 = tpu.memref_slice %arg8[%dma_wait3A_751] : memref<16x!tpu.dma_semaphore, #tpu.memory_space<semaphore_mem>> -> memref<1x!tpu.dma_semaphore, #tpu.memory_space<semaphore_mem>>
      %dma_wait3A_760 = tpu.memref_squeeze %dma_wait3A_759 : memref<1x!tpu.dma_semaphore, #tpu.memory_space<semaphore_mem>> -> memref<!tpu.dma_semaphore, #tpu.memory_space<semaphore_mem>>
      %dma_wait3A_761 = arith.constant 0 : i32
      %dma_wait3A_762 = arith.constant 0 : i32
      %dma_wait3A_763 = tpu.memref_slice %arg6[%dma_wait3A_750, %dma_wait3A_761, %dma_wait3A_762] : memref<16x32x128xf32, #tpu.memory_space<vmem>> -> memref<1x32x128xf32, #tpu.memory_space<vmem>>
      %dma_wait3A_764 = tpu.memref_squeeze %dma_wait3A_763 : memref<1x32x128xf32, #tpu.memory_space<vmem>> -> memref<32x128xf32, #tpu.memory_space<vmem>>
      %dma_wait3A_765 = arith.constant 0 : i32
      %dma_wait3A_766 = arith.constant 0 : i32
      %dma_wait3A_767 = tpu.memref_slice %arg2[%dma_wait3A_765, %dma_wait3A_766] : memref<32x1000001xf32, #tpu.memory_space<hbm>> -> memref<32x128xf32, #tpu.memory_space<hbm>>
      tpu.wait_dma2 semaphore(%dma_wait3A_760 : memref<!tpu.dma_semaphore, #tpu.memory_space<semaphore_mem>>) src(%dma_wait3A_767 : memref<32x128xf32, #tpu.memory_space<hbm>>) dst(%dma_wait3A_764 : memref<32x128xf32, #tpu.memory_space<vmem>>)
      %slice3A_768 = vector.extract_strided_slice %and3A_323 {offsets = [9], sizes = [1], strides = [1]} : vector<16xi32> to vector<1xi32>
      %squeeze3A_769 = vector.extract %slice3A_768[0] : i32 from vector<1xi32>
      %broadcast_in_dim3A_770 = vector.broadcast %squeeze3A_769 : i32 to vector<16xi32>
      %rem3A_771 = arith.constant 8 : i32
      %rem3A_772 = arith.remsi %scan3A_315, %rem3A_771 : i32
      %mul3A_773 = arith.constant 16 : i32
      %mul3A_774 = arith.muli %rem3A_772, %mul3A_773 : i32
      %add3A_775 = arith.constant 9 : i32
      %add3A_776 = arith.addi %mul3A_774, %add3A_775 : i32
      %broadcast_in_dim3A_777 = vector.broadcast %add3A_776 : i32 to vector<16xi32>
      %gather3A_778 = arith.constant 9 : i32
      %gather3A_779 = arith.constant 0 : i32
      %gather3A_780 = arith.constant 0 : i32
      %gather3A_781 = tpu.memref_slice %arg6[%gather3A_778, %gather3A_779, %gather3A_780] : memref<16x32x128xf32, #tpu.memory_space<vmem>> -> memref<1x32x128xf32, #tpu.memory_space<vmem>>
      %gather3A_782 = tpu.memref_squeeze %gather3A_781 : memref<1x32x128xf32, #tpu.memory_space<vmem>> -> memref<32x128xf32, #tpu.memory_space<vmem>>
      %gather3A_783 = tpu.vector_load_idx %gather3A_782[%iota3A, %broadcast_in_dim3A_770] : memref<32x128xf32, #tpu.memory_space<vmem>>[vector<16xi32>, vector<16xi32>], vector<16xf32>,
      %gather3A_784 = arith.constant 9 : i32
      %gather3A_785 = arith.constant 0 : i32
      %gather3A_786 = arith.constant 0 : i32
      %gather3A_787 = tpu.memref_slice %arg6[%gather3A_784, %gather3A_785, %gather3A_786] : memref<16x32x128xf32, #tpu.memory_space<vmem>> -> memref<1x32x128xf32, #tpu.memory_space<vmem>>
      %gather3A_788 = tpu.memref_squeeze %gather3A_787 : memref<1x32x128xf32, #tpu.memory_space<vmem>> -> memref<32x128xf32, #tpu.memory_space<vmem>>
      %gather3A_789 = tpu.vector_load_idx %gather3A_788[%add3A_5, %broadcast_in_dim3A_770] : memref<32x128xf32, #tpu.memory_space<vmem>>[vector<16xi32>, vector<16xi32>], vector<16xf32>,
      tpu.vector_store_idx %arg7[%iota3A, %broadcast_in_dim3A_777], %gather3A_783 : memref<32x128xf32, #tpu.memory_space<vmem>>[vector<16xi32>, vector<16xi32>], vector<16xf32>,
      tpu.vector_store_idx %arg7[%add3A_5, %broadcast_in_dim3A_777], %gather3A_789 : memref<32x128xf32, #tpu.memory_space<vmem>>[vector<16xi32>, vector<16xi32>], vector<16xf32>,
      %add3A_790 = arith.constant 1 : i32
      %add3A_791 = arith.addi %scan3A_315, %add3A_790 : i32
      %lt3A_792 = arith.constant 32 : i32
      %lt3A_793 = arith.cmpi slt, %add3A_791, %lt3A_792 : i32
      %convert_element_type3A_794 = arith.extui %lt3A_793 : i1 to i32
      %cond3A_795 = arith.constant 0 : i32
      %cond3A_796 = arith.cmpi ne, %convert_element_type3A_794, %cond3A_795 : i32
      scf.if %cond3A_796 {
        %slice3A_1086 = vector.extract_strided_slice %sub3A_333 {offsets = [9], sizes = [1], strides = [1]} : vector<16xi32> to vector<1xi32>
        %squeeze3A_1087 = vector.extract %slice3A_1086[0] : i32 from vector<1xi32>
        %multiple_of3A_1088 = tpu.assume_multiple %squeeze3A_1087, 128 : i32
        %dma_start3A_1089 = arith.constant 9 : i32
        %dma_start3A_1090 = arith.constant 9 : i32
        %dma_start3A_1091 = arith.constant 0 : i32
        %dma_start3A_1092 = arith.constant 0 : i32
        %dma_start3A_1093 = tpu.memref_slice %arg6[%dma_start3A_1089, %dma_start3A_1091, %dma_start3A_1092] : memref<16x32x128xf32, #tpu.memory_space<vmem>> -> memref<1x32x128xf32, #tpu.memory_space<vmem>>
        %dma_start3A_1094 = tpu.memref_squeeze %dma_start3A_1093 : memref<1x32x128xf32, #tpu.memory_space<vmem>> -> memref<32x128xf32, #tpu.memory_space<vmem>>
        %dma_start3A_1095 = arith.constant 0 : i32
        %dma_start3A_1096 = tpu.memref_slice %arg2[%dma_start3A_1095, %multiple_of3A_1088] : memref<32x1000001xf32, #tpu.memory_space<hbm>> -> memref<32x128xf32, #tpu.memory_space<hbm>>
        %dma_start3A_1097 = tpu.memref_slice %arg8[%dma_start3A_1090] : memref<16x!tpu.dma_semaphore, #tpu.memory_space<semaphore_mem>> -> memref<1x!tpu.dma_semaphore, #tpu.memory_space<semaphore_mem>>
        %dma_start3A_1098 = tpu.memref_squeeze %dma_start3A_1097 : memref<1x!tpu.dma_semaphore, #tpu.memory_space<semaphore_mem>> -> memref<!tpu.dma_semaphore, #tpu.memory_space<semaphore_mem>>
        %dma_start3A_1099 = arith.constant 0 : i32
        %dma_start3A_1100 = arith.constant 0 : i32
        %dma_start3A_1101 = tpu.memref_slice %arg6[%dma_start3A_1089, %dma_start3A_1099, %dma_start3A_1100] : memref<16x32x128xf32, #tpu.memory_space<vmem>> -> memref<1x32x128xf32, #tpu.memory_space<vmem>>
        %dma_start3A_1102 = tpu.memref_squeeze %dma_start3A_1101 : memref<1x32x128xf32, #tpu.memory_space<vmem>> -> memref<32x128xf32, #tpu.memory_space<vmem>>
        %dma_start3A_1103 = arith.constant 0 : i32
        %dma_start3A_1104 = tpu.memref_slice %arg2[%dma_start3A_1103, %multiple_of3A_1088] : memref<32x1000001xf32, #tpu.memory_space<hbm>> -> memref<32x128xf32, #tpu.memory_space<hbm>>
        tpu.enqueue_dma source(%dma_start3A_1104 : memref<32x128xf32, #tpu.memory_space<hbm>>) target(%dma_start3A_1102 : memref<32x128xf32, #tpu.memory_space<vmem>>) target_semaphore(%dma_start3A_1098 : memref<!tpu.dma_semaphore, #tpu.memory_space<semaphore_mem>>)
      } else {
      }
      %dma_wait3A_797 = arith.constant 10 : i32
      %dma_wait3A_798 = arith.constant 10 : i32
      %dma_wait3A_799 = arith.constant 0 : i32
      %dma_wait3A_800 = arith.constant 0 : i32
      %dma_wait3A_801 = tpu.memref_slice %arg6[%dma_wait3A_797, %dma_wait3A_799, %dma_wait3A_800] : memref<16x32x128xf32, #tpu.memory_space<vmem>> -> memref<1x32x128xf32, #tpu.memory_space<vmem>>
      %dma_wait3A_802 = tpu.memref_squeeze %dma_wait3A_801 : memref<1x32x128xf32, #tpu.memory_space<vmem>> -> memref<32x128xf32, #tpu.memory_space<vmem>>
      %dma_wait3A_803 = arith.constant 0 : i32
      %dma_wait3A_804 = arith.constant 0 : i32
      %dma_wait3A_805 = tpu.memref_slice %arg2[%dma_wait3A_803, %dma_wait3A_804] : memref<32x1000001xf32, #tpu.memory_space<hbm>> -> memref<32x128xf32, #tpu.memory_space<hbm>>
      %dma_wait3A_806 = tpu.memref_slice %arg8[%dma_wait3A_798] : memref<16x!tpu.dma_semaphore, #tpu.memory_space<semaphore_mem>> -> memref<1x!tpu.dma_semaphore, #tpu.memory_space<semaphore_mem>>
      %dma_wait3A_807 = tpu.memref_squeeze %dma_wait3A_806 : memref<1x!tpu.dma_semaphore, #tpu.memory_space<semaphore_mem>> -> memref<!tpu.dma_semaphore, #tpu.memory_space<semaphore_mem>>
      %dma_wait3A_808 = arith.constant 0 : i32
      %dma_wait3A_809 = arith.constant 0 : i32
      %dma_wait3A_810 = tpu.memref_slice %arg6[%dma_wait3A_797, %dma_wait3A_808, %dma_wait3A_809] : memref<16x32x128xf32, #tpu.memory_space<vmem>> -> memref<1x32x128xf32, #tpu.memory_space<vmem>>
      %dma_wait3A_811 = tpu.memref_squeeze %dma_wait3A_810 : memref<1x32x128xf32, #tpu.memory_space<vmem>> -> memref<32x128xf32, #tpu.memory_space<vmem>>
      %dma_wait3A_812 = arith.constant 0 : i32
      %dma_wait3A_813 = arith.constant 0 : i32
      %dma_wait3A_814 = tpu.memref_slice %arg2[%dma_wait3A_812, %dma_wait3A_813] : memref<32x1000001xf32, #tpu.memory_space<hbm>> -> memref<32x128xf32, #tpu.memory_space<hbm>>
      tpu.wait_dma2 semaphore(%dma_wait3A_807 : memref<!tpu.dma_semaphore, #tpu.memory_space<semaphore_mem>>) src(%dma_wait3A_814 : memref<32x128xf32, #tpu.memory_space<hbm>>) dst(%dma_wait3A_811 : memref<32x128xf32, #tpu.memory_space<vmem>>)
      %slice3A_815 = vector.extract_strided_slice %and3A_323 {offsets = [10], sizes = [1], strides = [1]} : vector<16xi32> to vector<1xi32>
      %squeeze3A_816 = vector.extract %slice3A_815[0] : i32 from vector<1xi32>
      %broadcast_in_dim3A_817 = vector.broadcast %squeeze3A_816 : i32 to vector<16xi32>
      %rem3A_818 = arith.constant 8 : i32
      %rem3A_819 = arith.remsi %scan3A_315, %rem3A_818 : i32
      %mul3A_820 = arith.constant 16 : i32
      %mul3A_821 = arith.muli %rem3A_819, %mul3A_820 : i32
      %add3A_822 = arith.constant 10 : i32
      %add3A_823 = arith.addi %mul3A_821, %add3A_822 : i32
      %broadcast_in_dim3A_824 = vector.broadcast %add3A_823 : i32 to vector<16xi32>
      %gather3A_825 = arith.constant 10 : i32
      %gather3A_826 = arith.constant 0 : i32
      %gather3A_827 = arith.constant 0 : i32
      %gather3A_828 = tpu.memref_slice %arg6[%gather3A_825, %gather3A_826, %gather3A_827] : memref<16x32x128xf32, #tpu.memory_space<vmem>> -> memref<1x32x128xf32, #tpu.memory_space<vmem>>
      %gather3A_829 = tpu.memref_squeeze %gather3A_828 : memref<1x32x128xf32, #tpu.memory_space<vmem>> -> memref<32x128xf32, #tpu.memory_space<vmem>>
      %gather3A_830 = tpu.vector_load_idx %gather3A_829[%iota3A, %broadcast_in_dim3A_817] : memref<32x128xf32, #tpu.memory_space<vmem>>[vector<16xi32>, vector<16xi32>], vector<16xf32>,
      %gather3A_831 = arith.constant 10 : i32
      %gather3A_832 = arith.constant 0 : i32
      %gather3A_833 = arith.constant 0 : i32
      %gather3A_834 = tpu.memref_slice %arg6[%gather3A_831, %gather3A_832, %gather3A_833] : memref<16x32x128xf32, #tpu.memory_space<vmem>> -> memref<1x32x128xf32, #tpu.memory_space<vmem>>
      %gather3A_835 = tpu.memref_squeeze %gather3A_834 : memref<1x32x128xf32, #tpu.memory_space<vmem>> -> memref<32x128xf32, #tpu.memory_space<vmem>>
      %gather3A_836 = tpu.vector_load_idx %gather3A_835[%add3A_5, %broadcast_in_dim3A_817] : memref<32x128xf32, #tpu.memory_space<vmem>>[vector<16xi32>, vector<16xi32>], vector<16xf32>,
      tpu.vector_store_idx %arg7[%iota3A, %broadcast_in_dim3A_824], %gather3A_830 : memref<32x128xf32, #tpu.memory_space<vmem>>[vector<16xi32>, vector<16xi32>], vector<16xf32>,
      tpu.vector_store_idx %arg7[%add3A_5, %broadcast_in_dim3A_824], %gather3A_836 : memref<32x128xf32, #tpu.memory_space<vmem>>[vector<16xi32>, vector<16xi32>], vector<16xf32>,
      %add3A_837 = arith.constant 1 : i32
      %add3A_838 = arith.addi %scan3A_315, %add3A_837 : i32
      %lt3A_839 = arith.constant 32 : i32
      %lt3A_840 = arith.cmpi slt, %add3A_838, %lt3A_839 : i32
      %convert_element_type3A_841 = arith.extui %lt3A_840 : i1 to i32
      %cond3A_842 = arith.constant 0 : i32
      %cond3A_843 = arith.cmpi ne, %convert_element_type3A_841, %cond3A_842 : i32
      scf.if %cond3A_843 {
        %slice3A_1086 = vector.extract_strided_slice %sub3A_333 {offsets = [10], sizes = [1], strides = [1]} : vector<16xi32> to vector<1xi32>
        %squeeze3A_1087 = vector.extract %slice3A_1086[0] : i32 from vector<1xi32>
        %multiple_of3A_1088 = tpu.assume_multiple %squeeze3A_1087, 128 : i32
        %dma_start3A_1089 = arith.constant 10 : i32
        %dma_start3A_1090 = arith.constant 10 : i32
        %dma_start3A_1091 = arith.constant 0 : i32
        %dma_start3A_1092 = arith.constant 0 : i32
        %dma_start3A_1093 = tpu.memref_slice %arg6[%dma_start3A_1089, %dma_start3A_1091, %dma_start3A_1092] : memref<16x32x128xf32, #tpu.memory_space<vmem>> -> memref<1x32x128xf32, #tpu.memory_space<vmem>>
        %dma_start3A_1094 = tpu.memref_squeeze %dma_start3A_1093 : memref<1x32x128xf32, #tpu.memory_space<vmem>> -> memref<32x128xf32, #tpu.memory_space<vmem>>
        %dma_start3A_1095 = arith.constant 0 : i32
        %dma_start3A_1096 = tpu.memref_slice %arg2[%dma_start3A_1095, %multiple_of3A_1088] : memref<32x1000001xf32, #tpu.memory_space<hbm>> -> memref<32x128xf32, #tpu.memory_space<hbm>>
        %dma_start3A_1097 = tpu.memref_slice %arg8[%dma_start3A_1090] : memref<16x!tpu.dma_semaphore, #tpu.memory_space<semaphore_mem>> -> memref<1x!tpu.dma_semaphore, #tpu.memory_space<semaphore_mem>>
        %dma_start3A_1098 = tpu.memref_squeeze %dma_start3A_1097 : memref<1x!tpu.dma_semaphore, #tpu.memory_space<semaphore_mem>> -> memref<!tpu.dma_semaphore, #tpu.memory_space<semaphore_mem>>
        %dma_start3A_1099 = arith.constant 0 : i32
        %dma_start3A_1100 = arith.constant 0 : i32
        %dma_start3A_1101 = tpu.memref_slice %arg6[%dma_start3A_1089, %dma_start3A_1099, %dma_start3A_1100] : memref<16x32x128xf32, #tpu.memory_space<vmem>> -> memref<1x32x128xf32, #tpu.memory_space<vmem>>
        %dma_start3A_1102 = tpu.memref_squeeze %dma_start3A_1101 : memref<1x32x128xf32, #tpu.memory_space<vmem>> -> memref<32x128xf32, #tpu.memory_space<vmem>>
        %dma_start3A_1103 = arith.constant 0 : i32
        %dma_start3A_1104 = tpu.memref_slice %arg2[%dma_start3A_1103, %multiple_of3A_1088] : memref<32x1000001xf32, #tpu.memory_space<hbm>> -> memref<32x128xf32, #tpu.memory_space<hbm>>
        tpu.enqueue_dma source(%dma_start3A_1104 : memref<32x128xf32, #tpu.memory_space<hbm>>) target(%dma_start3A_1102 : memref<32x128xf32, #tpu.memory_space<vmem>>) target_semaphore(%dma_start3A_1098 : memref<!tpu.dma_semaphore, #tpu.memory_space<semaphore_mem>>)
      } else {
      }
      %dma_wait3A_844 = arith.constant 11 : i32
      %dma_wait3A_845 = arith.constant 11 : i32
      %dma_wait3A_846 = arith.constant 0 : i32
      %dma_wait3A_847 = arith.constant 0 : i32
      %dma_wait3A_848 = tpu.memref_slice %arg6[%dma_wait3A_844, %dma_wait3A_846, %dma_wait3A_847] : memref<16x32x128xf32, #tpu.memory_space<vmem>> -> memref<1x32x128xf32, #tpu.memory_space<vmem>>
      %dma_wait3A_849 = tpu.memref_squeeze %dma_wait3A_848 : memref<1x32x128xf32, #tpu.memory_space<vmem>> -> memref<32x128xf32, #tpu.memory_space<vmem>>
      %dma_wait3A_850 = arith.constant 0 : i32
      %dma_wait3A_851 = arith.constant 0 : i32
      %dma_wait3A_852 = tpu.memref_slice %arg2[%dma_wait3A_850, %dma_wait3A_851] : memref<32x1000001xf32, #tpu.memory_space<hbm>> -> memref<32x128xf32, #tpu.memory_space<hbm>>
      %dma_wait3A_853 = tpu.memref_slice %arg8[%dma_wait3A_845] : memref<16x!tpu.dma_semaphore, #tpu.memory_space<semaphore_mem>> -> memref<1x!tpu.dma_semaphore, #tpu.memory_space<semaphore_mem>>
      %dma_wait3A_854 = tpu.memref_squeeze %dma_wait3A_853 : memref<1x!tpu.dma_semaphore, #tpu.memory_space<semaphore_mem>> -> memref<!tpu.dma_semaphore, #tpu.memory_space<semaphore_mem>>
      %dma_wait3A_855 = arith.constant 0 : i32
      %dma_wait3A_856 = arith.constant 0 : i32
      %dma_wait3A_857 = tpu.memref_slice %arg6[%dma_wait3A_844, %dma_wait3A_855, %dma_wait3A_856] : memref<16x32x128xf32, #tpu.memory_space<vmem>> -> memref<1x32x128xf32, #tpu.memory_space<vmem>>
      %dma_wait3A_858 = tpu.memref_squeeze %dma_wait3A_857 : memref<1x32x128xf32, #tpu.memory_space<vmem>> -> memref<32x128xf32, #tpu.memory_space<vmem>>
      %dma_wait3A_859 = arith.constant 0 : i32
      %dma_wait3A_860 = arith.constant 0 : i32
      %dma_wait3A_861 = tpu.memref_slice %arg2[%dma_wait3A_859, %dma_wait3A_860] : memref<32x1000001xf32, #tpu.memory_space<hbm>> -> memref<32x128xf32, #tpu.memory_space<hbm>>
      tpu.wait_dma2 semaphore(%dma_wait3A_854 : memref<!tpu.dma_semaphore, #tpu.memory_space<semaphore_mem>>) src(%dma_wait3A_861 : memref<32x128xf32, #tpu.memory_space<hbm>>) dst(%dma_wait3A_858 : memref<32x128xf32, #tpu.memory_space<vmem>>)
      %slice3A_862 = vector.extract_strided_slice %and3A_323 {offsets = [11], sizes = [1], strides = [1]} : vector<16xi32> to vector<1xi32>
      %squeeze3A_863 = vector.extract %slice3A_862[0] : i32 from vector<1xi32>
      %broadcast_in_dim3A_864 = vector.broadcast %squeeze3A_863 : i32 to vector<16xi32>
      %rem3A_865 = arith.constant 8 : i32
      %rem3A_866 = arith.remsi %scan3A_315, %rem3A_865 : i32
      %mul3A_867 = arith.constant 16 : i32
      %mul3A_868 = arith.muli %rem3A_866, %mul3A_867 : i32
      %add3A_869 = arith.constant 11 : i32
      %add3A_870 = arith.addi %mul3A_868, %add3A_869 : i32
      %broadcast_in_dim3A_871 = vector.broadcast %add3A_870 : i32 to vector<16xi32>
      %gather3A_872 = arith.constant 11 : i32
      %gather3A_873 = arith.constant 0 : i32
      %gather3A_874 = arith.constant 0 : i32
      %gather3A_875 = tpu.memref_slice %arg6[%gather3A_872, %gather3A_873, %gather3A_874] : memref<16x32x128xf32, #tpu.memory_space<vmem>> -> memref<1x32x128xf32, #tpu.memory_space<vmem>>
      %gather3A_876 = tpu.memref_squeeze %gather3A_875 : memref<1x32x128xf32, #tpu.memory_space<vmem>> -> memref<32x128xf32, #tpu.memory_space<vmem>>
      %gather3A_877 = tpu.vector_load_idx %gather3A_876[%iota3A, %broadcast_in_dim3A_864] : memref<32x128xf32, #tpu.memory_space<vmem>>[vector<16xi32>, vector<16xi32>], vector<16xf32>,
      %gather3A_878 = arith.constant 11 : i32
      %gather3A_879 = arith.constant 0 : i32
      %gather3A_880 = arith.constant 0 : i32
      %gather3A_881 = tpu.memref_slice %arg6[%gather3A_878, %gather3A_879, %gather3A_880] : memref<16x32x128xf32, #tpu.memory_space<vmem>> -> memref<1x32x128xf32, #tpu.memory_space<vmem>>
      %gather3A_882 = tpu.memref_squeeze %gather3A_881 : memref<1x32x128xf32, #tpu.memory_space<vmem>> -> memref<32x128xf32, #tpu.memory_space<vmem>>
      %gather3A_883 = tpu.vector_load_idx %gather3A_882[%add3A_5, %broadcast_in_dim3A_864] : memref<32x128xf32, #tpu.memory_space<vmem>>[vector<16xi32>, vector<16xi32>], vector<16xf32>,
      tpu.vector_store_idx %arg7[%iota3A, %broadcast_in_dim3A_871], %gather3A_877 : memref<32x128xf32, #tpu.memory_space<vmem>>[vector<16xi32>, vector<16xi32>], vector<16xf32>,
      tpu.vector_store_idx %arg7[%add3A_5, %broadcast_in_dim3A_871], %gather3A_883 : memref<32x128xf32, #tpu.memory_space<vmem>>[vector<16xi32>, vector<16xi32>], vector<16xf32>,
      %add3A_884 = arith.constant 1 : i32
      %add3A_885 = arith.addi %scan3A_315, %add3A_884 : i32
      %lt3A_886 = arith.constant 32 : i32
      %lt3A_887 = arith.cmpi slt, %add3A_885, %lt3A_886 : i32
      %convert_element_type3A_888 = arith.extui %lt3A_887 : i1 to i32
      %cond3A_889 = arith.constant 0 : i32
      %cond3A_890 = arith.cmpi ne, %convert_element_type3A_888, %cond3A_889 : i32
      scf.if %cond3A_890 {
        %slice3A_1086 = vector.extract_strided_slice %sub3A_333 {offsets = [11], sizes = [1], strides = [1]} : vector<16xi32> to vector<1xi32>
        %squeeze3A_1087 = vector.extract %slice3A_1086[0] : i32 from vector<1xi32>
        %multiple_of3A_1088 = tpu.assume_multiple %squeeze3A_1087, 128 : i32
        %dma_start3A_1089 = arith.constant 11 : i32
        %dma_start3A_1090 = arith.constant 11 : i32
        %dma_start3A_1091 = arith.constant 0 : i32
        %dma_start3A_1092 = arith.constant 0 : i32
        %dma_start3A_1093 = tpu.memref_slice %arg6[%dma_start3A_1089, %dma_start3A_1091, %dma_start3A_1092] : memref<16x32x128xf32, #tpu.memory_space<vmem>> -> memref<1x32x128xf32, #tpu.memory_space<vmem>>
        %dma_start3A_1094 = tpu.memref_squeeze %dma_start3A_1093 : memref<1x32x128xf32, #tpu.memory_space<vmem>> -> memref<32x128xf32, #tpu.memory_space<vmem>>
        %dma_start3A_1095 = arith.constant 0 : i32
        %dma_start3A_1096 = tpu.memref_slice %arg2[%dma_start3A_1095, %multiple_of3A_1088] : memref<32x1000001xf32, #tpu.memory_space<hbm>> -> memref<32x128xf32, #tpu.memory_space<hbm>>
        %dma_start3A_1097 = tpu.memref_slice %arg8[%dma_start3A_1090] : memref<16x!tpu.dma_semaphore, #tpu.memory_space<semaphore_mem>> -> memref<1x!tpu.dma_semaphore, #tpu.memory_space<semaphore_mem>>
        %dma_start3A_1098 = tpu.memref_squeeze %dma_start3A_1097 : memref<1x!tpu.dma_semaphore, #tpu.memory_space<semaphore_mem>> -> memref<!tpu.dma_semaphore, #tpu.memory_space<semaphore_mem>>
        %dma_start3A_1099 = arith.constant 0 : i32
        %dma_start3A_1100 = arith.constant 0 : i32
        %dma_start3A_1101 = tpu.memref_slice %arg6[%dma_start3A_1089, %dma_start3A_1099, %dma_start3A_1100] : memref<16x32x128xf32, #tpu.memory_space<vmem>> -> memref<1x32x128xf32, #tpu.memory_space<vmem>>
        %dma_start3A_1102 = tpu.memref_squeeze %dma_start3A_1101 : memref<1x32x128xf32, #tpu.memory_space<vmem>> -> memref<32x128xf32, #tpu.memory_space<vmem>>
        %dma_start3A_1103 = arith.constant 0 : i32
        %dma_start3A_1104 = tpu.memref_slice %arg2[%dma_start3A_1103, %multiple_of3A_1088] : memref<32x1000001xf32, #tpu.memory_space<hbm>> -> memref<32x128xf32, #tpu.memory_space<hbm>>
        tpu.enqueue_dma source(%dma_start3A_1104 : memref<32x128xf32, #tpu.memory_space<hbm>>) target(%dma_start3A_1102 : memref<32x128xf32, #tpu.memory_space<vmem>>) target_semaphore(%dma_start3A_1098 : memref<!tpu.dma_semaphore, #tpu.memory_space<semaphore_mem>>)
      } else {
      }
      %dma_wait3A_891 = arith.constant 12 : i32
      %dma_wait3A_892 = arith.constant 12 : i32
      %dma_wait3A_893 = arith.constant 0 : i32
      %dma_wait3A_894 = arith.constant 0 : i32
      %dma_wait3A_895 = tpu.memref_slice %arg6[%dma_wait3A_891, %dma_wait3A_893, %dma_wait3A_894] : memref<16x32x128xf32, #tpu.memory_space<vmem>> -> memref<1x32x128xf32, #tpu.memory_space<vmem>>
      %dma_wait3A_896 = tpu.memref_squeeze %dma_wait3A_895 : memref<1x32x128xf32, #tpu.memory_space<vmem>> -> memref<32x128xf32, #tpu.memory_space<vmem>>
      %dma_wait3A_897 = arith.constant 0 : i32
      %dma_wait3A_898 = arith.constant 0 : i32
      %dma_wait3A_899 = tpu.memref_slice %arg2[%dma_wait3A_897, %dma_wait3A_898] : memref<32x1000001xf32, #tpu.memory_space<hbm>> -> memref<32x128xf32, #tpu.memory_space<hbm>>
      %dma_wait3A_900 = tpu.memref_slice %arg8[%dma_wait3A_892] : memref<16x!tpu.dma_semaphore, #tpu.memory_space<semaphore_mem>> -> memref<1x!tpu.dma_semaphore, #tpu.memory_space<semaphore_mem>>
      %dma_wait3A_901 = tpu.memref_squeeze %dma_wait3A_900 : memref<1x!tpu.dma_semaphore, #tpu.memory_space<semaphore_mem>> -> memref<!tpu.dma_semaphore, #tpu.memory_space<semaphore_mem>>
      %dma_wait3A_902 = arith.constant 0 : i32
      %dma_wait3A_903 = arith.constant 0 : i32
      %dma_wait3A_904 = tpu.memref_slice %arg6[%dma_wait3A_891, %dma_wait3A_902, %dma_wait3A_903] : memref<16x32x128xf32, #tpu.memory_space<vmem>> -> memref<1x32x128xf32, #tpu.memory_space<vmem>>
      %dma_wait3A_905 = tpu.memref_squeeze %dma_wait3A_904 : memref<1x32x128xf32, #tpu.memory_space<vmem>> -> memref<32x128xf32, #tpu.memory_space<vmem>>
      %dma_wait3A_906 = arith.constant 0 : i32
      %dma_wait3A_907 = arith.constant 0 : i32
      %dma_wait3A_908 = tpu.memref_slice %arg2[%dma_wait3A_906, %dma_wait3A_907] : memref<32x1000001xf32, #tpu.memory_space<hbm>> -> memref<32x128xf32, #tpu.memory_space<hbm>>
      tpu.wait_dma2 semaphore(%dma_wait3A_901 : memref<!tpu.dma_semaphore, #tpu.memory_space<semaphore_mem>>) src(%dma_wait3A_908 : memref<32x128xf32, #tpu.memory_space<hbm>>) dst(%dma_wait3A_905 : memref<32x128xf32, #tpu.memory_space<vmem>>)
      %slice3A_909 = vector.extract_strided_slice %and3A_323 {offsets = [12], sizes = [1], strides = [1]} : vector<16xi32> to vector<1xi32>
      %squeeze3A_910 = vector.extract %slice3A_909[0] : i32 from vector<1xi32>
      %broadcast_in_dim3A_911 = vector.broadcast %squeeze3A_910 : i32 to vector<16xi32>
      %rem3A_912 = arith.constant 8 : i32
      %rem3A_913 = arith.remsi %scan3A_315, %rem3A_912 : i32
      %mul3A_914 = arith.constant 16 : i32
      %mul3A_915 = arith.muli %rem3A_913, %mul3A_914 : i32
      %add3A_916 = arith.constant 12 : i32
      %add3A_917 = arith.addi %mul3A_915, %add3A_916 : i32
      %broadcast_in_dim3A_918 = vector.broadcast %add3A_917 : i32 to vector<16xi32>
      %gather3A_919 = arith.constant 12 : i32
      %gather3A_920 = arith.constant 0 : i32
      %gather3A_921 = arith.constant 0 : i32
      %gather3A_922 = tpu.memref_slice %arg6[%gather3A_919, %gather3A_920, %gather3A_921] : memref<16x32x128xf32, #tpu.memory_space<vmem>> -> memref<1x32x128xf32, #tpu.memory_space<vmem>>
      %gather3A_923 = tpu.memref_squeeze %gather3A_922 : memref<1x32x128xf32, #tpu.memory_space<vmem>> -> memref<32x128xf32, #tpu.memory_space<vmem>>
      %gather3A_924 = tpu.vector_load_idx %gather3A_923[%iota3A, %broadcast_in_dim3A_911] : memref<32x128xf32, #tpu.memory_space<vmem>>[vector<16xi32>, vector<16xi32>], vector<16xf32>,
      %gather3A_925 = arith.constant 12 : i32
      %gather3A_926 = arith.constant 0 : i32
      %gather3A_927 = arith.constant 0 : i32
      %gather3A_928 = tpu.memref_slice %arg6[%gather3A_925, %gather3A_926, %gather3A_927] : memref<16x32x128xf32, #tpu.memory_space<vmem>> -> memref<1x32x128xf32, #tpu.memory_space<vmem>>
      %gather3A_929 = tpu.memref_squeeze %gather3A_928 : memref<1x32x128xf32, #tpu.memory_space<vmem>> -> memref<32x128xf32, #tpu.memory_space<vmem>>
      %gather3A_930 = tpu.vector_load_idx %gather3A_929[%add3A_5, %broadcast_in_dim3A_911] : memref<32x128xf32, #tpu.memory_space<vmem>>[vector<16xi32>, vector<16xi32>], vector<16xf32>,
      tpu.vector_store_idx %arg7[%iota3A, %broadcast_in_dim3A_918], %gather3A_924 : memref<32x128xf32, #tpu.memory_space<vmem>>[vector<16xi32>, vector<16xi32>], vector<16xf32>,
      tpu.vector_store_idx %arg7[%add3A_5, %broadcast_in_dim3A_918], %gather3A_930 : memref<32x128xf32, #tpu.memory_space<vmem>>[vector<16xi32>, vector<16xi32>], vector<16xf32>,
      %add3A_931 = arith.constant 1 : i32
      %add3A_932 = arith.addi %scan3A_315, %add3A_931 : i32
      %lt3A_933 = arith.constant 32 : i32
      %lt3A_934 = arith.cmpi slt, %add3A_932, %lt3A_933 : i32
      %convert_element_type3A_935 = arith.extui %lt3A_934 : i1 to i32
      %cond3A_936 = arith.constant 0 : i32
      %cond3A_937 = arith.cmpi ne, %convert_element_type3A_935, %cond3A_936 : i32
      scf.if %cond3A_937 {
        %slice3A_1086 = vector.extract_strided_slice %sub3A_333 {offsets = [12], sizes = [1], strides = [1]} : vector<16xi32> to vector<1xi32>
        %squeeze3A_1087 = vector.extract %slice3A_1086[0] : i32 from vector<1xi32>
        %multiple_of3A_1088 = tpu.assume_multiple %squeeze3A_1087, 128 : i32
        %dma_start3A_1089 = arith.constant 12 : i32
        %dma_start3A_1090 = arith.constant 12 : i32
        %dma_start3A_1091 = arith.constant 0 : i32
        %dma_start3A_1092 = arith.constant 0 : i32
        %dma_start3A_1093 = tpu.memref_slice %arg6[%dma_start3A_1089, %dma_start3A_1091, %dma_start3A_1092] : memref<16x32x128xf32, #tpu.memory_space<vmem>> -> memref<1x32x128xf32, #tpu.memory_space<vmem>>
        %dma_start3A_1094 = tpu.memref_squeeze %dma_start3A_1093 : memref<1x32x128xf32, #tpu.memory_space<vmem>> -> memref<32x128xf32, #tpu.memory_space<vmem>>
        %dma_start3A_1095 = arith.constant 0 : i32
        %dma_start3A_1096 = tpu.memref_slice %arg2[%dma_start3A_1095, %multiple_of3A_1088] : memref<32x1000001xf32, #tpu.memory_space<hbm>> -> memref<32x128xf32, #tpu.memory_space<hbm>>
        %dma_start3A_1097 = tpu.memref_slice %arg8[%dma_start3A_1090] : memref<16x!tpu.dma_semaphore, #tpu.memory_space<semaphore_mem>> -> memref<1x!tpu.dma_semaphore, #tpu.memory_space<semaphore_mem>>
        %dma_start3A_1098 = tpu.memref_squeeze %dma_start3A_1097 : memref<1x!tpu.dma_semaphore, #tpu.memory_space<semaphore_mem>> -> memref<!tpu.dma_semaphore, #tpu.memory_space<semaphore_mem>>
        %dma_start3A_1099 = arith.constant 0 : i32
        %dma_start3A_1100 = arith.constant 0 : i32
        %dma_start3A_1101 = tpu.memref_slice %arg6[%dma_start3A_1089, %dma_start3A_1099, %dma_start3A_1100] : memref<16x32x128xf32, #tpu.memory_space<vmem>> -> memref<1x32x128xf32, #tpu.memory_space<vmem>>
        %dma_start3A_1102 = tpu.memref_squeeze %dma_start3A_1101 : memref<1x32x128xf32, #tpu.memory_space<vmem>> -> memref<32x128xf32, #tpu.memory_space<vmem>>
        %dma_start3A_1103 = arith.constant 0 : i32
        %dma_start3A_1104 = tpu.memref_slice %arg2[%dma_start3A_1103, %multiple_of3A_1088] : memref<32x1000001xf32, #tpu.memory_space<hbm>> -> memref<32x128xf32, #tpu.memory_space<hbm>>
        tpu.enqueue_dma source(%dma_start3A_1104 : memref<32x128xf32, #tpu.memory_space<hbm>>) target(%dma_start3A_1102 : memref<32x128xf32, #tpu.memory_space<vmem>>) target_semaphore(%dma_start3A_1098 : memref<!tpu.dma_semaphore, #tpu.memory_space<semaphore_mem>>)
      } else {
      }
      %dma_wait3A_938 = arith.constant 13 : i32
      %dma_wait3A_939 = arith.constant 13 : i32
      %dma_wait3A_940 = arith.constant 0 : i32
      %dma_wait3A_941 = arith.constant 0 : i32
      %dma_wait3A_942 = tpu.memref_slice %arg6[%dma_wait3A_938, %dma_wait3A_940, %dma_wait3A_941] : memref<16x32x128xf32, #tpu.memory_space<vmem>> -> memref<1x32x128xf32, #tpu.memory_space<vmem>>
      %dma_wait3A_943 = tpu.memref_squeeze %dma_wait3A_942 : memref<1x32x128xf32, #tpu.memory_space<vmem>> -> memref<32x128xf32, #tpu.memory_space<vmem>>
      %dma_wait3A_944 = arith.constant 0 : i32
      %dma_wait3A_945 = arith.constant 0 : i32
      %dma_wait3A_946 = tpu.memref_slice %arg2[%dma_wait3A_944, %dma_wait3A_945] : memref<32x1000001xf32, #tpu.memory_space<hbm>> -> memref<32x128xf32, #tpu.memory_space<hbm>>
      %dma_wait3A_947 = tpu.memref_slice %arg8[%dma_wait3A_939] : memref<16x!tpu.dma_semaphore, #tpu.memory_space<semaphore_mem>> -> memref<1x!tpu.dma_semaphore, #tpu.memory_space<semaphore_mem>>
      %dma_wait3A_948 = tpu.memref_squeeze %dma_wait3A_947 : memref<1x!tpu.dma_semaphore, #tpu.memory_space<semaphore_mem>> -> memref<!tpu.dma_semaphore, #tpu.memory_space<semaphore_mem>>
      %dma_wait3A_949 = arith.constant 0 : i32
      %dma_wait3A_950 = arith.constant 0 : i32
      %dma_wait3A_951 = tpu.memref_slice %arg6[%dma_wait3A_938, %dma_wait3A_949, %dma_wait3A_950] : memref<16x32x128xf32, #tpu.memory_space<vmem>> -> memref<1x32x128xf32, #tpu.memory_space<vmem>>
      %dma_wait3A_952 = tpu.memref_squeeze %dma_wait3A_951 : memref<1x32x128xf32, #tpu.memory_space<vmem>> -> memref<32x128xf32, #tpu.memory_space<vmem>>
      %dma_wait3A_953 = arith.constant 0 : i32
      %dma_wait3A_954 = arith.constant 0 : i32
      %dma_wait3A_955 = tpu.memref_slice %arg2[%dma_wait3A_953, %dma_wait3A_954] : memref<32x1000001xf32, #tpu.memory_space<hbm>> -> memref<32x128xf32, #tpu.memory_space<hbm>>
      tpu.wait_dma2 semaphore(%dma_wait3A_948 : memref<!tpu.dma_semaphore, #tpu.memory_space<semaphore_mem>>) src(%dma_wait3A_955 : memref<32x128xf32, #tpu.memory_space<hbm>>) dst(%dma_wait3A_952 : memref<32x128xf32, #tpu.memory_space<vmem>>)
      %slice3A_956 = vector.extract_strided_slice %and3A_323 {offsets = [13], sizes = [1], strides = [1]} : vector<16xi32> to vector<1xi32>
      %squeeze3A_957 = vector.extract %slice3A_956[0] : i32 from vector<1xi32>
      %broadcast_in_dim3A_958 = vector.broadcast %squeeze3A_957 : i32 to vector<16xi32>
      %rem3A_959 = arith.constant 8 : i32
      %rem3A_960 = arith.remsi %scan3A_315, %rem3A_959 : i32
      %mul3A_961 = arith.constant 16 : i32
      %mul3A_962 = arith.muli %rem3A_960, %mul3A_961 : i32
      %add3A_963 = arith.constant 13 : i32
      %add3A_964 = arith.addi %mul3A_962, %add3A_963 : i32
      %broadcast_in_dim3A_965 = vector.broadcast %add3A_964 : i32 to vector<16xi32>
      %gather3A_966 = arith.constant 13 : i32
      %gather3A_967 = arith.constant 0 : i32
      %gather3A_968 = arith.constant 0 : i32
      %gather3A_969 = tpu.memref_slice %arg6[%gather3A_966, %gather3A_967, %gather3A_968] : memref<16x32x128xf32, #tpu.memory_space<vmem>> -> memref<1x32x128xf32, #tpu.memory_space<vmem>>
      %gather3A_970 = tpu.memref_squeeze %gather3A_969 : memref<1x32x128xf32, #tpu.memory_space<vmem>> -> memref<32x128xf32, #tpu.memory_space<vmem>>
      %gather3A_971 = tpu.vector_load_idx %gather3A_970[%iota3A, %broadcast_in_dim3A_958] : memref<32x128xf32, #tpu.memory_space<vmem>>[vector<16xi32>, vector<16xi32>], vector<16xf32>,
      %gather3A_972 = arith.constant 13 : i32
      %gather3A_973 = arith.constant 0 : i32
      %gather3A_974 = arith.constant 0 : i32
      %gather3A_975 = tpu.memref_slice %arg6[%gather3A_972, %gather3A_973, %gather3A_974] : memref<16x32x128xf32, #tpu.memory_space<vmem>> -> memref<1x32x128xf32, #tpu.memory_space<vmem>>
      %gather3A_976 = tpu.memref_squeeze %gather3A_975 : memref<1x32x128xf32, #tpu.memory_space<vmem>> -> memref<32x128xf32, #tpu.memory_space<vmem>>
      %gather3A_977 = tpu.vector_load_idx %gather3A_976[%add3A_5, %broadcast_in_dim3A_958] : memref<32x128xf32, #tpu.memory_space<vmem>>[vector<16xi32>, vector<16xi32>], vector<16xf32>,
      tpu.vector_store_idx %arg7[%iota3A, %broadcast_in_dim3A_965], %gather3A_971 : memref<32x128xf32, #tpu.memory_space<vmem>>[vector<16xi32>, vector<16xi32>], vector<16xf32>,
      tpu.vector_store_idx %arg7[%add3A_5, %broadcast_in_dim3A_965], %gather3A_977 : memref<32x128xf32, #tpu.memory_space<vmem>>[vector<16xi32>, vector<16xi32>], vector<16xf32>,
      %add3A_978 = arith.constant 1 : i32
      %add3A_979 = arith.addi %scan3A_315, %add3A_978 : i32
      %lt3A_980 = arith.constant 32 : i32
      %lt3A_981 = arith.cmpi slt, %add3A_979, %lt3A_980 : i32
      %convert_element_type3A_982 = arith.extui %lt3A_981 : i1 to i32
      %cond3A_983 = arith.constant 0 : i32
      %cond3A_984 = arith.cmpi ne, %convert_element_type3A_982, %cond3A_983 : i32
      scf.if %cond3A_984 {
        %slice3A_1086 = vector.extract_strided_slice %sub3A_333 {offsets = [13], sizes = [1], strides = [1]} : vector<16xi32> to vector<1xi32>
        %squeeze3A_1087 = vector.extract %slice3A_1086[0] : i32 from vector<1xi32>
        %multiple_of3A_1088 = tpu.assume_multiple %squeeze3A_1087, 128 : i32
        %dma_start3A_1089 = arith.constant 13 : i32
        %dma_start3A_1090 = arith.constant 13 : i32
        %dma_start3A_1091 = arith.constant 0 : i32
        %dma_start3A_1092 = arith.constant 0 : i32
        %dma_start3A_1093 = tpu.memref_slice %arg6[%dma_start3A_1089, %dma_start3A_1091, %dma_start3A_1092] : memref<16x32x128xf32, #tpu.memory_space<vmem>> -> memref<1x32x128xf32, #tpu.memory_space<vmem>>
        %dma_start3A_1094 = tpu.memref_squeeze %dma_start3A_1093 : memref<1x32x128xf32, #tpu.memory_space<vmem>> -> memref<32x128xf32, #tpu.memory_space<vmem>>
        %dma_start3A_1095 = arith.constant 0 : i32
        %dma_start3A_1096 = tpu.memref_slice %arg2[%dma_start3A_1095, %multiple_of3A_1088] : memref<32x1000001xf32, #tpu.memory_space<hbm>> -> memref<32x128xf32, #tpu.memory_space<hbm>>
        %dma_start3A_1097 = tpu.memref_slice %arg8[%dma_start3A_1090] : memref<16x!tpu.dma_semaphore, #tpu.memory_space<semaphore_mem>> -> memref<1x!tpu.dma_semaphore, #tpu.memory_space<semaphore_mem>>
        %dma_start3A_1098 = tpu.memref_squeeze %dma_start3A_1097 : memref<1x!tpu.dma_semaphore, #tpu.memory_space<semaphore_mem>> -> memref<!tpu.dma_semaphore, #tpu.memory_space<semaphore_mem>>
        %dma_start3A_1099 = arith.constant 0 : i32
        %dma_start3A_1100 = arith.constant 0 : i32
        %dma_start3A_1101 = tpu.memref_slice %arg6[%dma_start3A_1089, %dma_start3A_1099, %dma_start3A_1100] : memref<16x32x128xf32, #tpu.memory_space<vmem>> -> memref<1x32x128xf32, #tpu.memory_space<vmem>>
        %dma_start3A_1102 = tpu.memref_squeeze %dma_start3A_1101 : memref<1x32x128xf32, #tpu.memory_space<vmem>> -> memref<32x128xf32, #tpu.memory_space<vmem>>
        %dma_start3A_1103 = arith.constant 0 : i32
        %dma_start3A_1104 = tpu.memref_slice %arg2[%dma_start3A_1103, %multiple_of3A_1088] : memref<32x1000001xf32, #tpu.memory_space<hbm>> -> memref<32x128xf32, #tpu.memory_space<hbm>>
        tpu.enqueue_dma source(%dma_start3A_1104 : memref<32x128xf32, #tpu.memory_space<hbm>>) target(%dma_start3A_1102 : memref<32x128xf32, #tpu.memory_space<vmem>>) target_semaphore(%dma_start3A_1098 : memref<!tpu.dma_semaphore, #tpu.memory_space<semaphore_mem>>)
      } else {
      }
      %dma_wait3A_985 = arith.constant 14 : i32
      %dma_wait3A_986 = arith.constant 14 : i32
      %dma_wait3A_987 = arith.constant 0 : i32
      %dma_wait3A_988 = arith.constant 0 : i32
      %dma_wait3A_989 = tpu.memref_slice %arg6[%dma_wait3A_985, %dma_wait3A_987, %dma_wait3A_988] : memref<16x32x128xf32, #tpu.memory_space<vmem>> -> memref<1x32x128xf32, #tpu.memory_space<vmem>>
      %dma_wait3A_990 = tpu.memref_squeeze %dma_wait3A_989 : memref<1x32x128xf32, #tpu.memory_space<vmem>> -> memref<32x128xf32, #tpu.memory_space<vmem>>
      %dma_wait3A_991 = arith.constant 0 : i32
      %dma_wait3A_992 = arith.constant 0 : i32
      %dma_wait3A_993 = tpu.memref_slice %arg2[%dma_wait3A_991, %dma_wait3A_992] : memref<32x1000001xf32, #tpu.memory_space<hbm>> -> memref<32x128xf32, #tpu.memory_space<hbm>>
      %dma_wait3A_994 = tpu.memref_slice %arg8[%dma_wait3A_986] : memref<16x!tpu.dma_semaphore, #tpu.memory_space<semaphore_mem>> -> memref<1x!tpu.dma_semaphore, #tpu.memory_space<semaphore_mem>>
      %dma_wait3A_995 = tpu.memref_squeeze %dma_wait3A_994 : memref<1x!tpu.dma_semaphore, #tpu.memory_space<semaphore_mem>> -> memref<!tpu.dma_semaphore, #tpu.memory_space<semaphore_mem>>
      %dma_wait3A_996 = arith.constant 0 : i32
      %dma_wait3A_997 = arith.constant 0 : i32
      %dma_wait3A_998 = tpu.memref_slice %arg6[%dma_wait3A_985, %dma_wait3A_996, %dma_wait3A_997] : memref<16x32x128xf32, #tpu.memory_space<vmem>> -> memref<1x32x128xf32, #tpu.memory_space<vmem>>
      %dma_wait3A_999 = tpu.memref_squeeze %dma_wait3A_998 : memref<1x32x128xf32, #tpu.memory_space<vmem>> -> memref<32x128xf32, #tpu.memory_space<vmem>>
      %dma_wait3A_1000 = arith.constant 0 : i32
      %dma_wait3A_1001 = arith.constant 0 : i32
      %dma_wait3A_1002 = tpu.memref_slice %arg2[%dma_wait3A_1000, %dma_wait3A_1001] : memref<32x1000001xf32, #tpu.memory_space<hbm>> -> memref<32x128xf32, #tpu.memory_space<hbm>>
      tpu.wait_dma2 semaphore(%dma_wait3A_995 : memref<!tpu.dma_semaphore, #tpu.memory_space<semaphore_mem>>) src(%dma_wait3A_1002 : memref<32x128xf32, #tpu.memory_space<hbm>>) dst(%dma_wait3A_999 : memref<32x128xf32, #tpu.memory_space<vmem>>)
      %slice3A_1003 = vector.extract_strided_slice %and3A_323 {offsets = [14], sizes = [1], strides = [1]} : vector<16xi32> to vector<1xi32>
      %squeeze3A_1004 = vector.extract %slice3A_1003[0] : i32 from vector<1xi32>
      %broadcast_in_dim3A_1005 = vector.broadcast %squeeze3A_1004 : i32 to vector<16xi32>
      %rem3A_1006 = arith.constant 8 : i32
      %rem3A_1007 = arith.remsi %scan3A_315, %rem3A_1006 : i32
      %mul3A_1008 = arith.constant 16 : i32
      %mul3A_1009 = arith.muli %rem3A_1007, %mul3A_1008 : i32
      %add3A_1010 = arith.constant 14 : i32
      %add3A_1011 = arith.addi %mul3A_1009, %add3A_1010 : i32
      %broadcast_in_dim3A_1012 = vector.broadcast %add3A_1011 : i32 to vector<16xi32>
      %gather3A_1013 = arith.constant 14 : i32
      %gather3A_1014 = arith.constant 0 : i32
      %gather3A_1015 = arith.constant 0 : i32
      %gather3A_1016 = tpu.memref_slice %arg6[%gather3A_1013, %gather3A_1014, %gather3A_1015] : memref<16x32x128xf32, #tpu.memory_space<vmem>> -> memref<1x32x128xf32, #tpu.memory_space<vmem>>
      %gather3A_1017 = tpu.memref_squeeze %gather3A_1016 : memref<1x32x128xf32, #tpu.memory_space<vmem>> -> memref<32x128xf32, #tpu.memory_space<vmem>>
      %gather3A_1018 = tpu.vector_load_idx %gather3A_1017[%iota3A, %broadcast_in_dim3A_1005] : memref<32x128xf32, #tpu.memory_space<vmem>>[vector<16xi32>, vector<16xi32>], vector<16xf32>,
      %gather3A_1019 = arith.constant 14 : i32
      %gather3A_1020 = arith.constant 0 : i32
      %gather3A_1021 = arith.constant 0 : i32
      %gather3A_1022 = tpu.memref_slice %arg6[%gather3A_1019, %gather3A_1020, %gather3A_1021] : memref<16x32x128xf32, #tpu.memory_space<vmem>> -> memref<1x32x128xf32, #tpu.memory_space<vmem>>
      %gather3A_1023 = tpu.memref_squeeze %gather3A_1022 : memref<1x32x128xf32, #tpu.memory_space<vmem>> -> memref<32x128xf32, #tpu.memory_space<vmem>>
      %gather3A_1024 = tpu.vector_load_idx %gather3A_1023[%add3A_5, %broadcast_in_dim3A_1005] : memref<32x128xf32, #tpu.memory_space<vmem>>[vector<16xi32>, vector<16xi32>], vector<16xf32>,
      tpu.vector_store_idx %arg7[%iota3A, %broadcast_in_dim3A_1012], %gather3A_1018 : memref<32x128xf32, #tpu.memory_space<vmem>>[vector<16xi32>, vector<16xi32>], vector<16xf32>,
      tpu.vector_store_idx %arg7[%add3A_5, %broadcast_in_dim3A_1012], %gather3A_1024 : memref<32x128xf32, #tpu.memory_space<vmem>>[vector<16xi32>, vector<16xi32>], vector<16xf32>,
      %add3A_1025 = arith.constant 1 : i32
      %add3A_1026 = arith.addi %scan3A_315, %add3A_1025 : i32
      %lt3A_1027 = arith.constant 32 : i32
      %lt3A_1028 = arith.cmpi slt, %add3A_1026, %lt3A_1027 : i32
      %convert_element_type3A_1029 = arith.extui %lt3A_1028 : i1 to i32
      %cond3A_1030 = arith.constant 0 : i32
      %cond3A_1031 = arith.cmpi ne, %convert_element_type3A_1029, %cond3A_1030 : i32
      scf.if %cond3A_1031 {
        %slice3A_1086 = vector.extract_strided_slice %sub3A_333 {offsets = [14], sizes = [1], strides = [1]} : vector<16xi32> to vector<1xi32>
        %squeeze3A_1087 = vector.extract %slice3A_1086[0] : i32 from vector<1xi32>
        %multiple_of3A_1088 = tpu.assume_multiple %squeeze3A_1087, 128 : i32
        %dma_start3A_1089 = arith.constant 14 : i32
        %dma_start3A_1090 = arith.constant 14 : i32
        %dma_start3A_1091 = arith.constant 0 : i32
        %dma_start3A_1092 = arith.constant 0 : i32
        %dma_start3A_1093 = tpu.memref_slice %arg6[%dma_start3A_1089, %dma_start3A_1091, %dma_start3A_1092] : memref<16x32x128xf32, #tpu.memory_space<vmem>> -> memref<1x32x128xf32, #tpu.memory_space<vmem>>
        %dma_start3A_1094 = tpu.memref_squeeze %dma_start3A_1093 : memref<1x32x128xf32, #tpu.memory_space<vmem>> -> memref<32x128xf32, #tpu.memory_space<vmem>>
        %dma_start3A_1095 = arith.constant 0 : i32
        %dma_start3A_1096 = tpu.memref_slice %arg2[%dma_start3A_1095, %multiple_of3A_1088] : memref<32x1000001xf32, #tpu.memory_space<hbm>> -> memref<32x128xf32, #tpu.memory_space<hbm>>
        %dma_start3A_1097 = tpu.memref_slice %arg8[%dma_start3A_1090] : memref<16x!tpu.dma_semaphore, #tpu.memory_space<semaphore_mem>> -> memref<1x!tpu.dma_semaphore, #tpu.memory_space<semaphore_mem>>
        %dma_start3A_1098 = tpu.memref_squeeze %dma_start3A_1097 : memref<1x!tpu.dma_semaphore, #tpu.memory_space<semaphore_mem>> -> memref<!tpu.dma_semaphore, #tpu.memory_space<semaphore_mem>>
        %dma_start3A_1099 = arith.constant 0 : i32
        %dma_start3A_1100 = arith.constant 0 : i32
        %dma_start3A_1101 = tpu.memref_slice %arg6[%dma_start3A_1089, %dma_start3A_1099, %dma_start3A_1100] : memref<16x32x128xf32, #tpu.memory_space<vmem>> -> memref<1x32x128xf32, #tpu.memory_space<vmem>>
        %dma_start3A_1102 = tpu.memref_squeeze %dma_start3A_1101 : memref<1x32x128xf32, #tpu.memory_space<vmem>> -> memref<32x128xf32, #tpu.memory_space<vmem>>
        %dma_start3A_1103 = arith.constant 0 : i32
        %dma_start3A_1104 = tpu.memref_slice %arg2[%dma_start3A_1103, %multiple_of3A_1088] : memref<32x1000001xf32, #tpu.memory_space<hbm>> -> memref<32x128xf32, #tpu.memory_space<hbm>>
        tpu.enqueue_dma source(%dma_start3A_1104 : memref<32x128xf32, #tpu.memory_space<hbm>>) target(%dma_start3A_1102 : memref<32x128xf32, #tpu.memory_space<vmem>>) target_semaphore(%dma_start3A_1098 : memref<!tpu.dma_semaphore, #tpu.memory_space<semaphore_mem>>)
      } else {
      }
      %dma_wait3A_1032 = arith.constant 15 : i32
      %dma_wait3A_1033 = arith.constant 15 : i32
      %dma_wait3A_1034 = arith.constant 0 : i32
      %dma_wait3A_1035 = arith.constant 0 : i32
      %dma_wait3A_1036 = tpu.memref_slice %arg6[%dma_wait3A_1032, %dma_wait3A_1034, %dma_wait3A_1035] : memref<16x32x128xf32, #tpu.memory_space<vmem>> -> memref<1x32x128xf32, #tpu.memory_space<vmem>>
      %dma_wait3A_1037 = tpu.memref_squeeze %dma_wait3A_1036 : memref<1x32x128xf32, #tpu.memory_space<vmem>> -> memref<32x128xf32, #tpu.memory_space<vmem>>
      %dma_wait3A_1038 = arith.constant 0 : i32
      %dma_wait3A_1039 = arith.constant 0 : i32
      %dma_wait3A_1040 = tpu.memref_slice %arg2[%dma_wait3A_1038, %dma_wait3A_1039] : memref<32x1000001xf32, #tpu.memory_space<hbm>> -> memref<32x128xf32, #tpu.memory_space<hbm>>
      %dma_wait3A_1041 = tpu.memref_slice %arg8[%dma_wait3A_1033] : memref<16x!tpu.dma_semaphore, #tpu.memory_space<semaphore_mem>> -> memref<1x!tpu.dma_semaphore, #tpu.memory_space<semaphore_mem>>
      %dma_wait3A_1042 = tpu.memref_squeeze %dma_wait3A_1041 : memref<1x!tpu.dma_semaphore, #tpu.memory_space<semaphore_mem>> -> memref<!tpu.dma_semaphore, #tpu.memory_space<semaphore_mem>>
      %dma_wait3A_1043 = arith.constant 0 : i32
      %dma_wait3A_1044 = arith.constant 0 : i32
      %dma_wait3A_1045 = tpu.memref_slice %arg6[%dma_wait3A_1032, %dma_wait3A_1043, %dma_wait3A_1044] : memref<16x32x128xf32, #tpu.memory_space<vmem>> -> memref<1x32x128xf32, #tpu.memory_space<vmem>>
      %dma_wait3A_1046 = tpu.memref_squeeze %dma_wait3A_1045 : memref<1x32x128xf32, #tpu.memory_space<vmem>> -> memref<32x128xf32, #tpu.memory_space<vmem>>
      %dma_wait3A_1047 = arith.constant 0 : i32
      %dma_wait3A_1048 = arith.constant 0 : i32
      %dma_wait3A_1049 = tpu.memref_slice %arg2[%dma_wait3A_1047, %dma_wait3A_1048] : memref<32x1000001xf32, #tpu.memory_space<hbm>> -> memref<32x128xf32, #tpu.memory_space<hbm>>
      tpu.wait_dma2 semaphore(%dma_wait3A_1042 : memref<!tpu.dma_semaphore, #tpu.memory_space<semaphore_mem>>) src(%dma_wait3A_1049 : memref<32x128xf32, #tpu.memory_space<hbm>>) dst(%dma_wait3A_1046 : memref<32x128xf32, #tpu.memory_space<vmem>>)
      %slice3A_1050 = vector.extract_strided_slice %and3A_323 {offsets = [15], sizes = [1], strides = [1]} : vector<16xi32> to vector<1xi32>
      %squeeze3A_1051 = vector.extract %slice3A_1050[0] : i32 from vector<1xi32>
      %broadcast_in_dim3A_1052 = vector.broadcast %squeeze3A_1051 : i32 to vector<16xi32>
      %rem3A_1053 = arith.constant 8 : i32
      %rem3A_1054 = arith.remsi %scan3A_315, %rem3A_1053 : i32
      %mul3A_1055 = arith.constant 16 : i32
      %mul3A_1056 = arith.muli %rem3A_1054, %mul3A_1055 : i32
      %add3A_1057 = arith.constant 15 : i32
      %add3A_1058 = arith.addi %mul3A_1056, %add3A_1057 : i32
      %broadcast_in_dim3A_1059 = vector.broadcast %add3A_1058 : i32 to vector<16xi32>
      %gather3A_1060 = arith.constant 15 : i32
      %gather3A_1061 = arith.constant 0 : i32
      %gather3A_1062 = arith.constant 0 : i32
      %gather3A_1063 = tpu.memref_slice %arg6[%gather3A_1060, %gather3A_1061, %gather3A_1062] : memref<16x32x128xf32, #tpu.memory_space<vmem>> -> memref<1x32x128xf32, #tpu.memory_space<vmem>>
      %gather3A_1064 = tpu.memref_squeeze %gather3A_1063 : memref<1x32x128xf32, #tpu.memory_space<vmem>> -> memref<32x128xf32, #tpu.memory_space<vmem>>
      %gather3A_1065 = tpu.vector_load_idx %gather3A_1064[%iota3A, %broadcast_in_dim3A_1052] : memref<32x128xf32, #tpu.memory_space<vmem>>[vector<16xi32>, vector<16xi32>], vector<16xf32>,
      %gather3A_1066 = arith.constant 15 : i32
      %gather3A_1067 = arith.constant 0 : i32
      %gather3A_1068 = arith.constant 0 : i32
      %gather3A_1069 = tpu.memref_slice %arg6[%gather3A_1066, %gather3A_1067, %gather3A_1068] : memref<16x32x128xf32, #tpu.memory_space<vmem>> -> memref<1x32x128xf32, #tpu.memory_space<vmem>>
      %gather3A_1070 = tpu.memref_squeeze %gather3A_1069 : memref<1x32x128xf32, #tpu.memory_space<vmem>> -> memref<32x128xf32, #tpu.memory_space<vmem>>
      %gather3A_1071 = tpu.vector_load_idx %gather3A_1070[%add3A_5, %broadcast_in_dim3A_1052] : memref<32x128xf32, #tpu.memory_space<vmem>>[vector<16xi32>, vector<16xi32>], vector<16xf32>,
      tpu.vector_store_idx %arg7[%iota3A, %broadcast_in_dim3A_1059], %gather3A_1065 : memref<32x128xf32, #tpu.memory_space<vmem>>[vector<16xi32>, vector<16xi32>], vector<16xf32>,
      tpu.vector_store_idx %arg7[%add3A_5, %broadcast_in_dim3A_1059], %gather3A_1071 : memref<32x128xf32, #tpu.memory_space<vmem>>[vector<16xi32>, vector<16xi32>], vector<16xf32>,
      %add3A_1072 = arith.constant 1 : i32
      %add3A_1073 = arith.addi %scan3A_315, %add3A_1072 : i32
      %lt3A_1074 = arith.constant 32 : i32
      %lt3A_1075 = arith.cmpi slt, %add3A_1073, %lt3A_1074 : i32
      %convert_element_type3A_1076 = arith.extui %lt3A_1075 : i1 to i32
      %cond3A_1077 = arith.constant 0 : i32
      %cond3A_1078 = arith.cmpi ne, %convert_element_type3A_1076, %cond3A_1077 : i32
      scf.if %cond3A_1078 {
        %slice3A_1086 = vector.extract_strided_slice %sub3A_333 {offsets = [15], sizes = [1], strides = [1]} : vector<16xi32> to vector<1xi32>
        %squeeze3A_1087 = vector.extract %slice3A_1086[0] : i32 from vector<1xi32>
        %multiple_of3A_1088 = tpu.assume_multiple %squeeze3A_1087, 128 : i32
        %dma_start3A_1089 = arith.constant 15 : i32
        %dma_start3A_1090 = arith.constant 15 : i32
        %dma_start3A_1091 = arith.constant 0 : i32
        %dma_start3A_1092 = arith.constant 0 : i32
        %dma_start3A_1093 = tpu.memref_slice %arg6[%dma_start3A_1089, %dma_start3A_1091, %dma_start3A_1092] : memref<16x32x128xf32, #tpu.memory_space<vmem>> -> memref<1x32x128xf32, #tpu.memory_space<vmem>>
        %dma_start3A_1094 = tpu.memref_squeeze %dma_start3A_1093 : memref<1x32x128xf32, #tpu.memory_space<vmem>> -> memref<32x128xf32, #tpu.memory_space<vmem>>
        %dma_start3A_1095 = arith.constant 0 : i32
        %dma_start3A_1096 = tpu.memref_slice %arg2[%dma_start3A_1095, %multiple_of3A_1088] : memref<32x1000001xf32, #tpu.memory_space<hbm>> -> memref<32x128xf32, #tpu.memory_space<hbm>>
        %dma_start3A_1097 = tpu.memref_slice %arg8[%dma_start3A_1090] : memref<16x!tpu.dma_semaphore, #tpu.memory_space<semaphore_mem>> -> memref<1x!tpu.dma_semaphore, #tpu.memory_space<semaphore_mem>>
        %dma_start3A_1098 = tpu.memref_squeeze %dma_start3A_1097 : memref<1x!tpu.dma_semaphore, #tpu.memory_space<semaphore_mem>> -> memref<!tpu.dma_semaphore, #tpu.memory_space<semaphore_mem>>
        %dma_start3A_1099 = arith.constant 0 : i32
        %dma_start3A_1100 = arith.constant 0 : i32
        %dma_start3A_1101 = tpu.memref_slice %arg6[%dma_start3A_1089, %dma_start3A_1099, %dma_start3A_1100] : memref<16x32x128xf32, #tpu.memory_space<vmem>> -> memref<1x32x128xf32, #tpu.memory_space<vmem>>
        %dma_start3A_1102 = tpu.memref_squeeze %dma_start3A_1101 : memref<1x32x128xf32, #tpu.memory_space<vmem>> -> memref<32x128xf32, #tpu.memory_space<vmem>>
        %dma_start3A_1103 = arith.constant 0 : i32
        %dma_start3A_1104 = tpu.memref_slice %arg2[%dma_start3A_1103, %multiple_of3A_1088] : memref<32x1000001xf32, #tpu.memory_space<hbm>> -> memref<32x128xf32, #tpu.memory_space<hbm>>
        tpu.enqueue_dma source(%dma_start3A_1104 : memref<32x128xf32, #tpu.memory_space<hbm>>) target(%dma_start3A_1102 : memref<32x128xf32, #tpu.memory_space<vmem>>) target_semaphore(%dma_start3A_1098 : memref<!tpu.dma_semaphore, #tpu.memory_space<semaphore_mem>>)
      } else {
      }
      %rem3A_1079 = arith.constant 8 : i32
      %rem3A_1080 = arith.remsi %scan3A_315, %rem3A_1079 : i32
      %eq3A = arith.constant 7 : i32
      %eq3A_1081 = arith.cmpi eq, %rem3A_1080, %eq3A : i32
      %convert_element_type3A_1082 = arith.extui %eq3A_1081 : i1 to i32
      %cond3A_1083 = arith.constant 0 : i32
      %cond3A_1084 = arith.cmpi ne, %convert_element_type3A_1082, %cond3A_1083 : i32
      scf.if %cond3A_1084 {
        %mul3A_1086 = arith.constant 512 : i32
        %mul3A_1087 = arith.muli %add3A, %mul3A_1086 : i32
        %add3A_1088 = arith.constant 1 : i32
        %add3A_1089 = arith.addi %scan3A_315, %add3A_1088 : i32
        %sub3A_1090 = arith.constant 8 : i32
        %sub3A_1091 = arith.subi %add3A_1089, %sub3A_1090 : i32
        %mul3A_1092 = arith.constant 16 : i32
        %mul3A_1093 = arith.muli %sub3A_1091, %mul3A_1092 : i32
        %add3A_1094 = arith.addi %mul3A_1087, %mul3A_1093 : i32
        %multiple_of3A_1095 = tpu.assume_multiple %add3A_1094, 128 : i32
        "tpu.region"() ({
          %run_scoped3A = tpu.sem_alloc : memref<!tpu.dma_semaphore, #tpu.memory_space<semaphore_mem>>
          %dma_start3A_1096 = arith.constant 0 : i32
          %dma_start3A_1097 = tpu.memref_slice %arg4[%dma_start3A_1096, %multiple_of3A_1095] : memref<32x16384xf32, #tpu.memory_space<hbm>> -> memref<32x128xf32, #tpu.memory_space<hbm>>
          %dma_start3A_1098 = arith.constant 0 : i32
          %dma_start3A_1099 = tpu.memref_slice %arg4[%dma_start3A_1098, %multiple_of3A_1095] : memref<32x16384xf32, #tpu.memory_space<hbm>> -> memref<32x128xf32, #tpu.memory_space<hbm>>
          tpu.enqueue_dma source(%arg7 : memref<32x128xf32, #tpu.memory_space<vmem>>) target(%dma_start3A_1099 : memref<32x128xf32, #tpu.memory_space<hbm>>) target_semaphore(%run_scoped3A : memref<!tpu.dma_semaphore, #tpu.memory_space<semaphore_mem>>)
          %dma_wait3A_1100 = arith.constant 0 : i32
          %dma_wait3A_1101 = tpu.memref_slice %arg4[%dma_wait3A_1100, %multiple_of3A_1095] : memref<32x16384xf32, #tpu.memory_space<hbm>> -> memref<32x128xf32, #tpu.memory_space<hbm>>
          %dma_wait3A_1102 = arith.constant 0 : i32
          %dma_wait3A_1103 = tpu.memref_slice %arg4[%dma_wait3A_1102, %multiple_of3A_1095] : memref<32x16384xf32, #tpu.memory_space<hbm>> -> memref<32x128xf32, #tpu.memory_space<hbm>>
          tpu.wait_dma2 semaphore(%run_scoped3A : memref<!tpu.dma_semaphore, #tpu.memory_space<semaphore_mem>>) src(%arg7 : memref<32x128xf32, #tpu.memory_space<vmem>>) dst(%dma_wait3A_1103 : memref<32x128xf32, #tpu.memory_space<hbm>>)
          tpu.yield
        }) : () -> ()
      } else {
      }
      %scan3A_1085 = arith.constant 0 : i32
      scf.yield %scan3A_1085 : i32
    }
    %scan3A_314 = arith.constant 32 : i32
    return
  }
}

module attributes {stable_mosaic.version = 14 : i64} {
  func.func @_fnn_body(%arg0: i32, %arg1: memref<32x2048xf32, #tpu.memory_space<vmem>>, %arg2: memref<1x2048xf32, #tpu.memory_space<vmem>>, %arg3: memref<1x2048xi32, #tpu.memory_space<vmem>>, %arg4: memref<32x32xf32, #tpu.memory_space<vmem>>, %arg5: memref<32x1xf32, #tpu.memory_space<vmem>>, %arg6: memref<128x32xf32, #tpu.memory_space<vmem>>, %arg7: memref<32x1xf32, #tpu.memory_space<vmem>>, %arg8: memref<32x32xf32, #tpu.memory_space<vmem>>, %arg9: memref<32x1xf32, #tpu.memory_space<vmem>>, %arg10: memref<32x2048xf32, #tpu.memory_space<vmem>>) attributes {dimension_semantics = [#tpu.dimension_semantics<arbitrary>], iteration_bounds = array<i64: 8>, scalar_prefetch = 0 : i64, scratch_operands = 0 : i64, tpu.core_type = #tpu.core_type<tc>, window_params = [{transform_indices = @transform_0, window_bounds = array<i64: 32, 2048>}, {transform_indices = @transform_1, window_bounds = array<i64: 1, 2048>}, {transform_indices = @transform_2, window_bounds = array<i64: 1, 2048>}, {pipeline_mode = #tpu.pipeline_mode<synchronous>, transform_indices = @transform_3, window_bounds = array<i64: 32, 32>}, {pipeline_mode = #tpu.pipeline_mode<synchronous>, transform_indices = @transform_4, window_bounds = array<i64: 32, 1>}, {pipeline_mode = #tpu.pipeline_mode<synchronous>, transform_indices = @transform_5, window_bounds = array<i64: 128, 32>}, {pipeline_mode = #tpu.pipeline_mode<synchronous>, transform_indices = @transform_6, window_bounds = array<i64: 32, 1>}, {pipeline_mode = #tpu.pipeline_mode<synchronous>, transform_indices = @transform_7, window_bounds = array<i64: 32, 32>}, {pipeline_mode = #tpu.pipeline_mode<synchronous>, transform_indices = @transform_8, window_bounds = array<i64: 32, 1>}, {transform_indices = @transform_9, window_bounds = array<i64: 32, 2048>}]} {
    %get3A = arith.constant 0 : index
    %get3A_0 = arith.constant 0 : index
    %get3A_1 = vector.load %arg3[%get3A, %get3A_0] : memref<1x2048xi32, #tpu.memory_space<vmem>>, vector<1x2048xi32>
    %iota3A = tpu.iota {dimensions = array<i32: 0>} : vector<128x2048xi32>
    %eq3A = vector.broadcast %get3A_1 : vector<1x2048xi32> to vector<128x2048xi32>
    %eq3A_2 = arith.cmpi eq, %eq3A, %iota3A : vector<128x2048xi32>
    %convert_element_type3A = arith.extui %eq3A_2 : vector<128x2048xi1> to vector<128x2048xi32>
    %convert_element_type3A_3 = arith.sitofp %convert_element_type3A : vector<128x2048xi32> to vector<128x2048xf32>
    %get3A_4 = arith.constant 0 : index
    %get3A_5 = arith.constant 0 : index
    %get3A_6 = vector.load %arg4[%get3A_4, %get3A_5] : memref<32x32xf32, #tpu.memory_space<vmem>>, vector<32x32xf32>
    %get3A_7 = arith.constant 0 : index
    %get3A_8 = arith.constant 0 : index
    %get3A_9 = vector.load %arg1[%get3A_7, %get3A_8] : memref<32x2048xf32, #tpu.memory_space<vmem>>, vector<32x2048xf32>
    %dot_general3A = arith.constant dense<0.000000e+00> : vector<32x2048xf32>
    %dot_general3A_10 = tpu.matmul %get3A_6, %get3A_9, %dot_general3A {dimension_numbers = #tpu.dot_dimension_numbers<[0], [0], [1], [1], [0, 1, 1, 1], [], []>, transpose_lhs_hint = false} : vector<32x32xf32>, vector<32x2048xf32>, vector<32x2048xf32> -> vector<32x2048xf32>
    %get3A_11 = arith.constant 0 : index
    %get3A_12 = arith.constant 0 : index
    %get3A_13 = vector.load %arg6[%get3A_11, %get3A_12] : memref<128x32xf32, #tpu.memory_space<vmem>>, vector<128x32xf32>
    %dot_general3A_14 = arith.constant dense<0.000000e+00> : vector<32x2048xf32>
    %dot_general3A_15 = tpu.matmul %get3A_13, %convert_element_type3A_3, %dot_general3A_14 {dimension_numbers = #tpu.dot_dimension_numbers<[0], [0], [1], [1], [0, 1, 1, 1], [], []>, transpose_lhs_hint = false} : vector<128x32xf32>, vector<128x2048xf32>, vector<32x2048xf32> -> vector<32x2048xf32>
    %add3A = arith.addf %dot_general3A_10, %dot_general3A_15 : vector<32x2048xf32>
    %get3A_16 = arith.constant 0 : index
    %get3A_17 = arith.constant 0 : index
    %get3A_18 = vector.load %arg5[%get3A_16, %get3A_17] : memref<32x1xf32, #tpu.memory_space<vmem>>, vector<32x1xf32>
    %get3A_19 = arith.constant 0 : index
    %get3A_20 = arith.constant 0 : index
    %get3A_21 = vector.load %arg2[%get3A_19, %get3A_20] : memref<1x2048xf32, #tpu.memory_space<vmem>>, vector<1x2048xf32>
    %mul3A = vector.broadcast %get3A_18 : vector<32x1xf32> to vector<32x2048xf32>
    %mul3A_22 = vector.broadcast %get3A_21 : vector<1x2048xf32> to vector<32x2048xf32>
    %mul3A_23 = arith.mulf %mul3A, %mul3A_22 : vector<32x2048xf32>
    %get3A_24 = arith.constant 0 : index
    %get3A_25 = arith.constant 0 : index
    %get3A_26 = vector.load %arg7[%get3A_24, %get3A_25] : memref<32x1xf32, #tpu.memory_space<vmem>>, vector<32x1xf32>
    %add3A_27 = vector.broadcast %get3A_26 : vector<32x1xf32> to vector<32x2048xf32>
    %add3A_28 = arith.addf %mul3A_23, %add3A_27 : vector<32x2048xf32>
    %add3A_29 = arith.addf %add3A, %add3A_28 : vector<32x2048xf32>
    %max3A = arith.constant 0.000000e+00 : f32
    %max3A_30 = vector.broadcast %max3A : f32 to vector<32x2048xf32>
    %max3A_31 = arith.maximumf %add3A_29, %max3A_30 : vector<32x2048xf32>
    %get3A_32 = arith.constant 0 : index
    %get3A_33 = arith.constant 0 : index
    %get3A_34 = vector.load %arg8[%get3A_32, %get3A_33] : memref<32x32xf32, #tpu.memory_space<vmem>>, vector<32x32xf32>
    %dot_general3A_35 = arith.constant dense<0.000000e+00> : vector<32x2048xf32>
    %dot_general3A_36 = tpu.matmul %get3A_34, %max3A_31, %dot_general3A_35 {dimension_numbers = #tpu.dot_dimension_numbers<[0], [0], [1], [1], [0, 1, 1, 1], [], []>, transpose_lhs_hint = false} : vector<32x32xf32>, vector<32x2048xf32>, vector<32x2048xf32> -> vector<32x2048xf32>
    %get3A_37 = arith.constant 0 : index
    %get3A_38 = arith.constant 0 : index
    %get3A_39 = vector.load %arg9[%get3A_37, %get3A_38] : memref<32x1xf32, #tpu.memory_space<vmem>>, vector<32x1xf32>
    %add3A_40 = vector.broadcast %get3A_39 : vector<32x1xf32> to vector<32x2048xf32>
    %add3A_41 = arith.addf %dot_general3A_36, %add3A_40 : vector<32x2048xf32>
    %swap3A = arith.constant 0 : index
    %swap3A_42 = arith.constant 0 : index
    %swap3A_43 = vector.load %arg10[%swap3A, %swap3A_42] : memref<32x2048xf32, #tpu.memory_space<vmem>>, vector<32x2048xf32>
    tpu.vector_store %arg10[%swap3A, %swap3A_42], %add3A_41 {strides = array<i32>} : memref<32x2048xf32, #tpu.memory_space<vmem>>, vector<32x2048xf32>,
    return
  }
  func.func @transform_0(%arg0: i32) -> (i32, i32) {
    %c0_i32 = arith.constant 0 : i32
    %c0_i32_0 = arith.constant 0 : i32
    return %c0_i32, %arg0 : i32, i32
  }
  func.func @transform_1(%arg0: i32) -> (i32, i32) {
    %c0_i32 = arith.constant 0 : i32
    %c0_i32_0 = arith.constant 0 : i32
    return %c0_i32, %arg0 : i32, i32
  }
  func.func @transform_2(%arg0: i32) -> (i32, i32) {
    %c0_i32 = arith.constant 0 : i32
    %c0_i32_0 = arith.constant 0 : i32
    return %c0_i32, %arg0 : i32, i32
  }
  func.func @transform_3(%arg0: i32) -> (i32, i32) {
    %c0_i32 = arith.constant 0 : i32
    %c0_i32_0 = arith.constant 0 : i32
    %c0_i32_1 = arith.constant 0 : i32
    return %c0_i32, %c0_i32_0 : i32, i32
  }
  func.func @transform_4(%arg0: i32) -> (i32, i32) {
    %c0_i32 = arith.constant 0 : i32
    %c0_i32_0 = arith.constant 0 : i32
    %c0_i32_1 = arith.constant 0 : i32
    return %c0_i32, %c0_i32_0 : i32, i32
  }
  func.func @transform_5(%arg0: i32) -> (i32, i32) {
    %c0_i32 = arith.constant 0 : i32
    %c0_i32_0 = arith.constant 0 : i32
    %c0_i32_1 = arith.constant 0 : i32
    return %c0_i32, %c0_i32_0 : i32, i32
  }
  func.func @transform_6(%arg0: i32) -> (i32, i32) {
    %c0_i32 = arith.constant 0 : i32
    %c0_i32_0 = arith.constant 0 : i32
    %c0_i32_1 = arith.constant 0 : i32
    return %c0_i32, %c0_i32_0 : i32, i32
  }
  func.func @transform_7(%arg0: i32) -> (i32, i32) {
    %c0_i32 = arith.constant 0 : i32
    %c0_i32_0 = arith.constant 0 : i32
    %c0_i32_1 = arith.constant 0 : i32
    return %c0_i32, %c0_i32_0 : i32, i32
  }
  func.func @transform_8(%arg0: i32) -> (i32, i32) {
    %c0_i32 = arith.constant 0 : i32
    %c0_i32_0 = arith.constant 0 : i32
    %c0_i32_1 = arith.constant 0 : i32
    return %c0_i32, %c0_i32_0 : i32, i32
  }
  func.func @transform_9(%arg0: i32) -> (i32, i32) {
    %c0_i32 = arith.constant 0 : i32
    %c0_i32_0 = arith.constant 0 : i32
    return %c0_i32, %arg0 : i32, i32
  }
}

</mosaic_0001>

<sc_bundles>
// kernel: kernel.4.cloned.1.call-start
scs
__scs_entry_jumppad:
0x0: {  	(pc) =	sbr.rel $0x88, $3  }
0x1: {  	(tag) =	ssettag $0x0;
	lr =	simm.s32 $0x1  }
0x2: {  	[smem:$0x3F99] =	sst lr;
	_ =	strace $0xD0000000  }
0x3: {  	_ = 	snop  }
0x4: {  	_ = 	snop  }
0x5: {  	_ = 	snop  }
0x6: {  	_ = 	snop  }
0x7: {  	_ = 	snop  }
__scs_overlays_trampoline_lowered:
0x8: {  	[smem:$0x3FA8] =	sst s0  }
0x9: {  	[smem:$0x3FA9] =	sst s1  }
0xa: {  	[smem:$0x3FAA] =	sst s2  }
0xb: {  	[smem:$0x3FAB] =	sst s3  }
0xc: {  	[smem:$0x3FAC] =	sst s4  }
0xd: {  	[smem:$0x3FAD] =	sst s5  }
0xe: {  	[smem:$0x3FAE] =	sst s6  }
0xf: {  	[smem:$0x3FAF] =	sst s7  }
0x10: {  	[smem:$0x3FB0] =	sst s8  }
0x11: {  	[smem:$0x3FB1] =	sst s9;
	s0 =	simm.s32 @!p0 $0x0  }
0x12: {  	s1 =	sld [smem:$0x3F97];
	s0 =	simm.s32 @p0 $0x1  }
0x13: {  	[smem:$0x3FB2] =	sst s0;
	s0 =	simm.s32 @!p1 $0x0  }
0x14: {  	s2 =	sld [smem:$0x3F96];
	s0 =	simm.s32 @p1 $0x1  }
0x15: {  	[smem:$0x3FB3] =	sst s0;
	s0 =	simm.s32 @!p2 $0x0  }
0x16: {  	s3 =	sld [smem:$0x3FDB];
	s0 =	simm.s32 @p2 $0x1  }
0x17: {  	s4 =	simm.s32 $0x1BF5;
	[smem:$0x3FB5] =	sst s0  }
0x18: {  	s0 =	sld [smem:$0x3F98];
	_ =	swait.ge [sflag:s4], $0x0  }
0x19: {  	s7 =	sld [smem:$0x3F99]  }
0x1a: {  	s8 =	sadd.s32 $0xFFFFE003, lr  }
0x1b: {  	s9 =	sadd.s32 $0xFFFFFEF7, lr;
	s5 =	simm.s32 $0xFFFFFFFF;
	p2 =	slt.u32 s8, $0xFFFFF086  }
0x1c: {  	p1 =	slt.u32 s9, $0xF7A;
	s5 =	simm.s32 @!p2 $0x0  }
0x1d: {  	s5 =	simm.s32 @p1 $0x1;
	p0 =	seq.s32 s7, s2  }
0x1e: {  	s7 =	smul.u32 @!p0 $0xF7A, s2;
	p2 =	seq.s32 @!p0 s5, $0x0  }
0x1f: {  	s9 =	smul.u32 $0xF7A, s1;
	s8 =	simm.s32 @!p0 $0x1BF5;
	p2 =	por !p2, p0  }
0x20: {  	[sflag:s8] =	ssyncset.s32 @!p0 $0xFFFFF086;
	s6 =	sadd.s32 @!p0 s3, s7;
	s7 =	simm.s32 @!p0 $0x108  }
0x21: {  	s3 =	sadd.s32 s3, s9;
	s6 =	sadd.s32 @!p0 $0x88, s6;
	s7 =	simm.s32 @p2 $0x1082  }
0x22: {  	[simem:s7], [sflag:s8] =	dma.local @!p0 [hbm:s6], $0xF7A  }
0x23: {  	s9 =	sor.u32 $0xD0000000, s2;
	s6 =	simm.s32 $0x108;
	_ =	swait.ge @!p0 [sflag:s8], $0x0  }
0x24: {  	s3 =	sadd.s32 $0x88, s3;
	s6 =	simm.s32 @!p1 $0x1082;
	[sflag:s4] =	ssyncset.s32 $0xFFFFF086  }
0x25: {  	[simem:s6], [sflag:s4] =	dma.local [hbm:s3], $0xF7A  }
0x26: {  	[smem:$0x3F99] =	sst s1;
	(tag) =	ssettag s2;
	_ =	strace s9  }
0x27: {  	s1 =	sld [smem:$0x3FA9]  }
0x28: {  	s2 =	sld [smem:$0x3FAA]  }
0x29: {  	s4 =	sld [smem:$0x3FAC]  }
0x2a: {  	p0 =	seq.s32 s5, $0x0;
	s5 =	sld [smem:$0x3FAD]  }
0x2b: {  	s6 =	sld [smem:$0x3FAE]  }
0x2c: {  	s7 =	sld [smem:$0x3FAF]  }
0x2d: {  	s3 =	simm.s32 $0x108;
	s8 =	sld [smem:$0x3FB0]  }
0x2e: {  	s3 =	simm.s32 @!p0 $0x1082;
	s9 =	sld [smem:$0x3FB1]  }
0x2f: {  	lr =	sadd.s32 s0, s3;
	s0 =	sld [smem:$0x3FA8]  }
0x30: {  	s3 =	sld [smem:$0x3FAB]  }
0x31: {  	[smem:$0x3FB4] =	sst s10  }
0x32: {  	s10 =	sld [smem:$0x3FB2];
	_ =	sdelay $0x3  }
0x33: {  	p0 =	seq.s32 s10, $0x1;
	s10 =	sld [smem:$0x3FB4];
	_ =	sdelay $0x3  }
0x34: {  	[smem:$0x3FB4] =	sst s10  }
0x35: {  	s10 =	sld [smem:$0x3FB3];
	_ =	sdelay $0x3  }
0x36: {  	p1 =	seq.s32 s10, $0x1;
	s10 =	sld [smem:$0x3FB4];
	_ =	sdelay $0x3  }
0x37: {  	[smem:$0x3FB4] =	sst s10  }
0x38: {  	s10 =	sld [smem:$0x3FB5]  }
0x39: {  	_ = 	snop;
	(pc) =	sbr.ind lr, $3  }
0x3a: {  	_ = 	snop  }
0x3b: {  	_ = 	snop  }
0x3c: {  	p2 =	seq.s32 s10, $0x1;
	s10 =	sld [smem:$0x3FB4]  }
0x3d: {  	_ =	shalt  }
0x3e: {  	_ =	shalt  }
0x3f: {  	_ =	shalt  }
0x40: {  	_ =	shalt  }
0x41: {  	_ =	shalt  }
0x42: {  	_ =	shalt  }
0x43: {  	_ =	shalt  }
0x44: {  	_ =	shalt  }
0x45: {  	_ =	shalt  }
0x46: {  	_ =	shalt  }
0x47: {  	_ =	shalt  }
0x48: {  	_ =	shalt  }
0x49: {  	_ =	shalt  }
0x4a: {  	_ =	shalt  }
0x4b: {  	_ =	shalt  }
0x4c: {  	_ =	shalt  }
0x4d: {  	_ =	shalt  }
0x4e: {  	_ =	shalt  }
0x4f: {  	_ =	shalt  }
0x50: {  	_ =	shalt  }
0x51: {  	_ =	shalt  }
0x52: {  	_ =	shalt  }
0x53: {  	_ =	shalt  }
0x54: {  	_ =	shalt  }
0x55: {  	_ =	shalt  }
0x56: {  	_ =	shalt  }
0x57: {  	_ =	shalt  }
0x58: {  	_ =	shalt  }
0x59: {  	_ =	shalt  }
0x5a: {  	_ =	shalt  }
0x5b: {  	_ =	shalt  }
0x5c: {  	_ =	shalt  }
0x5d: {  	_ =	shalt  }
0x5e: {  	_ =	shalt  }
0x5f: {  	_ =	shalt  }
0x60: {  	_ =	shalt  }
0x61: {  	_ =	shalt  }
0x62: {  	_ =	shalt  }
0x63: {  	_ =	shalt  }
0x64: {  	_ =	shalt  }
0x65: {  	_ =	shalt  }
0x66: {  	_ =	shalt  }
0x67: {  	_ =	shalt  }
0x68: {  	_ =	shalt  }
0x69: {  	_ =	shalt  }
0x6a: {  	_ =	shalt  }
0x6b: {  	_ =	shalt  }
0x6c: {  	_ =	shalt  }
0x6d: {  	_ =	shalt  }
0x6e: {  	_ =	shalt  }
0x6f: {  	_ =	shalt  }
0x70: {  	_ =	shalt  }
0x71: {  	_ =	shalt  }
0x72: {  	_ =	shalt  }
0x73: {  	_ =	shalt  }
0x74: {  	_ =	shalt  }
0x75: {  	_ =	shalt  }
0x76: {  	_ =	shalt  }
0x77: {  	_ =	shalt  }
0x78: {  	_ =	shalt  }
0x79: {  	_ =	shalt  }
0x7a: {  	_ =	shalt  }
0x7b: {  	_ =	shalt  }
0x7c: {  	_ =	shalt  }
0x7d: {  	_ =	shalt  }
0x7e: {  	_ =	shalt  }
0x7f: {  	_ =	shalt  }
0x80: {  	_ =	shalt  }
0x81: {  	_ =	shalt  }
0x82: {  	_ =	shalt  }
0x83: {  	_ =	shalt  }
0x84: {  	_ =	shalt  }
0x85: {  	_ =	shalt  }
0x86: {  	_ =	shalt  }
0x87: {  	_ =	shalt  }
.Lfunc_end0:
.L_simem_size_0:
called_computation_lowered:
.L_overlay_start_0:
0x88: {  	s2 =	sld [smem:$0x3FD9]  }
0x89: {  	s3 =	sld [smem:$0x3FFE];
	_ =	sdelay $0x1  }
0x8a: {  	s1 =	srdreg.scid  }
0x8b: {  	s0 =	sand.u32 $0x1, s1  }
0x8c: {  	s18 =	sshll.u32 s0, $0xA;
	s2 =	sadd.s32 s3, s2  }
0x8d: {  	s2 =	sadd.s32 s2, s18  }
0x8e: {  	[smem:$0x3FC0] =	sst s2  }
0x8f: {  	_ = 	snop  }
0x90: {  	s2 =	sld [smem:$0x3FC9]  }
0x91: {  	s19 =	sld [smem:$0x3FC6]  }
0x92: {  	s4 =	sld [smem:$0x3FD0];
	(tm) =	ssettm $0x1  }
0x93: {  	s5 =	sld [smem:$0x3FFB];
	_ =	sdelay $0x3  }
0x94: {  	_ =	strace s5  }
0x95: {  	s5 =	sld [smem:$0x3FFC];
	_ =	sdelay $0x3  }
0x96: {  	_ =	strace s5  }
0x97: {  	s5 =	sld [smem:$0x3FFD];
	_ =	sdelay $0x3  }
0x98: {  	_ =	strace s5  }
0x99: {  	_ =	strace $0x8FFFFFFF  }
0x9a: {  	s20 =	sld [smem:$0x3FDB];
	_ =	sdelay $0x1  }
0x9b: {  	s6 =	simm.s32 $_scs_section_size  }
0x9c: {  	s7 =	simm.s32 $_size__tile_overlayer_lowered;
	s8 =	simm.s32 $_tile_overlayer_lowered  }
0x9d: {  	s23 =	simm.s32 $0x1BFF;
	s22 =	sshll.u32 s8, $0x1;
	s5 =	sadd.s32 s6, s20  }
0x9e: {  	s9 =	simm.s32 $0x0;
	s21 =	sshll.u32 s7, $0x1;
	s7 =	sadd.s32 s22, s5  }
0x9f: {  	[timem:s9], [sflag:s23] =	dma.local [hbm:s7], s21  }
0xa0: {  	_ =	swait.ge [sflag:s23], s21  }
0xa1: {  	s6 =	ssub.s32 $0x0, s21;
	[sflag:s23] =	ssyncset.done $0x0  }
0xa2: {  	[sflag:s23] =	ssyncadd.s32 s6;
	_ =	sdelay $0x1  }
0xa3: {  	s24 =	simm.s32 $0x1B8B  }
0xa4: {  	_ =	swait.ge [sflag:s24], $0x1  }
0xa5: {  	[sflag:s24] =	ssyncset.done $0x0  }
0xa6: {  	s25 =	simm.s32 $0x1B8E;
	[sflag:s24] =	ssyncadd.s32 $0xFFFFFFFF  }
0xa7: {  	s26 =	simm.s32 $execute0_lowered;
	[smem:$0x3FD2] =	sst s25  }
0xa8: {  	s6 =	sshll.u32 s26, $0x1;
	_ =	strace $0x80000046;
	[dreg:$0x1] =	wrdreg $0xFFFFFFFF  }
0xa9: {  	s28 =	simm.s32 $_size_execute0_lowered;
	s5 =	sadd.s32 s5, s6;
	[dreg:$0x0] =	wrdreg $0x0  }
0xaa: {  	s6 =	sshll.u32 s28, $0x1;
	[dreg:$0x2] =	wrdreg s5  }
0xab: {  	[dreg:$0x3] =	wrdreg s6  }
0xac: {  	[dreg:$0x4] =	wrdreg $0xC0  }
0xad: {  	_ =	task [dreg:s9], $0x5FFFF  }
0xae: {  	[dreg:$0x1] =	wrdreg $0xFFFFFFFF  }
0xaf: {  	[dreg:$0x0] =	wrdreg $0x60  }
0xb0: {  	[dreg:$0x2] =	wrdreg s19  }
0xb1: {  	[dreg:$0x3] =	wrdreg s2  }
0xb2: {  	[dreg:$0x4] =	wrdreg s4  }
0xb3: {  	[dreg:$0x5] =	wrdreg $0x9  }
0xb4: {  	_ =	task.clear_ibuf [dreg:s9], $0x6FFFF;
	_ =	strace $0x90000046  }
0xb5: {  	s29 =	simm.s32 $0x9;
	_ =	strace $0x80000048  }
0xb6: {  	_ =	swait.ge [sflag:s29], $0x1  }
0xb7: {  	[sflag:s29] =	ssyncadd.s32 $0xFFFFFFFF  }
0xb8: {  	_ =	strace $0x90000048  }
0xb9: {  	_ =	sfence  }
0xba: {  	s30 =	sld [smem:$0x0];
	_ =	sdelay $0x2  }
0xbb: {  	s31 =	sshll.u32 s1, $0xD;
	s1 =	sshrl.u32 s1, $0x2  }
0xbc: {  	s3 =	sand.u32 $0x4000, s31;
	s1 =	sadd.s32 s1, s30  }
0xbd: {  	s0 =	sor.u32 s3, s0;
	s1 =	sshll.u32 s1, $0x11  }
0xbe: {  	s0 =	sor.u32 s1, s0  }
0xbf: {  	s0 =	sadd.s32 $0x8F2B, s0  }
0xc0: {  	[sflag:s0] =	ssyncadd.remote.s32 $0x1  }
0xc1: {  	_ =	sfence.sel $0xFFFF  }
0xc2: {  	[dreg:$0x0] =	wrdreg $0xFFFFFFFF;
	(pc) =	sbr.abs _section_cstart, $3  }
0xc3: {  	[dreg:$0x1] =	wrdreg $0xFFFFFFFF  }
0xc4: {  	_ =	task.clear_ibuf [dreg:s9], $0x2FFFF;
	_ =	strace $0x9FFFFFFF  }
0xc5: {  	(tm) =	ssettm $0x7FFFFFFF  }
tec
execute0_lowered:
.L_overlay_start_1:
0x0: {  	(tag) =	ssettag $0x1  }
0x1: {  	s1 =	rddreg [dreg:$0x0]  }
0x2: {  	s0 =	rddreg [dreg:$0x1]  }
0x3: {  	s2 =	rddreg [dreg:$0x2]  }
0x4: {  	s3 =	srdreg.scid;
	s4 =	stileid.u32;
	s6 =	simm.s32 $0x0  }
0x5: {  	s22 =	simm.s32 $0x8280;
	s29 =	simm.s32 $0xB280;
	s30 =	simm.s32 $0xC280  }
0x6: {  	s31 =	simm.s32 $0xD280;
	s21 =	simm.s32 $0xF280;
	s28 =	simm.s32 $0x10280  }
0x7: {  	s9 =	simm.s32 $0xA;
	s8 =	simm.s32 $0xC;
	s7 =	simm.s32 $0xD  }
0x8: {  	s10 =	simm.s32 $0xE;
	s11 =	simm.s32 $0xF;
	s12 =	simm.s32 $0x10  }
0x9: {  	s14 =	simm.s32 $0x0;
	s3 =	sand.u32 $0x1, s3;
	s4 =	sshll.u32 s4, $0xA  }
0xa: {  	[smem:$0x7FF] =	sst s6;
	s6 =	simm.s32 $0x9;
	s5 =	sshll.u32 s3, $0x9  }
0xb: {  	s3 =	ssub.s32 $0x2, s3;
	_ =	strace $0x80000047;
	s4 =	sor.u32 s5, s4  }
0xc: {  	s23 =	sshrl.u32 s3, $0x1;
	s5 =	simm.s32 $0xB;
	s24 =	sshrl.u32 s4, $0x3  }
0xd: {  	s3 =	ssub.s32 s3, s23;
	s25 =	sadd.s32 s2, s4;
	s23 =	simm.s32 $0x9280  }
0xe: {  	v0 =	vlaneseq.u32;
	s2 =	simm.s32 $0x6;
	s4 =	simm.s32 $0x8;
	s0 =	sadd.s32 s0, s24  }
0xf: {  	v0 =	vmul.u32 $0x80, v0;
	[dreg:$0x5] =	wrdreg s25;
	s26 =	smax.u32 s3, $0x1;
	s24 =	simm.s32 $0x6280  }
0x10: {  	s25 =	simm.s32 $0x7280;
	s3 =	simm.s32 $0x7;
	[dreg:$0x4] =	wrdreg s0  }
0x11: {  	v1 =	vor.u32 $0x800, v0;
	[dreg:$0x6] =	wrdreg s26;
	s26 =	simm.s32 $0xA280;
	s0 =	simm.s32 $0xE280  }
.LBB2_1:
0x12: {  	[dreg:$0x7] =	wrdreg s14  }
0x13: {  	s13 =	simm.s32 $0x0;
	s18 =	rddreg [dreg:$0x4];
	s19 =	simm.s32 $0x11  }
0x14: {  	[tilespmem:s13], [sflag:$0x11] =	stream.linear.gather [hbm4b:s18+s13], $0x200, $0x38;
	[tilespmem:$0x11280] =	vst v63  }
0x15: {  	_ =	swait.ge [sflag:s19], $0x200  }
0x16: {  	[sflag:s19] =	ssyncset.done $0x0  }
0x17: {  	[sflag:s19] =	ssyncadd.s32 $0xFFFFFE00  }
0x18: {  	v2 =	vld [tilespmem:$0x0];
	_ =	sdelay $0x4  }
0x19: {  	v2 =	vand.u32 $0xFFFFFF80, v2  }
0x1a: {  	v2 =	vadd.s32 s1, v2  }
0x1b: {  	(v2sf) =	vpush v2, $0x0;
	_ =	sdelay $0x1  }
0x1c: {  	(v2sf) =	vpush v2, $0x1;
	_ =	sdelay $0x1  }
0x1d: {  	(v2sf) =	vpush v2, $0x2;
	_ =	sdelay $0x1  }
0x1e: {  	(v2sf) =	vpush v2, $0x3;
	_ =	sdelay $0x1  }
0x1f: {  	(v2sf) =	vpush v2, $0x4;
	_ =	sdelay $0x1  }
0x20: {  	(v2sf) =	vpush v2, $0x5;
	_ =	sdelay $0x1  }
0x21: {  	(v2sf) =	vpush v2, $0x6;
	_ =	sdelay $0x1  }
0x22: {  	s14 =	simm.s32 $0x400;
	(v2sf) =	vpush v2, $0x7  }
0x23: {  	s15 =	simm.s32 $0x7A1400;
	s16 =	simm.s32 $0x280;
	s20 =	spop (v2sf)  }
0x24: {  	(v2sf) =	vpush v2, $0x8;
	[tilespmem:s16], [sflag:$0x1] =	stream.strided.gather [hbm4b:s20+s14], $0x1000, s15, s14, $0x38;
	[tilespmem:$0x11280] =	vst v63  }
0x25: {  	s18 =	simm.s32 $0x1280;
	s17 =	spop (v2sf)  }
0x26: {  	(v2sf) =	vpush v2, $0x9;
	[tilespmem:s18], [sflag:$0x2] =	stream.strided.gather [hbm4b:s17+s14], $0x1000, s15, s14, $0x38;
	[tilespmem:$0x11280] =	vst v63  }
0x27: {  	s20 =	simm.s32 $0x2280;
	s19 =	spop (v2sf)  }
0x28: {  	(v2sf) =	vpush v2, $0xA;
	[tilespmem:s20], [sflag:$0x3] =	stream.strided.gather [hbm4b:s19+s14], $0x1000, s15, s14, $0x38;
	[tilespmem:$0x11280] =	vst v63  }
0x29: {  	s17 =	spop (v2sf);
	s18 =	simm.s32 $0x3280  }
0x2a: {  	(v2sf) =	vpush v2, $0xB;
	[tilespmem:s18], [sflag:$0x4] =	stream.strided.gather [hbm4b:s17+s14], $0x1000, s15, s14, $0x38;
	[tilespmem:$0x11280] =	vst v63  }
0x2b: {  	s19 =	spop (v2sf);
	s20 =	simm.s32 $0x4280  }
0x2c: {  	(v2sf) =	vpush v2, $0xC;
	[tilespmem:s20], [sflag:$0x5] =	stream.strided.gather [hbm4b:s19+s14], $0x1000, s15, s14, $0x38;
	[tilespmem:$0x11280] =	vst v63  }
0x2d: {  	s16 =	spop (v2sf);
	s17 =	simm.s32 $0x5280  }
0x2e: {  	(v2sf) =	vpush v2, $0xD;
	[tilespmem:s17], [sflag:$0x6] =	stream.strided.gather [hbm4b:s16+s14], $0x1000, s15, s14, $0x38;
	[tilespmem:$0x11280] =	vst v63  }
0x2f: {  	s18 =	spop (v2sf)  }
0x30: {  	(v2sf) =	vpush v2, $0xE;
	[tilespmem:s24], [sflag:$0x7] =	stream.strided.gather [hbm4b:s18+s14], $0x1000, s15, s14, $0x38;
	[tilespmem:$0x11280] =	vst v63  }
0x31: {  	s19 =	spop (v2sf)  }
0x32: {  	(v2sf) =	vpush v2, $0xF;
	[tilespmem:s25], [sflag:$0x8] =	stream.strided.gather [hbm4b:s19+s14], $0x1000, s15, s14, $0x38;
	[tilespmem:$0x11280] =	vst v63  }
0x33: {  	s20 =	spop (v2sf)  }
0x34: {  	[tilespmem:s22], [sflag:$0x9] =	stream.strided.gather [hbm4b:s20+s14], $0x1000, s15, s14, $0x38;
	[tilespmem:$0x11280] =	vst v63  }
0x35: {  	s22 =	spop (v2sf)  }
0x36: {  	[tilespmem:s23], [sflag:$0xA] =	stream.strided.gather [hbm4b:s22+s14], $0x1000, s15, s14, $0x38;
	[tilespmem:$0x11280] =	vst v63  }
0x37: {  	s24 =	spop (v2sf)  }
0x38: {  	[tilespmem:s26], [sflag:$0xB] =	stream.strided.gather [hbm4b:s24+s14], $0x1000, s15, s14, $0x38;
	[tilespmem:$0x11280] =	vst v63  }
0x39: {  	s25 =	spop (v2sf)  }
0x3a: {  	[tilespmem:s29], [sflag:$0xC] =	stream.strided.gather [hbm4b:s25+s14], $0x1000, s15, s14, $0x38;
	[tilespmem:$0x11280] =	vst v63  }
0x3b: {  	s26 =	spop (v2sf)  }
0x3c: {  	[tilespmem:s30], [sflag:$0xD] =	stream.strided.gather [hbm4b:s26+s14], $0x1000, s15, s14, $0x38;
	[tilespmem:$0x11280] =	vst v63  }
0x3d: {  	s29 =	spop (v2sf)  }
0x3e: {  	[tilespmem:s31], [sflag:$0xE] =	stream.strided.gather [hbm4b:s29+s14], $0x1000, s15, s14, $0x38;
	[tilespmem:$0x11280] =	vst v63  }
0x3f: {  	s30 =	spop (v2sf)  }
0x40: {  	[tilespmem:s0], [sflag:$0xF] =	stream.strided.gather [hbm4b:s30+s14], $0x1000, s15, s14, $0x38;
	[tilespmem:$0x11280] =	vst v63  }
0x41: {  	s31 =	spop (v2sf)  }
0x42: {  	[tilespmem:s21], [sflag:$0x10] =	stream.strided.gather [hbm4b:s31+s14], $0x1000, s15, s14, $0x38;
	[tilespmem:$0x11280] =	vst v63  }
0x43: {  	s13 =	simm.s32 $0x190;
	s14 =	simm.s32 $0x10;
	s15 =	simm.s32 $0x0  }
.LBB2_2:
0x44: {  	v2 =	vld [tilespmem:s14+$0x0];
	_ =	sdelay $0x2  }
0x45: {  	v3 =	vld [tilespmem:s14+$0xFFFFFFF0]  }
0x46: {  	s0 =	simm.s32 $0x1  }
0x47: {  	p0 =	seq.s32 s13, $0x380;
	_ =	swait.ge [sflag:s0], $0x1000;
	v2 =	vand.u32 $0xFFFFFF80, v2  }
0x48: {  	(v2sf) =	vpush @!p0 v2, $0x0;
	_ =	sdelay $0x1  }
0x49: {  	v3 =	vand.u32 $0x7F, v3  }
0x4a: {  	v4 =	vbroadcast v3, $0x0;
	_ =	sdelay $0x1  }
0x4b: {  	v5 =	vor.u32 v0, v4  }
0x4c: {  	v4 =	vor.u32 v1, v4;
	_ =	sdelay $0x1  }
0x4d: {  	s16 =	sand.u32 $0x7, s15;
	[sflag:s0] =	ssyncset.done $0x0  }
0x4e: {  	s17 =	simm.s32 $0x280;
	s18 =	sshll.u32 s16, $0x4;
	[sflag:s0] =	ssyncadd.s32 $0xFFFFF000  }
0x4f: {  	v6 =	vor.u32 s18, v0;
	v5 =	vld.idx.msk [tilespmem:v5+s17+$0x0], $0xffff  }
0x50: {  	v7 =	vor.u32 s18, v1;
	v4 =	vld.idx.msk [tilespmem:v4+s17+$0x0], $0xffff;
	_ =	sdelay $0x3  }
0x51: {  	s22 =	simm.s32 $0x2;
	s19 =	simm.s32 @!p0 $0x7A1400;
	[tilespmem:v6+s28+$0x0] =	vst.idx.msk $0xffff, v5;
	s17 =	spop @!p0 (v2sf)  }
0x52: {  	s21 =	simm.s32 @!p0 $0x280;
	[tilespmem:v7+s28+$0x0] =	vst.idx.msk $0xffff, v4;
	s20 =	sadd.s32 @!p0 s1, s17;
	s17 =	simm.s32 @!p0 $0x400  }
0x53: {  	[tilespmem:s21], [sflag:$0x1] =	stream.strided.gather @!p0 [hbm4b:s20+s17], $0x1000, s19, s17, $0x38;
	[tilespmem:$0x11280] =	vst v63  }
0x54: {  	_ =	swait.ge [sflag:s22], $0x1000  }
0x55: {  	(v2sf) =	vpush @!p0 v2, $0x1;
	_ =	sdelay $0x2  }
0x56: {  	v61 =	vbroadcast v3, $0x1;
	_ =	sdelay $0x1  }
0x57: {  	s23 =	sor.u32 $0x1, s18;
	v62 =	vor.u32 v0, v61  }
0x58: {  	v63 =	vmov s23;
	v4 =	vor.u32 v1, v61  }
0x59: {  	v6 =	vand.u32 $0x71, v63  }
0x5a: {  	v6 =	vbroadcast v6, $0x0;
	[sflag:s22] =	ssyncset.done $0x0  }
0x5b: {  	s24 =	simm.s32 $0x1280;
	[sflag:s22] =	ssyncadd.s32 $0xFFFFF000  }
0x5c: {  	v9 =	vor.u32 v0, v6;
	v5 =	vld.idx.msk [tilespmem:v62+s24+$0x0], $0xffff  }
0x5d: {  	v6 =	vor.u32 v1, v6;
	v4 =	vld.idx.msk [tilespmem:v4+s24+$0x0], $0xffff;
	_ =	sdelay $0x3  }
0x5e: {  	[tilespmem:v9+s28+$0x0] =	vst.idx.msk $0xffff, v5;
	s20 =	spop @!p0 (v2sf)  }
0x5f: {  	s25 =	simm.s32 $0x3;
	s21 =	simm.s32 @!p0 $0x1280;
	[tilespmem:v6+s28+$0x0] =	vst.idx.msk $0xffff, v4;
	s20 =	sadd.s32 @!p0 s1, s20  }
0x60: {  	[tilespmem:s21], [sflag:$0x2] =	stream.strided.gather @!p0 [hbm4b:s20+s17], $0x1000, s19, s17, $0x38;
	[tilespmem:$0x11280] =	vst v63  }
0x61: {  	_ =	swait.ge [sflag:s25], $0x1000  }
0x62: {  	(v2sf) =	vpush @!p0 v2, $0x2;
	_ =	sdelay $0x2  }
0x63: {  	v10 =	vbroadcast v3, $0x2;
	_ =	sdelay $0x1  }
0x64: {  	s26 =	sor.u32 $0x2, s18;
	v11 =	vor.u32 v0, v10  }
0x65: {  	v12 =	vmov s26;
	v4 =	vor.u32 v1, v10  }
0x66: {  	v6 =	vand.u32 $0x72, v12  }
0x67: {  	v6 =	vbroadcast v6, $0x0;
	[sflag:s25] =	ssyncset.done $0x0  }
0x68: {  	s0 =	simm.s32 $0x2280;
	[sflag:s25] =	ssyncadd.s32 $0xFFFFF000  }
0x69: {  	v13 =	vor.u32 v0, v6;
	v5 =	vld.idx.msk [tilespmem:v11+s0+$0x0], $0xffff  }
0x6a: {  	v6 =	vor.u32 v1, v6;
	v4 =	vld.idx.msk [tilespmem:v4+s0+$0x0], $0xffff;
	_ =	sdelay $0x3  }
0x6b: {  	[tilespmem:v13+s28+$0x0] =	vst.idx.msk $0xffff, v5;
	s20 =	spop @!p0 (v2sf)  }
0x6c: {  	s21 =	simm.s32 @!p0 $0x2280;
	[tilespmem:v6+s28+$0x0] =	vst.idx.msk $0xffff, v4;
	s20 =	sadd.s32 @!p0 s1, s20  }
0x6d: {  	[tilespmem:s21], [sflag:$0x3] =	stream.strided.gather @!p0 [hbm4b:s20+s17], $0x1000, s19, s17, $0x38;
	[tilespmem:$0x11280] =	vst v63  }
0x6e: {  	s21 =	simm.s32 $0x4  }
0x6f: {  	_ =	swait.ge [sflag:s21], $0x1000  }
0x70: {  	(v2sf) =	vpush @!p0 v2, $0x3;
	_ =	sdelay $0x2  }
0x71: {  	v14 =	vbroadcast v3, $0x3;
	_ =	sdelay $0x1  }
0x72: {  	v15 =	vor.u32 v0, v14;
	s22 =	sor.u32 $0x3, s18  }
0x73: {  	v16 =	vmov s22;
	v4 =	vor.u32 v1, v14  }
0x74: {  	v6 =	vand.u32 $0x73, v16  }
0x75: {  	v6 =	vbroadcast v6, $0x0;
	[sflag:s21] =	ssyncset.done $0x0  }
0x76: {  	s23 =	simm.s32 $0x3280;
	[sflag:s21] =	ssyncadd.s32 $0xFFFFF000  }
0x77: {  	v17 =	vor.u32 v0, v6;
	v5 =	vld.idx.msk [tilespmem:v15+s23+$0x0], $0xffff  }
0x78: {  	v6 =	vor.u32 v1, v6;
	v4 =	vld.idx.msk [tilespmem:v4+s23+$0x0], $0xffff;
	_ =	sdelay $0x3  }
0x79: {  	[tilespmem:v17+s28+$0x0] =	vst.idx.msk $0xffff, v5;
	s20 =	spop @!p0 (v2sf)  }
0x7a: {  	s24 =	simm.s32 $0x5;
	s21 =	simm.s32 @!p0 $0x3280;
	[tilespmem:v6+s28+$0x0] =	vst.idx.msk $0xffff, v4;
	s20 =	sadd.s32 @!p0 s1, s20  }
0x7b: {  	[tilespmem:s21], [sflag:$0x4] =	stream.strided.gather @!p0 [hbm4b:s20+s17], $0x1000, s19, s17, $0x38;
	[tilespmem:$0x11280] =	vst v63  }
0x7c: {  	_ =	swait.ge [sflag:s24], $0x1000  }
0x7d: {  	(v2sf) =	vpush @!p0 v2, $0x4;
	_ =	sdelay $0x2  }
0x7e: {  	v18 =	vbroadcast v3, $0x4;
	_ =	sdelay $0x1  }
0x7f: {  	v19 =	vor.u32 v0, v18;
	s25 =	sor.u32 $0x4, s18  }
0x80: {  	v20 =	vmov s25;
	v4 =	vor.u32 v1, v18  }
0x81: {  	v6 =	vand.u32 $0x74, v20  }
0x82: {  	v6 =	vbroadcast v6, $0x0;
	[sflag:s24] =	ssyncset.done $0x0  }
0x83: {  	s26 =	simm.s32 $0x4280;
	[sflag:s24] =	ssyncadd.s32 $0xFFFFF000  }
0x84: {  	v21 =	vor.u32 v0, v6;
	v5 =	vld.idx.msk [tilespmem:v19+s26+$0x0], $0xffff  }
0x85: {  	v6 =	vor.u32 v1, v6;
	v4 =	vld.idx.msk [tilespmem:v4+s26+$0x0], $0xffff;
	_ =	sdelay $0x3  }
0x86: {  	[tilespmem:v21+s28+$0x0] =	vst.idx.msk $0xffff, v5;
	s20 =	spop @!p0 (v2sf)  }
0x87: {  	s21 =	simm.s32 @!p0 $0x4280;
	[tilespmem:v6+s28+$0x0] =	vst.idx.msk $0xffff, v4;
	s20 =	sadd.s32 @!p0 s1, s20  }
0x88: {  	[tilespmem:s21], [sflag:$0x5] =	stream.strided.gather @!p0 [hbm4b:s20+s17], $0x1000, s19, s17, $0x38;
	[tilespmem:$0x11280] =	vst v63  }
0x89: {  	_ =	swait.ge [sflag:s2], $0x1000  }
0x8a: {  	(v2sf) =	vpush @!p0 v2, $0x5;
	_ =	sdelay $0x2  }
0x8b: {  	v22 =	vbroadcast v3, $0x5;
	_ =	sdelay $0x1  }
0x8c: {  	v23 =	vor.u32 v0, v22;
	s0 =	sor.u32 $0x5, s18  }
0x8d: {  	v24 =	vmov s0;
	v4 =	vor.u32 v1, v22  }
0x8e: {  	v6 =	vand.u32 $0x75, v24  }
0x8f: {  	v6 =	vbroadcast v6, $0x0;
	[sflag:s2] =	ssyncset.done $0x0  }
0x90: {  	s21 =	simm.s32 $0x5280;
	[sflag:s2] =	ssyncadd.s32 $0xFFFFF000  }
0x91: {  	v25 =	vor.u32 v0, v6;
	v5 =	vld.idx.msk [tilespmem:v23+s21+$0x0], $0xffff  }
0x92: {  	v6 =	vor.u32 v1, v6;
	v4 =	vld.idx.msk [tilespmem:v4+s21+$0x0], $0xffff;
	_ =	sdelay $0x3  }
0x93: {  	[tilespmem:v25+s28+$0x0] =	vst.idx.msk $0xffff, v5;
	s20 =	spop @!p0 (v2sf)  }
0x94: {  	s21 =	simm.s32 @!p0 $0x5280;
	[tilespmem:v6+s28+$0x0] =	vst.idx.msk $0xffff, v4;
	s20 =	sadd.s32 @!p0 s1, s20  }
0x95: {  	[tilespmem:s21], [sflag:$0x6] =	stream.strided.gather @!p0 [hbm4b:s20+s17], $0x1000, s19, s17, $0x38;
	[tilespmem:$0x11280] =	vst v63  }
0x96: {  	_ =	swait.ge [sflag:s3], $0x1000  }
0x97: {  	(v2sf) =	vpush @!p0 v2, $0x6;
	_ =	sdelay $0x2  }
0x98: {  	v26 =	vbroadcast v3, $0x6;
	_ =	sdelay $0x1  }
0x99: {  	v27 =	vor.u32 v0, v26;
	s22 =	sor.u32 $0x6, s18  }
0x9a: {  	v28 =	vmov s22;
	v4 =	vor.u32 v1, v26  }
0x9b: {  	v6 =	vand.u32 $0x76, v28  }
0x9c: {  	v6 =	vbroadcast v6, $0x0;
	[sflag:s3] =	ssyncset.done $0x0  }
0x9d: {  	s23 =	simm.s32 $0x6280;
	[sflag:s3] =	ssyncadd.s32 $0xFFFFF000  }
0x9e: {  	v29 =	vor.u32 v0, v6;
	v5 =	vld.idx.msk [tilespmem:v27+s23+$0x0], $0xffff  }
0x9f: {  	v6 =	vor.u32 v1, v6;
	v4 =	vld.idx.msk [tilespmem:v4+s23+$0x0], $0xffff;
	_ =	sdelay $0x3  }
0xa0: {  	[tilespmem:v29+s28+$0x0] =	vst.idx.msk $0xffff, v5;
	s20 =	spop @!p0 (v2sf)  }
0xa1: {  	s21 =	simm.s32 @!p0 $0x6280;
	[tilespmem:v6+s28+$0x0] =	vst.idx.msk $0xffff, v4;
	s20 =	sadd.s32 @!p0 s1, s20  }
0xa2: {  	[tilespmem:s21], [sflag:$0x7] =	stream.strided.gather @!p0 [hbm4b:s20+s17], $0x1000, s19, s17, $0x38;
	[tilespmem:$0x11280] =	vst v63  }
0xa3: {  	_ =	swait.ge [sflag:s4], $0x1000  }
0xa4: {  	(v2sf) =	vpush @!p0 v2, $0x7;
	_ =	sdelay $0x2  }
0xa5: {  	v30 =	vbroadcast v3, $0x7;
	_ =	sdelay $0x1  }
0xa6: {  	v31 =	vor.u32 v0, v30;
	s25 =	sor.u32 $0x7, s18  }
0xa7: {  	v32 =	vmov s25;
	v4 =	vor.u32 v1, v30  }
0xa8: {  	v6 =	vand.u32 $0x77, v32  }
0xa9: {  	v6 =	vbroadcast v6, $0x0;
	[sflag:s4] =	ssyncset.done $0x0  }
0xaa: {  	s26 =	simm.s32 $0x7280;
	[sflag:s4] =	ssyncadd.s32 $0xFFFFF000  }
0xab: {  	v33 =	vor.u32 v0, v6;
	v5 =	vld.idx.msk [tilespmem:v31+s26+$0x0], $0xffff  }
0xac: {  	v6 =	vor.u32 v1, v6;
	v4 =	vld.idx.msk [tilespmem:v4+s26+$0x0], $0xffff;
	_ =	sdelay $0x3  }
0xad: {  	[tilespmem:v33+s28+$0x0] =	vst.idx.msk $0xffff, v5;
	s20 =	spop @!p0 (v2sf)  }
0xae: {  	s21 =	simm.s32 @!p0 $0x7280;
	[tilespmem:v6+s28+$0x0] =	vst.idx.msk $0xffff, v4;
	s20 =	sadd.s32 @!p0 s1, s20  }
0xaf: {  	[tilespmem:s21], [sflag:$0x8] =	stream.strided.gather @!p0 [hbm4b:s20+s17], $0x1000, s19, s17, $0x38;
	[tilespmem:$0x11280] =	vst v63  }
0xb0: {  	_ =	swait.ge [sflag:s6], $0x1000  }
0xb1: {  	(v2sf) =	vpush @!p0 v2, $0x8;
	_ =	sdelay $0x2  }
0xb2: {  	v34 =	vbroadcast v3, $0x8;
	_ =	sdelay $0x1  }
0xb3: {  	v35 =	vor.u32 v0, v34;
	s0 =	sor.u32 $0x8, s18  }
0xb4: {  	v36 =	vmov s0;
	v4 =	vor.u32 v1, v34  }
0xb5: {  	v6 =	vand.u32 $0x78, v36  }
0xb6: {  	v6 =	vbroadcast v6, $0x0;
	[sflag:s6] =	ssyncset.done $0x0  }
0xb7: {  	s21 =	simm.s32 $0x8280;
	[sflag:s6] =	ssyncadd.s32 $0xFFFFF000  }
0xb8: {  	v37 =	vor.u32 v0, v6;
	v5 =	vld.idx.msk [tilespmem:v35+s21+$0x0], $0xffff  }
0xb9: {  	v6 =	vor.u32 v1, v6;
	v4 =	vld.idx.msk [tilespmem:v4+s21+$0x0], $0xffff;
	_ =	sdelay $0x3  }
0xba: {  	[tilespmem:v37+s28+$0x0] =	vst.idx.msk $0xffff, v5;
	s20 =	spop @!p0 (v2sf)  }
0xbb: {  	s21 =	simm.s32 @!p0 $0x8280;
	[tilespmem:v6+s28+$0x0] =	vst.idx.msk $0xffff, v4;
	s20 =	sadd.s32 @!p0 s1, s20  }
0xbc: {  	[tilespmem:s21], [sflag:$0x9] =	stream.strided.gather @!p0 [hbm4b:s20+s17], $0x1000, s19, s17, $0x38;
	[tilespmem:$0x11280] =	vst v63  }
0xbd: {  	_ =	swait.ge [sflag:s9], $0x1000  }
0xbe: {  	(v2sf) =	vpush @!p0 v2, $0x9;
	_ =	sdelay $0x2  }
0xbf: {  	v38 =	vbroadcast v3, $0x9;
	_ =	sdelay $0x1  }
0xc0: {  	v39 =	vor.u32 v0, v38;
	s23 =	sor.u32 $0x9, s18  }
0xc1: {  	v40 =	vmov s23;
	v4 =	vor.u32 v1, v38  }
0xc2: {  	v6 =	vand.u32 $0x79, v40  }
0xc3: {  	v6 =	vbroadcast v6, $0x0;
	[sflag:s9] =	ssyncset.done $0x0  }
0xc4: {  	s26 =	simm.s32 $0x9280;
	[sflag:s9] =	ssyncadd.s32 $0xFFFFF000  }
0xc5: {  	v41 =	vor.u32 v0, v6;
	v5 =	vld.idx.msk [tilespmem:v39+s26+$0x0], $0xffff  }
0xc6: {  	v6 =	vor.u32 v1, v6;
	v4 =	vld.idx.msk [tilespmem:v4+s26+$0x0], $0xffff;
	_ =	sdelay $0x3  }
0xc7: {  	[tilespmem:v41+s28+$0x0] =	vst.idx.msk $0xffff, v5;
	s20 =	spop @!p0 (v2sf)  }
0xc8: {  	s21 =	simm.s32 @!p0 $0x9280;
	[tilespmem:v6+s28+$0x0] =	vst.idx.msk $0xffff, v4;
	s20 =	sadd.s32 @!p0 s1, s20  }
0xc9: {  	[tilespmem:s21], [sflag:$0xA] =	stream.strided.gather @!p0 [hbm4b:s20+s17], $0x1000, s19, s17, $0x38;
	[tilespmem:$0x11280] =	vst v63  }
0xca: {  	_ =	swait.ge [sflag:s5], $0x1000  }
0xcb: {  	(v2sf) =	vpush @!p0 v2, $0xA;
	_ =	sdelay $0x2  }
0xcc: {  	v42 =	vbroadcast v3, $0xA;
	_ =	sdelay $0x1  }
0xcd: {  	v43 =	vor.u32 v0, v42;
	s0 =	sor.u32 $0xA, s18  }
0xce: {  	v44 =	vmov s0;
	v4 =	vor.u32 v1, v42  }
0xcf: {  	v6 =	vand.u32 $0x7A, v44  }
0xd0: {  	v6 =	vbroadcast v6, $0x0;
	[sflag:s5] =	ssyncset.done $0x0  }
0xd1: {  	s21 =	simm.s32 $0xA280;
	[sflag:s5] =	ssyncadd.s32 $0xFFFFF000  }
0xd2: {  	v45 =	vor.u32 v0, v6;
	v5 =	vld.idx.msk [tilespmem:v43+s21+$0x0], $0xffff  }
0xd3: {  	v6 =	vor.u32 v1, v6;
	v4 =	vld.idx.msk [tilespmem:v4+s21+$0x0], $0xffff;
	_ =	sdelay $0x3  }
0xd4: {  	[tilespmem:v45+s28+$0x0] =	vst.idx.msk $0xffff, v5;
	s20 =	spop @!p0 (v2sf)  }
0xd5: {  	s21 =	simm.s32 @!p0 $0xA280;
	[tilespmem:v6+s28+$0x0] =	vst.idx.msk $0xffff, v4;
	s20 =	sadd.s32 @!p0 s1, s20  }
0xd6: {  	[tilespmem:s21], [sflag:$0xB] =	stream.strided.gather @!p0 [hbm4b:s20+s17], $0x1000, s19, s17, $0x38;
	[tilespmem:$0x11280] =	vst v63  }
0xd7: {  	_ =	swait.ge [sflag:s8], $0x1000  }
0xd8: {  	(v2sf) =	vpush @!p0 v2, $0xB;
	_ =	sdelay $0x2  }
0xd9: {  	v46 =	vbroadcast v3, $0xB;
	_ =	sdelay $0x1  }
0xda: {  	v47 =	vor.u32 v0, v46;
	s0 =	sor.u32 $0xB, s18  }
0xdb: {  	v48 =	vmov s0;
	v4 =	vor.u32 v1, v46  }
0xdc: {  	v6 =	vand.u32 $0x7B, v48  }
0xdd: {  	v6 =	vbroadcast v6, $0x0;
	[sflag:s8] =	ssyncset.done $0x0  }
0xde: {  	s21 =	simm.s32 $0xB280;
	[sflag:s8] =	ssyncadd.s32 $0xFFFFF000  }
0xdf: {  	v49 =	vor.u32 v0, v6;
	v5 =	vld.idx.msk [tilespmem:v47+s21+$0x0], $0xffff  }
0xe0: {  	v6 =	vor.u32 v1, v6;
	v4 =	vld.idx.msk [tilespmem:v4+s21+$0x0], $0xffff;
	_ =	sdelay $0x3  }
0xe1: {  	[tilespmem:v49+s28+$0x0] =	vst.idx.msk $0xffff, v5;
	s20 =	spop @!p0 (v2sf)  }
0xe2: {  	s21 =	simm.s32 @!p0 $0xB280;
	[tilespmem:v6+s28+$0x0] =	vst.idx.msk $0xffff, v4;
	s20 =	sadd.s32 @!p0 s1, s20  }
0xe3: {  	[tilespmem:s21], [sflag:$0xC] =	stream.strided.gather @!p0 [hbm4b:s20+s17], $0x1000, s19, s17, $0x38;
	[tilespmem:$0x11280] =	vst v63  }
0xe4: {  	_ =	swait.ge [sflag:s7], $0x1000  }
0xe5: {  	(v2sf) =	vpush @!p0 v2, $0xC;
	_ =	sdelay $0x2  }
0xe6: {  	v50 =	vbroadcast v3, $0xC;
	_ =	sdelay $0x1  }
0xe7: {  	v51 =	vor.u32 v0, v50;
	s0 =	sor.u32 $0xC, s18  }
0xe8: {  	v52 =	vmov s0;
	v4 =	vor.u32 v1, v50  }
0xe9: {  	v6 =	vand.u32 $0x7C, v52  }
0xea: {  	v6 =	vbroadcast v6, $0x0;
	[sflag:s7] =	ssyncset.done $0x0  }
0xeb: {  	s21 =	simm.s32 $0xC280;
	[sflag:s7] =	ssyncadd.s32 $0xFFFFF000  }
0xec: {  	v53 =	vor.u32 v0, v6;
	v5 =	vld.idx.msk [tilespmem:v51+s21+$0x0], $0xffff  }
0xed: {  	v6 =	vor.u32 v1, v6;
	v4 =	vld.idx.msk [tilespmem:v4+s21+$0x0], $0xffff;
	_ =	sdelay $0x3  }
0xee: {  	[tilespmem:v53+s28+$0x0] =	vst.idx.msk $0xffff, v5;
	s20 =	spop @!p0 (v2sf)  }
0xef: {  	s21 =	simm.s32 @!p0 $0xC280;
	[tilespmem:v6+s28+$0x0] =	vst.idx.msk $0xffff, v4;
	s20 =	sadd.s32 @!p0 s1, s20  }
0xf0: {  	[tilespmem:s21], [sflag:$0xD] =	stream.strided.gather @!p0 [hbm4b:s20+s17], $0x1000, s19, s17, $0x38;
	[tilespmem:$0x11280] =	vst v63  }
0xf1: {  	_ =	swait.ge [sflag:s10], $0x1000  }
0xf2: {  	(v2sf) =	vpush @!p0 v2, $0xD;
	_ =	sdelay $0x2  }
0xf3: {  	v54 =	vbroadcast v3, $0xD;
	_ =	sdelay $0x1  }
0xf4: {  	v55 =	vor.u32 v0, v54;
	s0 =	sor.u32 $0xD, s18  }
0xf5: {  	v56 =	vmov s0;
	v4 =	vor.u32 v1, v54  }
0xf6: {  	v6 =	vand.u32 $0x7D, v56  }
0xf7: {  	v6 =	vbroadcast v6, $0x0;
	[sflag:s10] =	ssyncset.done $0x0  }
0xf8: {  	s21 =	simm.s32 $0xD280;
	[sflag:s10] =	ssyncadd.s32 $0xFFFFF000  }
0xf9: {  	v57 =	vor.u32 v0, v6;
	v5 =	vld.idx.msk [tilespmem:v55+s21+$0x0], $0xffff  }
0xfa: {  	v6 =	vor.u32 v1, v6;
	v4 =	vld.idx.msk [tilespmem:v4+s21+$0x0], $0xffff;
	_ =	sdelay $0x3  }
0xfb: {  	[tilespmem:v57+s28+$0x0] =	vst.idx.msk $0xffff, v5;
	s20 =	spop @!p0 (v2sf)  }
0xfc: {  	s21 =	simm.s32 @!p0 $0xD280;
	[tilespmem:v6+s28+$0x0] =	vst.idx.msk $0xffff, v4;
	s20 =	sadd.s32 @!p0 s1, s20  }
0xfd: {  	[tilespmem:s21], [sflag:$0xE] =	stream.strided.gather @!p0 [hbm4b:s20+s17], $0x1000, s19, s17, $0x38;
	[tilespmem:$0x11280] =	vst v63  }
0xfe: {  	_ =	swait.ge [sflag:s11], $0x1000  }
0xff: {  	(v2sf) =	vpush @!p0 v2, $0xE;
	_ =	sdelay $0x2  }
0x100: {  	v58 =	vbroadcast v3, $0xE;
	_ =	sdelay $0x1  }
0x101: {  	v59 =	vor.u32 v0, v58;
	s0 =	sor.u32 $0xE, s18  }
0x102: {  	v60 =	vmov s0;
	v4 =	vor.u32 v1, v58  }
0x103: {  	v6 =	vand.u32 $0x7E, v60  }
0x104: {  	v6 =	vbroadcast v6, $0x0;
	[sflag:s11] =	ssyncset.done $0x0  }
0x105: {  	s21 =	simm.s32 $0xE280;
	[sflag:s11] =	ssyncadd.s32 $0xFFFFF000  }
0x106: {  	v61 =	vor.u32 v0, v6;
	v5 =	vld.idx.msk [tilespmem:v59+s21+$0x0], $0xffff  }
0x107: {  	v6 =	vor.u32 v1, v6;
	v4 =	vld.idx.msk [tilespmem:v4+s21+$0x0], $0xffff;
	_ =	sdelay $0x3  }
0x108: {  	[tilespmem:v61+s28+$0x0] =	vst.idx.msk $0xffff, v5;
	s20 =	spop @!p0 (v2sf)  }
0x109: {  	s21 =	simm.s32 @!p0 $0xE280;
	[tilespmem:v6+s28+$0x0] =	vst.idx.msk $0xffff, v4;
	s20 =	sadd.s32 @!p0 s1, s20  }
0x10a: {  	[tilespmem:s21], [sflag:$0xF] =	stream.strided.gather @!p0 [hbm4b:s20+s17], $0x1000, s19, s17, $0x38;
	[tilespmem:$0x11280] =	vst v63  }
0x10b: {  	_ =	swait.ge [sflag:s12], $0x1000  }
0x10c: {  	(v2sf) =	vpush @!p0 v2, $0xF;
	_ =	sdelay $0x2  }
0x10d: {  	v2 =	vbroadcast v3, $0xF;
	_ =	sdelay $0x1  }
0x10e: {  	v3 =	vor.u32 v0, v2  }
0x10f: {  	v2 =	vor.u32 v1, v2;
	_ =	sdelay $0x1  }
0x110: {  	[sflag:s12] =	ssyncset.done $0x0  }
0x111: {  	s18 =	sor.u32 $0xF, s18;
	s20 =	simm.s32 $0xF280;
	[sflag:s12] =	ssyncadd.s32 $0xFFFFF000  }
0x112: {  	v62 =	vor.u32 s18, v0;
	v3 =	vld.idx.msk [tilespmem:v3+s20+$0x0], $0xffff  }
0x113: {  	v63 =	vor.u32 s18, v1;
	v2 =	vld.idx.msk [tilespmem:v2+s20+$0x0], $0xffff;
	_ =	sdelay $0x3  }
0x114: {  	[tilespmem:v62+s28+$0x0] =	vst.idx.msk $0xffff, v3;
	s18 =	spop @!p0 (v2sf)  }
0x115: {  	p1 =	sne.s32 @!p0 s16, $0x7;
	s20 =	simm.s32 @!p0 $0xF280;
	[tilespmem:v63+s28+$0x0] =	vst.idx.msk $0xffff, v2;
	s18 =	sadd.s32 @!p0 s1, s18  }
0x116: {  	[tilespmem:s20], [sflag:$0x10] =	stream.strided.gather @!p0 [hbm4b:s18+s17], $0x1000, s19, s17, $0x38;
	[tilespmem:$0x11280] =	vst v63  }
0x117: {  	p0 =	por p0, !p1  }
0x118: {  	s16 =	sand.u32 @p0 $0x180, s13;
	s17 =	rddreg @p0 [dreg:$0x5]  }
0x119: {  	s18 =	simm.s32 @p0 $0x20000;
	s16 =	sadd.s32 @p0 s16, s17;
	s17 =	simm.s32 @p0 $0x400  }
0x11a: {  	[hbm4b:s16+s17] =	stream.strided.scatter @p0 [tilespmem:s28], [sflag:$0x11], $0x1000, s18, s17, $0x38;
	[tilespmem:$0x11280] =	vst v63  }
0x11b: {  	s16 =	simm.s32 @p0 $0x11  }
0x11c: {  	_ =	swait.ge @p0 [sflag:s16], $0x1000  }
0x11d: {  	s13 =	sadd.s32 $0x10, s13;
	[sflag:s16] =	ssyncset.done @p0 $0x0  }
0x11e: {  	[sflag:s16] =	ssyncadd.s32 @p0 $0xFFFFF000;
	p0 =	sne.s32 s13, $0x390  }
.Ltmp0:
0x11f: {  	_ = 	snop;
	(pc) =	sbr.rel @p0 .LBB2_2-.Ltmp0, $4  }
0x120: {  	s29 =	simm.s32 $0xB280;
	s30 =	simm.s32 $0xC280;
	s31 =	simm.s32 $0xD280  }
0x121: {  	s14 =	sadd.s32 $0x10, s14;
	s15 =	sadd.s32 $0x1, s15;
	s22 =	simm.s32 $0x8280  }
0x122: {  	s25 =	simm.s32 $0x7280;
	s0 =	simm.s32 $0xE280;
	s24 =	simm.s32 $0x6280  }
0x123: {  	s23 =	simm.s32 $0x9280;
	s26 =	simm.s32 $0xA280;
	s21 =	simm.s32 $0xF280  }
0x124: {  	s14 =	rddreg [dreg:$0x7]  }
0x125: {  	s13 =	rddreg [dreg:$0x6];
	s14 =	sadd.s32 $0x1, s14  }
0x126: {  	p0 =	sne.s32 s14, s13  }
.Ltmp1:
0x127: {  	_ = 	snop;
	(pc) =	sbr.rel @p0 .LBB2_1-.Ltmp1, $1  }
0x128: {  	_ =	sdelay $0x3  }
0x129: {  	_ =	sfence.sel $0x180000  }
0x12a: {  	[bflag:$0x0] =	sbarrier.arrive $0xFFFF  }
0x12b: {  	_ =	strace $0x90000047  }
0x12c: {  	s0 =	stileid.u32;
	[bflag:$0x2] =	sbarrier.arrive $0xFFFF  }
0x12d: {  	p0 =	sne.s32 s0, $0x0;
	s0 =	rddreg [dreg:$0x3]  }
0x12e: {  	s0 =	sadd.s32 @!p0 $0x100000, s0  }
0x12f: {  	[sflag:s0] =	ssyncadd.tile.s32 @!p0 $0x1;
	_ =	shalt  }
.Lfunc_end2:
_tile_overlayer_lowered:
.L_overlay_start_2:
0x130: {  	(tag) =	ssettag $0x2  }
0x131: {  	s0 =	rddreg [dreg:$0x0];
	s2 =	stileid.u32  }
0x132: {  	s1 =	rddreg [dreg:$0x1];
	p0 =	sne.s32 s2, $0x0  }
0x133: {  	s3 =	rddreg [dreg:$0x2];
	[bflag:$0x3] =	sbarrier.arrive $0xFFFF;
	s2 =	simm.s32 @!p0 $0x1C11  }
0x134: {  	[timem:s3], [sflag:s2] =	dma.local @!p0 [hbm:s0], s1  }
0x135: {  	s0 =	simm.s32 @!p0 $0x11  }
0x136: {  	_ =	swait.ge @!p0 [sflag:s0], s1  }
0x137: {  	s1 =	ssub.s32 @!p0 $0x0, s1;
	[sflag:s0] =	ssyncset.done @!p0 $0x0  }
0x138: {  	[sflag:s0] =	ssyncadd.s32 @!p0 s1  }
0x139: {  	[bflag:$0x3] =	sbarrier.arrive $0xFFFF  }
0x13a: {  	_ =	shalt  }

</sc_bundles>
